<compile_context>
chip_gen: v7x
topology: tpu7x:2x2x1
jax: 0.10.2.dev20260603
libtpu: 0.0.44.dev20260713+nightly
codegen_flags: <defaults>
</compile_context>

<pallas_src>
import functools

import jax
import jax.numpy as jnp
from jax import lax
from jax.experimental import pallas as pl
from jax.experimental.pallas import tpu as pltpu
from jax.experimental.pallas import tpu_sc as plsc

N = 10000
E = 320000
G = 64
LATENT = 128
MAX_LV = 3

NC = 2
NS = 16
NW = NC * NS
CH = 128
K = 79
E_PAD = NW * K * CH
TOTC = E_PAD // CH
K0 = 79
K1 = 79
NP = 10112
RPS = NP // NS

NBUF = 2

_mesh = plsc.VectorSubcoreMesh(core_axis_name="c", subcore_axis_name="s")



def _edge_pool_body(ef_hbm, dst_hbm, z_hbm, out_hbm, dstv, rows, acc, sem):
    c = lax.axis_index("c")
    s = lax.axis_index("s")
    w = c * NS + s
    pltpu.sync_copy(z_hbm, acc.at[pl.ds(s * RPS, RPS)])
    plsc.subcore_barrier()

    def fetch(j, b):
        base = (w * K + j) * CH
        pltpu.sync_copy(dst_hbm.at[w * K + j], dstv.at[b])
        pltpu.async_copy(ef_hbm.at[pl.ds(base, CH)], rows.at[b], sem.at[b])

    fetch(0, 0)

    @pl.loop(0, K)
    def _chunk(j):
        b = lax.rem(j, 2)

        @pl.when(j + 1 < K)
        def _():
            fetch(j + 1, 1 - b)

        base = (w * K + j) * CH
        pltpu.make_async_copy(ef_hbm.at[pl.ds(base, CH)], rows.at[b],
                              sem.at[b]).wait()
        pltpu.sync_copy(rows.at[b], acc.at[dstv.at[b]], add=True)

    plsc.subcore_barrier()
    pltpu.sync_copy(acc.at[pl.ds(s * RPS, RPS)],
                    out_hbm.at[c, pl.ds(s * RPS, RPS)])


@functools.partial(
    pl.kernel,
    out_type=jax.ShapeDtypeStruct((NC, NP, LATENT), jnp.float32),
    mesh=_mesh,
    scratch_types=[
        pltpu.VMEM((2, CH), jnp.int32),
        pltpu.VMEM((2, CH, LATENT), jnp.float32),
        pltpu.VMEM_SHARED((NP, LATENT), jnp.float32),
        pltpu.SemaphoreType.DMA((2,)),
    ],
)
def _edge_pool(ef_hbm, dst_hbm, z_hbm, out_hbm, dstv, rows, acc, sem):
    _edge_pool_body(ef_hbm, dst_hbm, z_hbm, out_hbm, dstv, rows, acc, sem)


def _spmm_body(t_hbm, src_hbm, dst_hbm, z_hbm, out_hbm,
               srcv, dstv, rows, acc, sem):
    c = lax.axis_index("c")
    s = lax.axis_index("s")
    pltpu.sync_copy(z_hbm, acc.at[pl.ds(s * RPS, RPS)])
    plsc.subcore_barrier()

    kc = jnp.where(c == 0, K0, K1)
    base = jnp.where(c == 0, s * K0, NS * K0 + s * K1)

    def fetch(j, b):
        g = base + j
        pltpu.sync_copy(src_hbm.at[g], srcv.at[b])
        pltpu.sync_copy(dst_hbm.at[g], dstv.at[b])
        pltpu.async_copy(t_hbm.at[srcv.at[b]], rows.at[b], sem.at[b])

    for b0 in range(NBUF):
        fetch(b0, b0)

    @pl.loop(0, K0)
    def _chunk(j):
        @pl.when(j < kc)
        def _():
            b = lax.rem(j, NBUF)

            pltpu.make_async_copy(t_hbm.at[srcv.at[b]], rows.at[b],
                                  sem.at[b]).wait()
            pltpu.sync_copy(rows.at[b], acc.at[dstv.at[b]], add=True)

            @pl.when(j + NBUF < kc)
            def _():
                fetch(j + NBUF, b)

    plsc.subcore_barrier()
    pltpu.sync_copy(acc.at[pl.ds(s * RPS, RPS)],
                    out_hbm.at[c, pl.ds(s * RPS, RPS)])


@functools.partial(
    pl.kernel,
    out_type=jax.ShapeDtypeStruct((NC, NP, LATENT), jnp.float32),
    mesh=_mesh,
    scratch_types=[
        pltpu.VMEM((NBUF, CH), jnp.int32),
        pltpu.VMEM((NBUF, CH), jnp.int32),
        pltpu.VMEM((NBUF, CH, LATENT), jnp.float32),
        pltpu.VMEM_SHARED((NP, LATENT), jnp.float32),
        pltpu.SemaphoreType.DMA((NBUF,)),
    ],
)
def _spmm(t_hbm, src_hbm, dst_hbm, z_hbm, out_hbm, srcv, dstv, rows, acc, sem):
    _spmm_body(t_hbm, src_hbm, dst_hbm, z_hbm, out_hbm,
               srcv, dstv, rows, acc, sem)



BLK = 1000
NB = N // BLK


def _edge_linear_kernel(efT, We, be, q_out):
    q_out[...] = lax.dot_general(
        efT[...], We[...], (((0,), (0,)), ((), ())),
        preferred_element_type=jnp.float32) + be[...]


EBLK = 3200
NEB = E // EBLK


def _run_edge_linear(efT, We, be1):
    return pl.pallas_call(
        _edge_linear_kernel,
        grid=(NEB,),
        in_specs=[pl.BlockSpec((16, EBLK), lambda i: (0, i)),
                  _const_spec((16, LATENT)), _const_spec((1, LATENT))],
        out_specs=pl.BlockSpec((EBLK, LATENT), lambda i: (i, 0)),
        out_shape=jax.ShapeDtypeStruct((E_PAD, LATENT), jnp.float32),
    )(efT, We, be1)


def _msg_kernel(nf, Wn, bn, ef0, ef1, bc, Wc, t0_out, m_out):
    msg = (jnp.dot(nf[...], Wn[...], preferred_element_type=jnp.float32)
           + bn[...] + ef0[...][0] + ef1[...][0])
    m_out[...] = msg + bc[...]
    t0_out[...] = jnp.dot(jax.nn.relu(msg), Wc[...],
                          preferred_element_type=jnp.float32)


def _iter_kernel(p0, p1, m, Wc, t_out):
    cur = jax.nn.relu(p0[...][0] + p1[...][0] + m[...])
    t_out[...] = jnp.dot(cur, Wc[...], preferred_element_type=jnp.float32)


def _final_kernel(p0, p1, m, Wo, bo, gids, y_out):
    i = pl.program_id(0)
    cur = jax.nn.relu(p0[...][0] + p1[...][0] + m[...])
    a = jax.nn.relu(jnp.dot(cur, Wo[...], preferred_element_type=jnp.float32)
                    + bo[...])
    gid = gids[0, 0, :].reshape(1, BLK)
    oh = (lax.broadcasted_iota(jnp.int32, (G, BLK), 0) == gid
          ).astype(jnp.float32)
    y = jnp.dot(oh, a, preferred_element_type=jnp.float32)

    @pl.when(i == 0)
    def _():
        y_out[...] = jnp.zeros_like(y_out)

    acc = y_out[...] + y
    y_out[...] = jnp.where(i == NB - 1, jax.nn.relu(acc), acc)


def _row_spec(cols):
    return pl.BlockSpec((BLK, cols), lambda i: (i, 0))


def _part_spec(core):
    return pl.BlockSpec((1, BLK, LATENT), lambda i, core=core: (core, i, 0))


def _const_spec(shape):
    nd = len(shape)
    return pl.BlockSpec(shape, lambda i: (0,) * nd)


def _run_msg(nf, Wn, bn, ef_part, bc, Wc):
    return pl.pallas_call(
        _msg_kernel,
        grid=(NB,),
        in_specs=[
            _row_spec(LATENT), _const_spec((LATENT, LATENT)),
            _const_spec((1, LATENT)),
            _part_spec(0), _part_spec(1),
            _const_spec((1, LATENT)), _const_spec((LATENT, LATENT)),
        ],
        out_specs=[_row_spec(LATENT), _row_spec(LATENT)],
        out_shape=[jax.ShapeDtypeStruct((N, LATENT), jnp.float32),
                   jax.ShapeDtypeStruct((N, LATENT), jnp.float32)],
    )(nf, Wn, bn, ef_part, ef_part, bc, Wc)


def _run_iter(p_part, m, Wc):
    return pl.pallas_call(
        _iter_kernel,
        grid=(NB,),
        in_specs=[_part_spec(0), _part_spec(1), _row_spec(LATENT),
                  _const_spec((LATENT, LATENT))],
        out_specs=_row_spec(LATENT),
        out_shape=jax.ShapeDtypeStruct((N, LATENT), jnp.float32),
    )(p_part, p_part, m, Wc)


def _run_final(p_part, m, Wo, bo, gids3):
    return pl.pallas_call(
        _final_kernel,
        grid=(NB,),
        in_specs=[_part_spec(0), _part_spec(1), _row_spec(LATENT),
                  _const_spec((LATENT, LATENT)), _const_spec((1, LATENT)),
                  pl.BlockSpec((1, 1, BLK), lambda i: (i, 0, 0))],
        out_specs=_const_spec((G, LATENT)),
        out_shape=jax.ShapeDtypeStruct((G, LATENT), jnp.float32),
        compiler_params=pltpu.CompilerParams(
            dimension_semantics=("arbitrary",)),
    )(p_part, p_part, m, Wo, bo, gids3)



def kernel(node_feat, edge_feat, edge_index, graph_ids,
           Wn, bn, We, be, Wc, bc, Wo, bo):
    src = edge_index[0]
    dst = edge_index[1]
    pad = E_PAD - E

    src_p = jnp.concatenate([src, jnp.arange(pad, dtype=jnp.int32)]
                            ).reshape(TOTC, CH)
    dst_p = jnp.concatenate([dst, jnp.full((pad,), N, jnp.int32)]
                            ).reshape(TOTC, CH)

    z128 = jnp.zeros((RPS, LATENT), jnp.float32)

    bn1 = bn.reshape(1, LATENT)
    be1 = be.reshape(1, LATENT)
    bc1 = bc.reshape(1, LATENT)
    bo1 = bo.reshape(1, LATENT)
    gids3 = graph_ids.reshape(NB, 1, BLK)

    q = _run_edge_linear(edge_feat.T, We, be1)
    ef_part = _edge_pool(q, dst_p, z128)
    t, m = _run_msg(node_feat, Wn, bn1, ef_part, bc1, Wc)
    for lv in range(MAX_LV):
        p_part = _spmm(t, src_p, dst_p, z128)
        if lv < MAX_LV - 1:
            t = _run_iter(p_part, m, Wc)
    return _run_final(p_part, m, Wo, bo1, gids3)

# --- scband reference (transcript-rebuilt; emitter-appended) ---
"""Pipeline reference for scband-embed-mean-field-70806830842643 (READ-ONLY COPY).

The authoritative reference and input builder live on the scoring server;
editing this copy changes nothing except your own understanding.
"""

import jax, jax.numpy as jnp
import numpy as np

N = 10000
E = 320000
D_NODE = 128
D_EDGE = 16
LATENT = 128
OUT = 128
G = 64
MAX_LV = 3


def setup_inputs(seed: int = 0) -> dict:
    key = jax.random.key(seed)
    ks = jax.random.split(key, 12)
    node_feat = jax.random.normal(ks[0], (N, D_NODE), dtype=jnp.float32)
    edge_feat = jax.random.normal(ks[1], (E, D_EDGE), dtype=jnp.float32)
    edge_index = jax.random.randint(ks[2], (2, E), 0, N, dtype=jnp.int32)
    graph_ids = jnp.sort(jax.random.randint(ks[3], (N,), 0, G, dtype=jnp.int32))
    s = 0.05
    Wn = jax.random.normal(ks[4], (D_NODE, LATENT), dtype=jnp.float32) * s
    bn = jax.random.normal(ks[5], (LATENT,), dtype=jnp.float32) * s
    We = jax.random.normal(ks[6], (D_EDGE, LATENT), dtype=jnp.float32) * s
    be = jax.random.normal(ks[7], (LATENT,), dtype=jnp.float32) * s
    Wc = jax.random.normal(ks[8], (LATENT, LATENT), dtype=jnp.float32) * s
    bc = jax.random.normal(ks[9], (LATENT,), dtype=jnp.float32) * s
    Wo = jax.random.normal(ks[10], (LATENT, OUT), dtype=jnp.float32) * s
    bo = jax.random.normal(ks[11], (OUT,), dtype=jnp.float32) * s
    return {
        'node_feat': node_feat,
        'edge_feat': edge_feat,
        'edge_index': edge_index,
        'graph_ids': graph_ids,
        'Wn': Wn, 'bn': bn,
        'We': We, 'be': be,
        'Wc': Wc, 'bc': bc,
        'Wo': Wo, 'bo': bo,
    }


def reference(node_feat, edge_feat, edge_index, graph_ids, Wn, bn, We, be, Wc, bc, Wo, bo):
    src = edge_index[0]
    dst = edge_index[1]
    # w_n2l(node_feat)
    input_node_linear = node_feat @ Wn + bn
    # w_e2l(edge_feat), then e2n_sp spmm == scatter-add edge messages to dst nodes
    input_edge_linear = edge_feat @ We + be
    e2npool = jax.ops.segment_sum(input_edge_linear, dst, num_segments=N)
    input_message = input_node_linear + e2npool
    cur = jax.nn.relu(input_message)
    # mean-field iterations: n2n_sp spmm == gather from src, scatter-add to dst
    for _ in range(MAX_LV):
        n2npool = jax.ops.segment_sum(cur[src], dst, num_segments=N)
        node_linear = n2npool @ Wc + bc
        cur = jax.nn.relu(node_linear + input_message)
    # output projection
    reluact = jax.nn.relu(cur @ Wo + bo)
    # subg_sp spmm == segment-sum nodes into per-graph embeddings
    y_potential = jax.ops.segment_sum(reluact, graph_ids, num_segments=G)
    return jax.nn.relu(y_potential)

if __name__ == "__main__":
    import jax
    _d = setup_inputs()
    print(jax.jit(kernel)(*tuple(_d.values())))

</pallas_src>

<mosaic_0001>
#map = affine_map<(d0, d1) -> (0, 0)>
#map1 = affine_map<(d0, d1) -> (0, 0, 0)>
module attributes {stable_mosaic.version = 14 : i64} {
  func.func @_spmm(%arg0: i32, %arg1: i32, %arg2: memref<10000x128xf32, #tpu.memory_space<hbm>>, %arg3: memref<2528x128xi32, #tpu.memory_space<hbm>>, %arg4: memref<2528x128xi32, #tpu.memory_space<hbm>>, %arg5: memref<632x128xf32, #tpu.memory_space<hbm>>, %arg6: memref<2x10112x128xf32, #tpu.memory_space<hbm>>, %arg7: memref<2x128xi32, #tpu.memory_space<vmem>>, %arg8: memref<2x128xi32, #tpu.memory_space<vmem>>, %arg9: memref<2x128x128xf32, #tpu.memory_space<vmem>>, %arg10: memref<10112x128xf32, #tpu.memory_space<vmem_shared>>, %arg11: memref<2x!tpu.dma_semaphore, #tpu.memory_space<semaphore_mem>>) attributes {dimension_semantics = [#tpu.dimension_semantics<core_parallel>, #tpu.dimension_semantics<subcore_parallel>], iteration_bounds = array<i64: 2, 16>, scalar_prefetch = 0 : i64, scratch_operands = 5 : i64, tpu.core_type = #tpu.core_type<sc_vector_subcore>, window_params = [{transform_indices = #map}, {transform_indices = #map}, {transform_indices = #map}, {transform_indices = #map}, {transform_indices = #map1}]} {
    %mul3A = arith.constant 632 : i32
    %mul3A_0 = arith.muli %arg1, %mul3A : i32
    "tpu.region"() ({
      %run_scoped3A_56 = tpu.sem_alloc : memref<!tpu.dma_semaphore, #tpu.memory_space<semaphore_mem>>
      %dma_start3A_57 = arith.constant 0 : i32
      %dma_start3A_58 = tpu.memref_slice %arg10[%mul3A_0, %dma_start3A_57] : memref<10112x128xf32, #tpu.memory_space<vmem_shared>> -> memref<632x128xf32, #tpu.memory_space<vmem_shared>>
      tpu.enqueue_dma source(%arg5 : memref<632x128xf32, #tpu.memory_space<hbm>>) target(%dma_start3A_58 : memref<632x128xf32, #tpu.memory_space<vmem_shared>>) target_semaphore(%run_scoped3A_56 : memref<!tpu.dma_semaphore, #tpu.memory_space<semaphore_mem>>)
      %dma_wait3A = arith.constant 0 : i32
      %dma_wait3A_59 = tpu.memref_slice %arg10[%mul3A_0, %dma_wait3A] : memref<10112x128xf32, #tpu.memory_space<vmem_shared>> -> memref<632x128xf32, #tpu.memory_space<vmem_shared>>
      tpu.wait_dma2 semaphore(%run_scoped3A_56 : memref<!tpu.dma_semaphore, #tpu.memory_space<semaphore_mem>>) src(%arg5 : memref<632x128xf32, #tpu.memory_space<hbm>>) dst(%dma_wait3A_59 : memref<632x128xf32, #tpu.memory_space<vmem_shared>>)
      tpu.yield
    }) : () -> ()
    %barrier3A = arith.constant 0 : index
    tpu.barrier barrier_id(%barrier3A)
    %eq3A = arith.constant 0 : i32
    %eq3A_1 = arith.cmpi eq, %arg0, %eq3A : i32
    %jit3A = arith.constant 79 : i32
    %jit3A_2 = arith.constant 79 : i32
    %select_n3A = arith.select %eq3A_1, %jit3A, %jit3A_2 : i32
    %eq3A_3 = arith.constant 0 : i32
    %eq3A_4 = arith.cmpi eq, %arg0, %eq3A_3 : i32
    %mul3A_5 = arith.constant 79 : i32
    %mul3A_6 = arith.muli %arg1, %mul3A_5 : i32
    %mul3A_7 = arith.constant 79 : i32
    %mul3A_8 = arith.muli %arg1, %mul3A_7 : i32
    %add3A = arith.constant 1264 : i32
    %add3A_9 = arith.addi %add3A, %mul3A_8 : i32
    %select_n3A_10 = arith.select %eq3A_4, %mul3A_6, %add3A_9 : i32
    %add3A_11 = arith.constant 0 : i32
    %add3A_12 = arith.addi %select_n3A_10, %add3A_11 : i32
    %run_scoped3A = arith.constant 0 : i32
    "tpu.region"() ({
      %run_scoped3A_56 = tpu.sem_alloc : memref<!tpu.dma_semaphore, #tpu.memory_space<semaphore_mem>>
      %dma_start3A_57 = arith.constant 0 : i32
      %dma_start3A_58 = tpu.memref_slice %arg7[%run_scoped3A, %dma_start3A_57] : memref<2x128xi32, #tpu.memory_space<vmem>> -> memref<1x128xi32, #tpu.memory_space<vmem>>
      %dma_start3A_59 = tpu.memref_squeeze %dma_start3A_58 : memref<1x128xi32, #tpu.memory_space<vmem>> -> memref<128xi32, #tpu.memory_space<vmem>>
      %dma_start3A_60 = arith.constant 0 : i32
      %dma_start3A_61 = tpu.memref_slice %arg3[%add3A_12, %dma_start3A_60] : memref<2528x128xi32, #tpu.memory_space<hbm>> -> memref<1x128xi32, #tpu.memory_space<hbm>>
      %dma_start3A_62 = tpu.memref_squeeze %dma_start3A_61 : memref<1x128xi32, #tpu.memory_space<hbm>> -> memref<128xi32, #tpu.memory_space<hbm>>
      %dma_start3A_63 = arith.constant 0 : i32
      %dma_start3A_64 = tpu.memref_slice %arg7[%run_scoped3A, %dma_start3A_63] : memref<2x128xi32, #tpu.memory_space<vmem>> -> memref<1x128xi32, #tpu.memory_space<vmem>>
      %dma_start3A_65 = tpu.memref_squeeze %dma_start3A_64 : memref<1x128xi32, #tpu.memory_space<vmem>> -> memref<128xi32, #tpu.memory_space<vmem>>
      %dma_start3A_66 = arith.constant 0 : i32
      %dma_start3A_67 = tpu.memref_slice %arg3[%add3A_12, %dma_start3A_66] : memref<2528x128xi32, #tpu.memory_space<hbm>> -> memref<1x128xi32, #tpu.memory_space<hbm>>
      %dma_start3A_68 = tpu.memref_squeeze %dma_start3A_67 : memref<1x128xi32, #tpu.memory_space<hbm>> -> memref<128xi32, #tpu.memory_space<hbm>>
      tpu.enqueue_dma source(%dma_start3A_68 : memref<128xi32, #tpu.memory_space<hbm>>) target(%dma_start3A_65 : memref<128xi32, #tpu.memory_space<vmem>>) target_semaphore(%run_scoped3A_56 : memref<!tpu.dma_semaphore, #tpu.memory_space<semaphore_mem>>)
      %dma_wait3A = arith.constant 0 : i32
      %dma_wait3A_69 = tpu.memref_slice %arg7[%run_scoped3A, %dma_wait3A] : memref<2x128xi32, #tpu.memory_space<vmem>> -> memref<1x128xi32, #tpu.memory_space<vmem>>
      %dma_wait3A_70 = tpu.memref_squeeze %dma_wait3A_69 : memref<1x128xi32, #tpu.memory_space<vmem>> -> memref<128xi32, #tpu.memory_space<vmem>>
      %dma_wait3A_71 = arith.constant 0 : i32
      %dma_wait3A_72 = tpu.memref_slice %arg3[%add3A_12, %dma_wait3A_71] : memref<2528x128xi32, #tpu.memory_space<hbm>> -> memref<1x128xi32, #tpu.memory_space<hbm>>
      %dma_wait3A_73 = tpu.memref_squeeze %dma_wait3A_72 : memref<1x128xi32, #tpu.memory_space<hbm>> -> memref<128xi32, #tpu.memory_space<hbm>>
      %dma_wait3A_74 = arith.constant 0 : i32
      %dma_wait3A_75 = tpu.memref_slice %arg7[%run_scoped3A, %dma_wait3A_74] : memref<2x128xi32, #tpu.memory_space<vmem>> -> memref<1x128xi32, #tpu.memory_space<vmem>>
      %dma_wait3A_76 = tpu.memref_squeeze %dma_wait3A_75 : memref<1x128xi32, #tpu.memory_space<vmem>> -> memref<128xi32, #tpu.memory_space<vmem>>
      %dma_wait3A_77 = arith.constant 0 : i32
      %dma_wait3A_78 = tpu.memref_slice %arg3[%add3A_12, %dma_wait3A_77] : memref<2528x128xi32, #tpu.memory_space<hbm>> -> memref<1x128xi32, #tpu.memory_space<hbm>>
      %dma_wait3A_79 = tpu.memref_squeeze %dma_wait3A_78 : memref<1x128xi32, #tpu.memory_space<hbm>> -> memref<128xi32, #tpu.memory_space<hbm>>
      tpu.wait_dma2 semaphore(%run_scoped3A_56 : memref<!tpu.dma_semaphore, #tpu.memory_space<semaphore_mem>>) src(%dma_wait3A_79 : memref<128xi32, #tpu.memory_space<hbm>>) dst(%dma_wait3A_76 : memref<128xi32, #tpu.memory_space<vmem>>)
      tpu.yield
    }) : () -> ()
    %run_scoped3A_13 = arith.constant 0 : i32
    "tpu.region"() ({
      %run_scoped3A_56 = tpu.sem_alloc : memref<!tpu.dma_semaphore, #tpu.memory_space<semaphore_mem>>
      %dma_start3A_57 = arith.constant 0 : i32
      %dma_start3A_58 = tpu.memref_slice %arg8[%run_scoped3A_13, %dma_start3A_57] : memref<2x128xi32, #tpu.memory_space<vmem>> -> memref<1x128xi32, #tpu.memory_space<vmem>>
      %dma_start3A_59 = tpu.memref_squeeze %dma_start3A_58 : memref<1x128xi32, #tpu.memory_space<vmem>> -> memref<128xi32, #tpu.memory_space<vmem>>
      %dma_start3A_60 = arith.constant 0 : i32
      %dma_start3A_61 = tpu.memref_slice %arg4[%add3A_12, %dma_start3A_60] : memref<2528x128xi32, #tpu.memory_space<hbm>> -> memref<1x128xi32, #tpu.memory_space<hbm>>
      %dma_start3A_62 = tpu.memref_squeeze %dma_start3A_61 : memref<1x128xi32, #tpu.memory_space<hbm>> -> memref<128xi32, #tpu.memory_space<hbm>>
      %dma_start3A_63 = arith.constant 0 : i32
      %dma_start3A_64 = tpu.memref_slice %arg8[%run_scoped3A_13, %dma_start3A_63] : memref<2x128xi32, #tpu.memory_space<vmem>> -> memref<1x128xi32, #tpu.memory_space<vmem>>
      %dma_start3A_65 = tpu.memref_squeeze %dma_start3A_64 : memref<1x128xi32, #tpu.memory_space<vmem>> -> memref<128xi32, #tpu.memory_space<vmem>>
      %dma_start3A_66 = arith.constant 0 : i32
      %dma_start3A_67 = tpu.memref_slice %arg4[%add3A_12, %dma_start3A_66] : memref<2528x128xi32, #tpu.memory_space<hbm>> -> memref<1x128xi32, #tpu.memory_space<hbm>>
      %dma_start3A_68 = tpu.memref_squeeze %dma_start3A_67 : memref<1x128xi32, #tpu.memory_space<hbm>> -> memref<128xi32, #tpu.memory_space<hbm>>
      tpu.enqueue_dma source(%dma_start3A_68 : memref<128xi32, #tpu.memory_space<hbm>>) target(%dma_start3A_65 : memref<128xi32, #tpu.memory_space<vmem>>) target_semaphore(%run_scoped3A_56 : memref<!tpu.dma_semaphore, #tpu.memory_space<semaphore_mem>>)
      %dma_wait3A = arith.constant 0 : i32
      %dma_wait3A_69 = tpu.memref_slice %arg8[%run_scoped3A_13, %dma_wait3A] : memref<2x128xi32, #tpu.memory_space<vmem>> -> memref<1x128xi32, #tpu.memory_space<vmem>>
      %dma_wait3A_70 = tpu.memref_squeeze %dma_wait3A_69 : memref<1x128xi32, #tpu.memory_space<vmem>> -> memref<128xi32, #tpu.memory_space<vmem>>
      %dma_wait3A_71 = arith.constant 0 : i32
      %dma_wait3A_72 = tpu.memref_slice %arg4[%add3A_12, %dma_wait3A_71] : memref<2528x128xi32, #tpu.memory_space<hbm>> -> memref<1x128xi32, #tpu.memory_space<hbm>>
      %dma_wait3A_73 = tpu.memref_squeeze %dma_wait3A_72 : memref<1x128xi32, #tpu.memory_space<hbm>> -> memref<128xi32, #tpu.memory_space<hbm>>
      %dma_wait3A_74 = arith.constant 0 : i32
      %dma_wait3A_75 = tpu.memref_slice %arg8[%run_scoped3A_13, %dma_wait3A_74] : memref<2x128xi32, #tpu.memory_space<vmem>> -> memref<1x128xi32, #tpu.memory_space<vmem>>
      %dma_wait3A_76 = tpu.memref_squeeze %dma_wait3A_75 : memref<1x128xi32, #tpu.memory_space<vmem>> -> memref<128xi32, #tpu.memory_space<vmem>>
      %dma_wait3A_77 = arith.constant 0 : i32
      %dma_wait3A_78 = tpu.memref_slice %arg4[%add3A_12, %dma_wait3A_77] : memref<2528x128xi32, #tpu.memory_space<hbm>> -> memref<1x128xi32, #tpu.memory_space<hbm>>
      %dma_wait3A_79 = tpu.memref_squeeze %dma_wait3A_78 : memref<1x128xi32, #tpu.memory_space<hbm>> -> memref<128xi32, #tpu.memory_space<hbm>>
      tpu.wait_dma2 semaphore(%run_scoped3A_56 : memref<!tpu.dma_semaphore, #tpu.memory_space<semaphore_mem>>) src(%dma_wait3A_79 : memref<128xi32, #tpu.memory_space<hbm>>) dst(%dma_wait3A_76 : memref<128xi32, #tpu.memory_space<vmem>>)
      tpu.yield
    }) : () -> ()
    %dma_start3A = arith.constant 0 : i32
    %dma_start3A_14 = arith.constant 0 : i32
    %dma_start3A_15 = arith.constant 0 : i32
    %dma_start3A_16 = arith.constant 0 : i32
    %dma_start3A_17 = arith.constant 0 : i32
    %dma_start3A_18 = tpu.memref_slice %arg9[%dma_start3A_14, %dma_start3A_16, %dma_start3A_17] : memref<2x128x128xf32, #tpu.memory_space<vmem>> -> memref<1x128x128xf32, #tpu.memory_space<vmem>>
    %dma_start3A_19 = tpu.memref_squeeze %dma_start3A_18 : memref<1x128x128xf32, #tpu.memory_space<vmem>> -> memref<128x128xf32, #tpu.memory_space<vmem>>
    %dma_start3A_20 = arith.constant 0 : i32
    %dma_start3A_21 = tpu.memref_slice %arg7[%dma_start3A, %dma_start3A_20] : memref<2x128xi32, #tpu.memory_space<vmem>> -> memref<1x128xi32, #tpu.memory_space<vmem>>
    %dma_start3A_22 = tpu.memref_squeeze %dma_start3A_21 : memref<1x128xi32, #tpu.memory_space<vmem>> -> memref<128xi32, #tpu.memory_space<vmem>>
    %dma_start3A_23 = arith.constant 0 : i32
    %dma_start3A_24 = arith.constant 0 : i32
    %dma_start3A_25 = tpu.memref_slice %arg2[%dma_start3A_23, %dma_start3A_24] : memref<10000x128xf32, #tpu.memory_space<hbm>> -> memref<10000x128xf32, #tpu.memory_space<hbm>>
    %dma_start3A_26 = tpu.memref_slice %arg11[%dma_start3A_15] : memref<2x!tpu.dma_semaphore, #tpu.memory_space<semaphore_mem>> -> memref<1x!tpu.dma_semaphore, #tpu.memory_space<semaphore_mem>>
    %dma_start3A_27 = tpu.memref_squeeze %dma_start3A_26 : memref<1x!tpu.dma_semaphore, #tpu.memory_space<semaphore_mem>> -> memref<!tpu.dma_semaphore, #tpu.memory_space<semaphore_mem>>
    tpu.enqueue_indirect_dma source(%dma_start3A_25 : memref<10000x128xf32, #tpu.memory_space<hbm>>) target(%dma_start3A_19 : memref<128x128xf32, #tpu.memory_space<vmem>>) offsets(%dma_start3A_22 : memref<128xi32, #tpu.memory_space<vmem>>) semaphore(%dma_start3A_27 : memref<!tpu.dma_semaphore, #tpu.memory_space<semaphore_mem>>)
    %add3A_28 = arith.constant 1 : i32
    %add3A_29 = arith.addi %select_n3A_10, %add3A_28 : i32
    %run_scoped3A_30 = arith.constant 1 : i32
    "tpu.region"() ({
      %run_scoped3A_56 = tpu.sem_alloc : memref<!tpu.dma_semaphore, #tpu.memory_space<semaphore_mem>>
      %dma_start3A_57 = arith.constant 0 : i32
      %dma_start3A_58 = tpu.memref_slice %arg7[%run_scoped3A_30, %dma_start3A_57] : memref<2x128xi32, #tpu.memory_space<vmem>> -> memref<1x128xi32, #tpu.memory_space<vmem>>
      %dma_start3A_59 = tpu.memref_squeeze %dma_start3A_58 : memref<1x128xi32, #tpu.memory_space<vmem>> -> memref<128xi32, #tpu.memory_space<vmem>>
      %dma_start3A_60 = arith.constant 0 : i32
      %dma_start3A_61 = tpu.memref_slice %arg3[%add3A_29, %dma_start3A_60] : memref<2528x128xi32, #tpu.memory_space<hbm>> -> memref<1x128xi32, #tpu.memory_space<hbm>>
      %dma_start3A_62 = tpu.memref_squeeze %dma_start3A_61 : memref<1x128xi32, #tpu.memory_space<hbm>> -> memref<128xi32, #tpu.memory_space<hbm>>
      %dma_start3A_63 = arith.constant 0 : i32
      %dma_start3A_64 = tpu.memref_slice %arg7[%run_scoped3A_30, %dma_start3A_63] : memref<2x128xi32, #tpu.memory_space<vmem>> -> memref<1x128xi32, #tpu.memory_space<vmem>>
      %dma_start3A_65 = tpu.memref_squeeze %dma_start3A_64 : memref<1x128xi32, #tpu.memory_space<vmem>> -> memref<128xi32, #tpu.memory_space<vmem>>
      %dma_start3A_66 = arith.constant 0 : i32
      %dma_start3A_67 = tpu.memref_slice %arg3[%add3A_29, %dma_start3A_66] : memref<2528x128xi32, #tpu.memory_space<hbm>> -> memref<1x128xi32, #tpu.memory_space<hbm>>
      %dma_start3A_68 = tpu.memref_squeeze %dma_start3A_67 : memref<1x128xi32, #tpu.memory_space<hbm>> -> memref<128xi32, #tpu.memory_space<hbm>>
      tpu.enqueue_dma source(%dma_start3A_68 : memref<128xi32, #tpu.memory_space<hbm>>) target(%dma_start3A_65 : memref<128xi32, #tpu.memory_space<vmem>>) target_semaphore(%run_scoped3A_56 : memref<!tpu.dma_semaphore, #tpu.memory_space<semaphore_mem>>)
      %dma_wait3A = arith.constant 0 : i32
      %dma_wait3A_69 = tpu.memref_slice %arg7[%run_scoped3A_30, %dma_wait3A] : memref<2x128xi32, #tpu.memory_space<vmem>> -> memref<1x128xi32, #tpu.memory_space<vmem>>
      %dma_wait3A_70 = tpu.memref_squeeze %dma_wait3A_69 : memref<1x128xi32, #tpu.memory_space<vmem>> -> memref<128xi32, #tpu.memory_space<vmem>>
      %dma_wait3A_71 = arith.constant 0 : i32
      %dma_wait3A_72 = tpu.memref_slice %arg3[%add3A_29, %dma_wait3A_71] : memref<2528x128xi32, #tpu.memory_space<hbm>> -> memref<1x128xi32, #tpu.memory_space<hbm>>
      %dma_wait3A_73 = tpu.memref_squeeze %dma_wait3A_72 : memref<1x128xi32, #tpu.memory_space<hbm>> -> memref<128xi32, #tpu.memory_space<hbm>>
      %dma_wait3A_74 = arith.constant 0 : i32
      %dma_wait3A_75 = tpu.memref_slice %arg7[%run_scoped3A_30, %dma_wait3A_74] : memref<2x128xi32, #tpu.memory_space<vmem>> -> memref<1x128xi32, #tpu.memory_space<vmem>>
      %dma_wait3A_76 = tpu.memref_squeeze %dma_wait3A_75 : memref<1x128xi32, #tpu.memory_space<vmem>> -> memref<128xi32, #tpu.memory_space<vmem>>
      %dma_wait3A_77 = arith.constant 0 : i32
      %dma_wait3A_78 = tpu.memref_slice %arg3[%add3A_29, %dma_wait3A_77] : memref<2528x128xi32, #tpu.memory_space<hbm>> -> memref<1x128xi32, #tpu.memory_space<hbm>>
      %dma_wait3A_79 = tpu.memref_squeeze %dma_wait3A_78 : memref<1x128xi32, #tpu.memory_space<hbm>> -> memref<128xi32, #tpu.memory_space<hbm>>
      tpu.wait_dma2 semaphore(%run_scoped3A_56 : memref<!tpu.dma_semaphore, #tpu.memory_space<semaphore_mem>>) src(%dma_wait3A_79 : memref<128xi32, #tpu.memory_space<hbm>>) dst(%dma_wait3A_76 : memref<128xi32, #tpu.memory_space<vmem>>)
      tpu.yield
    }) : () -> ()
    %run_scoped3A_31 = arith.constant 1 : i32
    "tpu.region"() ({
      %run_scoped3A_56 = tpu.sem_alloc : memref<!tpu.dma_semaphore, #tpu.memory_space<semaphore_mem>>
      %dma_start3A_57 = arith.constant 0 : i32
      %dma_start3A_58 = tpu.memref_slice %arg8[%run_scoped3A_31, %dma_start3A_57] : memref<2x128xi32, #tpu.memory_space<vmem>> -> memref<1x128xi32, #tpu.memory_space<vmem>>
      %dma_start3A_59 = tpu.memref_squeeze %dma_start3A_58 : memref<1x128xi32, #tpu.memory_space<vmem>> -> memref<128xi32, #tpu.memory_space<vmem>>
      %dma_start3A_60 = arith.constant 0 : i32
      %dma_start3A_61 = tpu.memref_slice %arg4[%add3A_29, %dma_start3A_60] : memref<2528x128xi32, #tpu.memory_space<hbm>> -> memref<1x128xi32, #tpu.memory_space<hbm>>
      %dma_start3A_62 = tpu.memref_squeeze %dma_start3A_61 : memref<1x128xi32, #tpu.memory_space<hbm>> -> memref<128xi32, #tpu.memory_space<hbm>>
      %dma_start3A_63 = arith.constant 0 : i32
      %dma_start3A_64 = tpu.memref_slice %arg8[%run_scoped3A_31, %dma_start3A_63] : memref<2x128xi32, #tpu.memory_space<vmem>> -> memref<1x128xi32, #tpu.memory_space<vmem>>
      %dma_start3A_65 = tpu.memref_squeeze %dma_start3A_64 : memref<1x128xi32, #tpu.memory_space<vmem>> -> memref<128xi32, #tpu.memory_space<vmem>>
      %dma_start3A_66 = arith.constant 0 : i32
      %dma_start3A_67 = tpu.memref_slice %arg4[%add3A_29, %dma_start3A_66] : memref<2528x128xi32, #tpu.memory_space<hbm>> -> memref<1x128xi32, #tpu.memory_space<hbm>>
      %dma_start3A_68 = tpu.memref_squeeze %dma_start3A_67 : memref<1x128xi32, #tpu.memory_space<hbm>> -> memref<128xi32, #tpu.memory_space<hbm>>
      tpu.enqueue_dma source(%dma_start3A_68 : memref<128xi32, #tpu.memory_space<hbm>>) target(%dma_start3A_65 : memref<128xi32, #tpu.memory_space<vmem>>) target_semaphore(%run_scoped3A_56 : memref<!tpu.dma_semaphore, #tpu.memory_space<semaphore_mem>>)
      %dma_wait3A = arith.constant 0 : i32
      %dma_wait3A_69 = tpu.memref_slice %arg8[%run_scoped3A_31, %dma_wait3A] : memref<2x128xi32, #tpu.memory_space<vmem>> -> memref<1x128xi32, #tpu.memory_space<vmem>>
      %dma_wait3A_70 = tpu.memref_squeeze %dma_wait3A_69 : memref<1x128xi32, #tpu.memory_space<vmem>> -> memref<128xi32, #tpu.memory_space<vmem>>
      %dma_wait3A_71 = arith.constant 0 : i32
      %dma_wait3A_72 = tpu.memref_slice %arg4[%add3A_29, %dma_wait3A_71] : memref<2528x128xi32, #tpu.memory_space<hbm>> -> memref<1x128xi32, #tpu.memory_space<hbm>>
      %dma_wait3A_73 = tpu.memref_squeeze %dma_wait3A_72 : memref<1x128xi32, #tpu.memory_space<hbm>> -> memref<128xi32, #tpu.memory_space<hbm>>
      %dma_wait3A_74 = arith.constant 0 : i32
      %dma_wait3A_75 = tpu.memref_slice %arg8[%run_scoped3A_31, %dma_wait3A_74] : memref<2x128xi32, #tpu.memory_space<vmem>> -> memref<1x128xi32, #tpu.memory_space<vmem>>
      %dma_wait3A_76 = tpu.memref_squeeze %dma_wait3A_75 : memref<1x128xi32, #tpu.memory_space<vmem>> -> memref<128xi32, #tpu.memory_space<vmem>>
      %dma_wait3A_77 = arith.constant 0 : i32
      %dma_wait3A_78 = tpu.memref_slice %arg4[%add3A_29, %dma_wait3A_77] : memref<2528x128xi32, #tpu.memory_space<hbm>> -> memref<1x128xi32, #tpu.memory_space<hbm>>
      %dma_wait3A_79 = tpu.memref_squeeze %dma_wait3A_78 : memref<1x128xi32, #tpu.memory_space<hbm>> -> memref<128xi32, #tpu.memory_space<hbm>>
      tpu.wait_dma2 semaphore(%run_scoped3A_56 : memref<!tpu.dma_semaphore, #tpu.memory_space<semaphore_mem>>) src(%dma_wait3A_79 : memref<128xi32, #tpu.memory_space<hbm>>) dst(%dma_wait3A_76 : memref<128xi32, #tpu.memory_space<vmem>>)
      tpu.yield
    }) : () -> ()
    %dma_start3A_32 = arith.constant 1 : i32
    %dma_start3A_33 = arith.constant 1 : i32
    %dma_start3A_34 = arith.constant 1 : i32
    %dma_start3A_35 = arith.constant 0 : i32
    %dma_start3A_36 = arith.constant 0 : i32
    %dma_start3A_37 = tpu.memref_slice %arg9[%dma_start3A_33, %dma_start3A_35, %dma_start3A_36] : memref<2x128x128xf32, #tpu.memory_space<vmem>> -> memref<1x128x128xf32, #tpu.memory_space<vmem>>
    %dma_start3A_38 = tpu.memref_squeeze %dma_start3A_37 : memref<1x128x128xf32, #tpu.memory_space<vmem>> -> memref<128x128xf32, #tpu.memory_space<vmem>>
    %dma_start3A_39 = arith.constant 0 : i32
    %dma_start3A_40 = tpu.memref_slice %arg7[%dma_start3A_32, %dma_start3A_39] : memref<2x128xi32, #tpu.memory_space<vmem>> -> memref<1x128xi32, #tpu.memory_space<vmem>>
    %dma_start3A_41 = tpu.memref_squeeze %dma_start3A_40 : memref<1x128xi32, #tpu.memory_space<vmem>> -> memref<128xi32, #tpu.memory_space<vmem>>
    %dma_start3A_42 = arith.constant 0 : i32
    %dma_start3A_43 = arith.constant 0 : i32
    %dma_start3A_44 = tpu.memref_slice %arg2[%dma_start3A_42, %dma_start3A_43] : memref<10000x128xf32, #tpu.memory_space<hbm>> -> memref<10000x128xf32, #tpu.memory_space<hbm>>
    %dma_start3A_45 = tpu.memref_slice %arg11[%dma_start3A_34] : memref<2x!tpu.dma_semaphore, #tpu.memory_space<semaphore_mem>> -> memref<1x!tpu.dma_semaphore, #tpu.memory_space<semaphore_mem>>
    %dma_start3A_46 = tpu.memref_squeeze %dma_start3A_45 : memref<1x!tpu.dma_semaphore, #tpu.memory_space<semaphore_mem>> -> memref<!tpu.dma_semaphore, #tpu.memory_space<semaphore_mem>>
    tpu.enqueue_indirect_dma source(%dma_start3A_44 : memref<10000x128xf32, #tpu.memory_space<hbm>>) target(%dma_start3A_38 : memref<128x128xf32, #tpu.memory_space<vmem>>) offsets(%dma_start3A_41 : memref<128xi32, #tpu.memory_space<vmem>>) semaphore(%dma_start3A_46 : memref<!tpu.dma_semaphore, #tpu.memory_space<semaphore_mem>>)
    %scan3A = arith.constant 0 : i32
    %scan3A_47 = arith.constant 79 : i32
    %scan3A_48 = arith.addi %scan3A, %scan3A_47 : i32
    %scan3A_49 = arith.constant 1 : i32
    scf.for %scan3A_56 = %scan3A to %scan3A_48 step %scan3A_49  : i32 {
      %mul3A_57 = arith.constant 1 : i32
      %mul3A_58 = arith.muli %scan3A_56, %mul3A_57 : i32
      %add3A_59 = arith.constant 0 : i32
      %add3A_60 = arith.addi %add3A_59, %mul3A_58 : i32
      %lt3A = arith.cmpi slt, %add3A_60, %select_n3A : i32
      %convert_element_type3A = arith.extui %lt3A : i1 to i32
      %cond3A = arith.constant 0 : i32
      %cond3A_61 = arith.cmpi ne, %convert_element_type3A, %cond3A : i32
      scf.if %cond3A_61 {
        %rem3A = arith.constant 2 : i32
        %rem3A_62 = arith.remsi %add3A_60, %rem3A : i32
        %dma_wait3A = arith.constant 0 : i32
        %dma_wait3A_63 = arith.constant 0 : i32
        %dma_wait3A_64 = tpu.memref_slice %arg9[%rem3A_62, %dma_wait3A, %dma_wait3A_63] : memref<2x128x128xf32, #tpu.memory_space<vmem>> -> memref<1x128x128xf32, #tpu.memory_space<vmem>>
        %dma_wait3A_65 = tpu.memref_squeeze %dma_wait3A_64 : memref<1x128x128xf32, #tpu.memory_space<vmem>> -> memref<128x128xf32, #tpu.memory_space<vmem>>
        %dma_wait3A_66 = arith.constant 0 : i32
        %dma_wait3A_67 = tpu.memref_slice %arg7[%rem3A_62, %dma_wait3A_66] : memref<2x128xi32, #tpu.memory_space<vmem>> -> memref<1x128xi32, #tpu.memory_space<vmem>>
        %dma_wait3A_68 = tpu.memref_squeeze %dma_wait3A_67 : memref<1x128xi32, #tpu.memory_space<vmem>> -> memref<128xi32, #tpu.memory_space<vmem>>
        %dma_wait3A_69 = arith.constant 0 : i32
        %dma_wait3A_70 = arith.constant 0 : i32
        %dma_wait3A_71 = tpu.memref_slice %arg2[%dma_wait3A_69, %dma_wait3A_70] : memref<10000x128xf32, #tpu.memory_space<hbm>> -> memref<10000x128xf32, #tpu.memory_space<hbm>>
        %dma_wait3A_72 = tpu.memref_slice %arg11[%rem3A_62] : memref<2x!tpu.dma_semaphore, #tpu.memory_space<semaphore_mem>> -> memref<1x!tpu.dma_semaphore, #tpu.memory_space<semaphore_mem>>
        %dma_wait3A_73 = tpu.memref_squeeze %dma_wait3A_72 : memref<1x!tpu.dma_semaphore, #tpu.memory_space<semaphore_mem>> -> memref<!tpu.dma_semaphore, #tpu.memory_space<semaphore_mem>>
        tpu.wait_indirect_dma semaphore(%dma_wait3A_73 : memref<!tpu.dma_semaphore, #tpu.memory_space<semaphore_mem>>) src(%dma_wait3A_71 : memref<10000x128xf32, #tpu.memory_space<hbm>>) dst(%dma_wait3A_65 : memref<128x128xf32, #tpu.memory_space<vmem>>)
        "tpu.region"() ({
          %run_scoped3A_80 = tpu.sem_alloc : memref<!tpu.dma_semaphore, #tpu.memory_space<semaphore_mem>>
          %dma_start3A_81 = arith.constant 0 : i32
          %dma_start3A_82 = arith.constant 0 : i32
          %dma_start3A_83 = tpu.memref_slice %arg9[%rem3A_62, %dma_start3A_81, %dma_start3A_82] : memref<2x128x128xf32, #tpu.memory_space<vmem>> -> memref<1x128x128xf32, #tpu.memory_space<vmem>>
          %dma_start3A_84 = tpu.memref_squeeze %dma_start3A_83 : memref<1x128x128xf32, #tpu.memory_space<vmem>> -> memref<128x128xf32, #tpu.memory_space<vmem>>
          %dma_start3A_85 = arith.constant 0 : i32
          %dma_start3A_86 = tpu.memref_slice %arg8[%rem3A_62, %dma_start3A_85] : memref<2x128xi32, #tpu.memory_space<vmem>> -> memref<1x128xi32, #tpu.memory_space<vmem>>
          %dma_start3A_87 = tpu.memref_squeeze %dma_start3A_86 : memref<1x128xi32, #tpu.memory_space<vmem>> -> memref<128xi32, #tpu.memory_space<vmem>>
          %dma_start3A_88 = arith.constant 0 : i32
          %dma_start3A_89 = arith.constant 0 : i32
          %dma_start3A_90 = tpu.memref_slice %arg10[%dma_start3A_88, %dma_start3A_89] : memref<10112x128xf32, #tpu.memory_space<vmem_shared>> -> memref<10112x128xf32, #tpu.memory_space<vmem_shared>>
          tpu.enqueue_indirect_dma source(%dma_start3A_84 : memref<128x128xf32, #tpu.memory_space<vmem>>) target(%dma_start3A_90 : memref<10112x128xf32, #tpu.memory_space<vmem_shared>>) offsets(%dma_start3A_87 : memref<128xi32, #tpu.memory_space<vmem>>) semaphore(%run_scoped3A_80 : memref<!tpu.dma_semaphore, #tpu.memory_space<semaphore_mem>>) {add = true}
          %dma_wait3A_91 = arith.constant 0 : i32
          %dma_wait3A_92 = arith.constant 0 : i32
          %dma_wait3A_93 = tpu.memref_slice %arg9[%rem3A_62, %dma_wait3A_91, %dma_wait3A_92] : memref<2x128x128xf32, #tpu.memory_space<vmem>> -> memref<1x128x128xf32, #tpu.memory_space<vmem>>
          %dma_wait3A_94 = tpu.memref_squeeze %dma_wait3A_93 : memref<1x128x128xf32, #tpu.memory_space<vmem>> -> memref<128x128xf32, #tpu.memory_space<vmem>>
          %dma_wait3A_95 = arith.constant 0 : i32
          %dma_wait3A_96 = tpu.memref_slice %arg8[%rem3A_62, %dma_wait3A_95] : memref<2x128xi32, #tpu.memory_space<vmem>> -> memref<1x128xi32, #tpu.memory_space<vmem>>
          %dma_wait3A_97 = tpu.memref_squeeze %dma_wait3A_96 : memref<1x128xi32, #tpu.memory_space<vmem>> -> memref<128xi32, #tpu.memory_space<vmem>>
          %dma_wait3A_98 = arith.constant 0 : i32
          %dma_wait3A_99 = arith.constant 0 : i32
          %dma_wait3A_100 = tpu.memref_slice %arg10[%dma_wait3A_98, %dma_wait3A_99] : memref<10112x128xf32, #tpu.memory_space<vmem_shared>> -> memref<10112x128xf32, #tpu.memory_space<vmem_shared>>
          tpu.wait_indirect_dma semaphore(%run_scoped3A_80 : memref<!tpu.dma_semaphore, #tpu.memory_space<semaphore_mem>>) src(%dma_wait3A_94 : memref<128x128xf32, #tpu.memory_space<vmem>>) dst(%dma_wait3A_100 : memref<10112x128xf32, #tpu.memory_space<vmem_shared>>)
          tpu.yield
        }) : () -> ()
        %add3A_74 = arith.constant 2 : i32
        %add3A_75 = arith.addi %add3A_60, %add3A_74 : i32
        %lt3A_76 = arith.cmpi slt, %add3A_75, %select_n3A : i32
        %convert_element_type3A_77 = arith.extui %lt3A_76 : i1 to i32
        %cond3A_78 = arith.constant 0 : i32
        %cond3A_79 = arith.cmpi ne, %convert_element_type3A_77, %cond3A_78 : i32
        scf.if %cond3A_79 {
          %add3A_80 = arith.constant 2 : i32
          %add3A_81 = arith.addi %add3A_60, %add3A_80 : i32
          %add3A_82 = arith.addi %select_n3A_10, %add3A_81 : i32
          "tpu.region"() ({
            %run_scoped3A_95 = tpu.sem_alloc : memref<!tpu.dma_semaphore, #tpu.memory_space<semaphore_mem>>
            %dma_start3A_96 = arith.constant 0 : i32
            %dma_start3A_97 = tpu.memref_slice %arg7[%rem3A_62, %dma_start3A_96] : memref<2x128xi32, #tpu.memory_space<vmem>> -> memref<1x128xi32, #tpu.memory_space<vmem>>
            %dma_start3A_98 = tpu.memref_squeeze %dma_start3A_97 : memref<1x128xi32, #tpu.memory_space<vmem>> -> memref<128xi32, #tpu.memory_space<vmem>>
            %dma_start3A_99 = arith.constant 0 : i32
            %dma_start3A_100 = tpu.memref_slice %arg3[%add3A_82, %dma_start3A_99] : memref<2528x128xi32, #tpu.memory_space<hbm>> -> memref<1x128xi32, #tpu.memory_space<hbm>>
            %dma_start3A_101 = tpu.memref_squeeze %dma_start3A_100 : memref<1x128xi32, #tpu.memory_space<hbm>> -> memref<128xi32, #tpu.memory_space<hbm>>
            %dma_start3A_102 = arith.constant 0 : i32
            %dma_start3A_103 = tpu.memref_slice %arg7[%rem3A_62, %dma_start3A_102] : memref<2x128xi32, #tpu.memory_space<vmem>> -> memref<1x128xi32, #tpu.memory_space<vmem>>
            %dma_start3A_104 = tpu.memref_squeeze %dma_start3A_103 : memref<1x128xi32, #tpu.memory_space<vmem>> -> memref<128xi32, #tpu.memory_space<vmem>>
            %dma_start3A_105 = arith.constant 0 : i32
            %dma_start3A_106 = tpu.memref_slice %arg3[%add3A_82, %dma_start3A_105] : memref<2528x128xi32, #tpu.memory_space<hbm>> -> memref<1x128xi32, #tpu.memory_space<hbm>>
            %dma_start3A_107 = tpu.memref_squeeze %dma_start3A_106 : memref<1x128xi32, #tpu.memory_space<hbm>> -> memref<128xi32, #tpu.memory_space<hbm>>
            tpu.enqueue_dma source(%dma_start3A_107 : memref<128xi32, #tpu.memory_space<hbm>>) target(%dma_start3A_104 : memref<128xi32, #tpu.memory_space<vmem>>) target_semaphore(%run_scoped3A_95 : memref<!tpu.dma_semaphore, #tpu.memory_space<semaphore_mem>>)
            %dma_wait3A_108 = arith.constant 0 : i32
            %dma_wait3A_109 = tpu.memref_slice %arg7[%rem3A_62, %dma_wait3A_108] : memref<2x128xi32, #tpu.memory_space<vmem>> -> memref<1x128xi32, #tpu.memory_space<vmem>>
            %dma_wait3A_110 = tpu.memref_squeeze %dma_wait3A_109 : memref<1x128xi32, #tpu.memory_space<vmem>> -> memref<128xi32, #tpu.memory_space<vmem>>
            %dma_wait3A_111 = arith.constant 0 : i32
            %dma_wait3A_112 = tpu.memref_slice %arg3[%add3A_82, %dma_wait3A_111] : memref<2528x128xi32, #tpu.memory_space<hbm>> -> memref<1x128xi32, #tpu.memory_space<hbm>>
            %dma_wait3A_113 = tpu.memref_squeeze %dma_wait3A_112 : memref<1x128xi32, #tpu.memory_space<hbm>> -> memref<128xi32, #tpu.memory_space<hbm>>
            %dma_wait3A_114 = arith.constant 0 : i32
            %dma_wait3A_115 = tpu.memref_slice %arg7[%rem3A_62, %dma_wait3A_114] : memref<2x128xi32, #tpu.memory_space<vmem>> -> memref<1x128xi32, #tpu.memory_space<vmem>>
            %dma_wait3A_116 = tpu.memref_squeeze %dma_wait3A_115 : memref<1x128xi32, #tpu.memory_space<vmem>> -> memref<128xi32, #tpu.memory_space<vmem>>
            %dma_wait3A_117 = arith.constant 0 : i32
            %dma_wait3A_118 = tpu.memref_slice %arg3[%add3A_82, %dma_wait3A_117] : memref<2528x128xi32, #tpu.memory_space<hbm>> -> memref<1x128xi32, #tpu.memory_space<hbm>>
            %dma_wait3A_119 = tpu.memref_squeeze %dma_wait3A_118 : memref<1x128xi32, #tpu.memory_space<hbm>> -> memref<128xi32, #tpu.memory_space<hbm>>
            tpu.wait_dma2 semaphore(%run_scoped3A_95 : memref<!tpu.dma_semaphore, #tpu.memory_space<semaphore_mem>>) src(%dma_wait3A_119 : memref<128xi32, #tpu.memory_space<hbm>>) dst(%dma_wait3A_116 : memref<128xi32, #tpu.memory_space<vmem>>)
            tpu.yield
          }) : () -> ()
          "tpu.region"() ({
            %run_scoped3A_95 = tpu.sem_alloc : memref<!tpu.dma_semaphore, #tpu.memory_space<semaphore_mem>>
            %dma_start3A_96 = arith.constant 0 : i32
            %dma_start3A_97 = tpu.memref_slice %arg8[%rem3A_62, %dma_start3A_96] : memref<2x128xi32, #tpu.memory_space<vmem>> -> memref<1x128xi32, #tpu.memory_space<vmem>>
            %dma_start3A_98 = tpu.memref_squeeze %dma_start3A_97 : memref<1x128xi32, #tpu.memory_space<vmem>> -> memref<128xi32, #tpu.memory_space<vmem>>
            %dma_start3A_99 = arith.constant 0 : i32
            %dma_start3A_100 = tpu.memref_slice %arg4[%add3A_82, %dma_start3A_99] : memref<2528x128xi32, #tpu.memory_space<hbm>> -> memref<1x128xi32, #tpu.memory_space<hbm>>
            %dma_start3A_101 = tpu.memref_squeeze %dma_start3A_100 : memref<1x128xi32, #tpu.memory_space<hbm>> -> memref<128xi32, #tpu.memory_space<hbm>>
            %dma_start3A_102 = arith.constant 0 : i32
            %dma_start3A_103 = tpu.memref_slice %arg8[%rem3A_62, %dma_start3A_102] : memref<2x128xi32, #tpu.memory_space<vmem>> -> memref<1x128xi32, #tpu.memory_space<vmem>>
            %dma_start3A_104 = tpu.memref_squeeze %dma_start3A_103 : memref<1x128xi32, #tpu.memory_space<vmem>> -> memref<128xi32, #tpu.memory_space<vmem>>
            %dma_start3A_105 = arith.constant 0 : i32
            %dma_start3A_106 = tpu.memref_slice %arg4[%add3A_82, %dma_start3A_105] : memref<2528x128xi32, #tpu.memory_space<hbm>> -> memref<1x128xi32, #tpu.memory_space<hbm>>
            %dma_start3A_107 = tpu.memref_squeeze %dma_start3A_106 : memref<1x128xi32, #tpu.memory_space<hbm>> -> memref<128xi32, #tpu.memory_space<hbm>>
            tpu.enqueue_dma source(%dma_start3A_107 : memref<128xi32, #tpu.memory_space<hbm>>) target(%dma_start3A_104 : memref<128xi32, #tpu.memory_space<vmem>>) target_semaphore(%run_scoped3A_95 : memref<!tpu.dma_semaphore, #tpu.memory_space<semaphore_mem>>)
            %dma_wait3A_108 = arith.constant 0 : i32
            %dma_wait3A_109 = tpu.memref_slice %arg8[%rem3A_62, %dma_wait3A_108] : memref<2x128xi32, #tpu.memory_space<vmem>> -> memref<1x128xi32, #tpu.memory_space<vmem>>
            %dma_wait3A_110 = tpu.memref_squeeze %dma_wait3A_109 : memref<1x128xi32, #tpu.memory_space<vmem>> -> memref<128xi32, #tpu.memory_space<vmem>>
            %dma_wait3A_111 = arith.constant 0 : i32
            %dma_wait3A_112 = tpu.memref_slice %arg4[%add3A_82, %dma_wait3A_111] : memref<2528x128xi32, #tpu.memory_space<hbm>> -> memref<1x128xi32, #tpu.memory_space<hbm>>
            %dma_wait3A_113 = tpu.memref_squeeze %dma_wait3A_112 : memref<1x128xi32, #tpu.memory_space<hbm>> -> memref<128xi32, #tpu.memory_space<hbm>>
            %dma_wait3A_114 = arith.constant 0 : i32
            %dma_wait3A_115 = tpu.memref_slice %arg8[%rem3A_62, %dma_wait3A_114] : memref<2x128xi32, #tpu.memory_space<vmem>> -> memref<1x128xi32, #tpu.memory_space<vmem>>
            %dma_wait3A_116 = tpu.memref_squeeze %dma_wait3A_115 : memref<1x128xi32, #tpu.memory_space<vmem>> -> memref<128xi32, #tpu.memory_space<vmem>>
            %dma_wait3A_117 = arith.constant 0 : i32
            %dma_wait3A_118 = tpu.memref_slice %arg4[%add3A_82, %dma_wait3A_117] : memref<2528x128xi32, #tpu.memory_space<hbm>> -> memref<1x128xi32, #tpu.memory_space<hbm>>
            %dma_wait3A_119 = tpu.memref_squeeze %dma_wait3A_118 : memref<1x128xi32, #tpu.memory_space<hbm>> -> memref<128xi32, #tpu.memory_space<hbm>>
            tpu.wait_dma2 semaphore(%run_scoped3A_95 : memref<!tpu.dma_semaphore, #tpu.memory_space<semaphore_mem>>) src(%dma_wait3A_119 : memref<128xi32, #tpu.memory_space<hbm>>) dst(%dma_wait3A_116 : memref<128xi32, #tpu.memory_space<vmem>>)
            tpu.yield
          }) : () -> ()
          %dma_start3A_83 = arith.constant 0 : i32
          %dma_start3A_84 = arith.constant 0 : i32
          %dma_start3A_85 = tpu.memref_slice %arg9[%rem3A_62, %dma_start3A_83, %dma_start3A_84] : memref<2x128x128xf32, #tpu.memory_space<vmem>> -> memref<1x128x128xf32, #tpu.memory_space<vmem>>
          %dma_start3A_86 = tpu.memref_squeeze %dma_start3A_85 : memref<1x128x128xf32, #tpu.memory_space<vmem>> -> memref<128x128xf32, #tpu.memory_space<vmem>>
          %dma_start3A_87 = arith.constant 0 : i32
          %dma_start3A_88 = tpu.memref_slice %arg7[%rem3A_62, %dma_start3A_87] : memref<2x128xi32, #tpu.memory_space<vmem>> -> memref<1x128xi32, #tpu.memory_space<vmem>>
          %dma_start3A_89 = tpu.memref_squeeze %dma_start3A_88 : memref<1x128xi32, #tpu.memory_space<vmem>> -> memref<128xi32, #tpu.memory_space<vmem>>
          %dma_start3A_90 = arith.constant 0 : i32
          %dma_start3A_91 = arith.constant 0 : i32
          %dma_start3A_92 = tpu.memref_slice %arg2[%dma_start3A_90, %dma_start3A_91] : memref<10000x128xf32, #tpu.memory_space<hbm>> -> memref<10000x128xf32, #tpu.memory_space<hbm>>
          %dma_start3A_93 = tpu.memref_slice %arg11[%rem3A_62] : memref<2x!tpu.dma_semaphore, #tpu.memory_space<semaphore_mem>> -> memref<1x!tpu.dma_semaphore, #tpu.memory_space<semaphore_mem>>
          %dma_start3A_94 = tpu.memref_squeeze %dma_start3A_93 : memref<1x!tpu.dma_semaphore, #tpu.memory_space<semaphore_mem>> -> memref<!tpu.dma_semaphore, #tpu.memory_space<semaphore_mem>>
          tpu.enqueue_indirect_dma source(%dma_start3A_92 : memref<10000x128xf32, #tpu.memory_space<hbm>>) target(%dma_start3A_86 : memref<128x128xf32, #tpu.memory_space<vmem>>) offsets(%dma_start3A_89 : memref<128xi32, #tpu.memory_space<vmem>>) semaphore(%dma_start3A_94 : memref<!tpu.dma_semaphore, #tpu.memory_space<semaphore_mem>>)
        } else {
        }
      } else {
      }
    }
    %scan3A_50 = arith.constant 79 : i32
    %barrier3A_51 = arith.constant 0 : index
    tpu.barrier barrier_id(%barrier3A_51)
    %mul3A_52 = arith.constant 632 : i32
    %mul3A_53 = arith.muli %arg1, %mul3A_52 : i32
    %mul3A_54 = arith.constant 632 : i32
    %mul3A_55 = arith.muli %arg1, %mul3A_54 : i32
    "tpu.region"() ({
      %run_scoped3A_56 = tpu.sem_alloc : memref<!tpu.dma_semaphore, #tpu.memory_space<semaphore_mem>>
      %dma_start3A_57 = arith.constant 0 : i32
      %dma_start3A_58 = tpu.memref_slice %arg6[%arg0, %mul3A_55, %dma_start3A_57] : memref<2x10112x128xf32, #tpu.memory_space<hbm>> -> memref<1x632x128xf32, #tpu.memory_space<hbm>>
      %dma_start3A_59 = tpu.memref_squeeze %dma_start3A_58 : memref<1x632x128xf32, #tpu.memory_space<hbm>> -> memref<632x128xf32, #tpu.memory_space<hbm>>
      %dma_start3A_60 = arith.constant 0 : i32
      %dma_start3A_61 = tpu.memref_slice %arg10[%mul3A_53, %dma_start3A_60] : memref<10112x128xf32, #tpu.memory_space<vmem_shared>> -> memref<632x128xf32, #tpu.memory_space<vmem_shared>>
      tpu.enqueue_dma source(%dma_start3A_61 : memref<632x128xf32, #tpu.memory_space<vmem_shared>>) target(%dma_start3A_59 : memref<632x128xf32, #tpu.memory_space<hbm>>) target_semaphore(%run_scoped3A_56 : memref<!tpu.dma_semaphore, #tpu.memory_space<semaphore_mem>>)
      %dma_wait3A = arith.constant 0 : i32
      %dma_wait3A_62 = tpu.memref_slice %arg6[%arg0, %mul3A_55, %dma_wait3A] : memref<2x10112x128xf32, #tpu.memory_space<hbm>> -> memref<1x632x128xf32, #tpu.memory_space<hbm>>
      %dma_wait3A_63 = tpu.memref_squeeze %dma_wait3A_62 : memref<1x632x128xf32, #tpu.memory_space<hbm>> -> memref<632x128xf32, #tpu.memory_space<hbm>>
      %dma_wait3A_64 = arith.constant 0 : i32
      %dma_wait3A_65 = tpu.memref_slice %arg10[%mul3A_53, %dma_wait3A_64] : memref<10112x128xf32, #tpu.memory_space<vmem_shared>> -> memref<632x128xf32, #tpu.memory_space<vmem_shared>>
      tpu.wait_dma2 semaphore(%run_scoped3A_56 : memref<!tpu.dma_semaphore, #tpu.memory_space<semaphore_mem>>) src(%dma_wait3A_65 : memref<632x128xf32, #tpu.memory_space<vmem_shared>>) dst(%dma_wait3A_63 : memref<632x128xf32, #tpu.memory_space<hbm>>)
      tpu.yield
    }) : () -> ()
    return
  }
}

#map = affine_map<(d0, d1) -> (0, 0)>
#map1 = affine_map<(d0, d1) -> (0, 0, 0)>
module attributes {stable_mosaic.version = 14 : i64} {
  func.func @_spmm(%arg0: i32, %arg1: i32, %arg2: memref<10000x128xf32, #tpu.memory_space<hbm>>, %arg3: memref<2528x128xi32, #tpu.memory_space<hbm>>, %arg4: memref<2528x128xi32, #tpu.memory_space<hbm>>, %arg5: memref<632x128xf32, #tpu.memory_space<hbm>>, %arg6: memref<2x10112x128xf32, #tpu.memory_space<hbm>>, %arg7: memref<2x128xi32, #tpu.memory_space<vmem>>, %arg8: memref<2x128xi32, #tpu.memory_space<vmem>>, %arg9: memref<2x128x128xf32, #tpu.memory_space<vmem>>, %arg10: memref<10112x128xf32, #tpu.memory_space<vmem_shared>>, %arg11: memref<2x!tpu.dma_semaphore, #tpu.memory_space<semaphore_mem>>) attributes {dimension_semantics = [#tpu.dimension_semantics<core_parallel>, #tpu.dimension_semantics<subcore_parallel>], iteration_bounds = array<i64: 2, 16>, scalar_prefetch = 0 : i64, scratch_operands = 5 : i64, tpu.core_type = #tpu.core_type<sc_vector_subcore>, window_params = [{transform_indices = #map}, {transform_indices = #map}, {transform_indices = #map}, {transform_indices = #map}, {transform_indices = #map1}]} {
    %mul3A = arith.constant 632 : i32
    %mul3A_0 = arith.muli %arg1, %mul3A : i32
    "tpu.region"() ({
      %run_scoped3A_56 = tpu.sem_alloc : memref<!tpu.dma_semaphore, #tpu.memory_space<semaphore_mem>>
      %dma_start3A_57 = arith.constant 0 : i32
      %dma_start3A_58 = tpu.memref_slice %arg10[%mul3A_0, %dma_start3A_57] : memref<10112x128xf32, #tpu.memory_space<vmem_shared>> -> memref<632x128xf32, #tpu.memory_space<vmem_shared>>
      tpu.enqueue_dma source(%arg5 : memref<632x128xf32, #tpu.memory_space<hbm>>) target(%dma_start3A_58 : memref<632x128xf32, #tpu.memory_space<vmem_shared>>) target_semaphore(%run_scoped3A_56 : memref<!tpu.dma_semaphore, #tpu.memory_space<semaphore_mem>>)
      %dma_wait3A = arith.constant 0 : i32
      %dma_wait3A_59 = tpu.memref_slice %arg10[%mul3A_0, %dma_wait3A] : memref<10112x128xf32, #tpu.memory_space<vmem_shared>> -> memref<632x128xf32, #tpu.memory_space<vmem_shared>>
      tpu.wait_dma2 semaphore(%run_scoped3A_56 : memref<!tpu.dma_semaphore, #tpu.memory_space<semaphore_mem>>) src(%arg5 : memref<632x128xf32, #tpu.memory_space<hbm>>) dst(%dma_wait3A_59 : memref<632x128xf32, #tpu.memory_space<vmem_shared>>)
      tpu.yield
    }) : () -> ()
    %barrier3A = arith.constant 0 : index
    tpu.barrier barrier_id(%barrier3A)
    %eq3A = arith.constant 0 : i32
    %eq3A_1 = arith.cmpi eq, %arg0, %eq3A : i32
    %jit3A = arith.constant 79 : i32
    %jit3A_2 = arith.constant 79 : i32
    %select_n3A = arith.select %eq3A_1, %jit3A, %jit3A_2 : i32
    %eq3A_3 = arith.constant 0 : i32
    %eq3A_4 = arith.cmpi eq, %arg0, %eq3A_3 : i32
    %mul3A_5 = arith.constant 79 : i32
    %mul3A_6 = arith.muli %arg1, %mul3A_5 : i32
    %mul3A_7 = arith.constant 79 : i32
    %mul3A_8 = arith.muli %arg1, %mul3A_7 : i32
    %add3A = arith.constant 1264 : i32
    %add3A_9 = arith.addi %add3A, %mul3A_8 : i32
    %select_n3A_10 = arith.select %eq3A_4, %mul3A_6, %add3A_9 : i32
    %add3A_11 = arith.constant 0 : i32
    %add3A_12 = arith.addi %select_n3A_10, %add3A_11 : i32
    %run_scoped3A = arith.constant 0 : i32
    "tpu.region"() ({
      %run_scoped3A_56 = tpu.sem_alloc : memref<!tpu.dma_semaphore, #tpu.memory_space<semaphore_mem>>
      %dma_start3A_57 = arith.constant 0 : i32
      %dma_start3A_58 = tpu.memref_slice %arg7[%run_scoped3A, %dma_start3A_57] : memref<2x128xi32, #tpu.memory_space<vmem>> -> memref<1x128xi32, #tpu.memory_space<vmem>>
      %dma_start3A_59 = tpu.memref_squeeze %dma_start3A_58 : memref<1x128xi32, #tpu.memory_space<vmem>> -> memref<128xi32, #tpu.memory_space<vmem>>
      %dma_start3A_60 = arith.constant 0 : i32
      %dma_start3A_61 = tpu.memref_slice %arg3[%add3A_12, %dma_start3A_60] : memref<2528x128xi32, #tpu.memory_space<hbm>> -> memref<1x128xi32, #tpu.memory_space<hbm>>
      %dma_start3A_62 = tpu.memref_squeeze %dma_start3A_61 : memref<1x128xi32, #tpu.memory_space<hbm>> -> memref<128xi32, #tpu.memory_space<hbm>>
      %dma_start3A_63 = arith.constant 0 : i32
      %dma_start3A_64 = tpu.memref_slice %arg7[%run_scoped3A, %dma_start3A_63] : memref<2x128xi32, #tpu.memory_space<vmem>> -> memref<1x128xi32, #tpu.memory_space<vmem>>
      %dma_start3A_65 = tpu.memref_squeeze %dma_start3A_64 : memref<1x128xi32, #tpu.memory_space<vmem>> -> memref<128xi32, #tpu.memory_space<vmem>>
      %dma_start3A_66 = arith.constant 0 : i32
      %dma_start3A_67 = tpu.memref_slice %arg3[%add3A_12, %dma_start3A_66] : memref<2528x128xi32, #tpu.memory_space<hbm>> -> memref<1x128xi32, #tpu.memory_space<hbm>>
      %dma_start3A_68 = tpu.memref_squeeze %dma_start3A_67 : memref<1x128xi32, #tpu.memory_space<hbm>> -> memref<128xi32, #tpu.memory_space<hbm>>
      tpu.enqueue_dma source(%dma_start3A_68 : memref<128xi32, #tpu.memory_space<hbm>>) target(%dma_start3A_65 : memref<128xi32, #tpu.memory_space<vmem>>) target_semaphore(%run_scoped3A_56 : memref<!tpu.dma_semaphore, #tpu.memory_space<semaphore_mem>>)
      %dma_wait3A = arith.constant 0 : i32
      %dma_wait3A_69 = tpu.memref_slice %arg7[%run_scoped3A, %dma_wait3A] : memref<2x128xi32, #tpu.memory_space<vmem>> -> memref<1x128xi32, #tpu.memory_space<vmem>>
      %dma_wait3A_70 = tpu.memref_squeeze %dma_wait3A_69 : memref<1x128xi32, #tpu.memory_space<vmem>> -> memref<128xi32, #tpu.memory_space<vmem>>
      %dma_wait3A_71 = arith.constant 0 : i32
      %dma_wait3A_72 = tpu.memref_slice %arg3[%add3A_12, %dma_wait3A_71] : memref<2528x128xi32, #tpu.memory_space<hbm>> -> memref<1x128xi32, #tpu.memory_space<hbm>>
      %dma_wait3A_73 = tpu.memref_squeeze %dma_wait3A_72 : memref<1x128xi32, #tpu.memory_space<hbm>> -> memref<128xi32, #tpu.memory_space<hbm>>
      %dma_wait3A_74 = arith.constant 0 : i32
      %dma_wait3A_75 = tpu.memref_slice %arg7[%run_scoped3A, %dma_wait3A_74] : memref<2x128xi32, #tpu.memory_space<vmem>> -> memref<1x128xi32, #tpu.memory_space<vmem>>
      %dma_wait3A_76 = tpu.memref_squeeze %dma_wait3A_75 : memref<1x128xi32, #tpu.memory_space<vmem>> -> memref<128xi32, #tpu.memory_space<vmem>>
      %dma_wait3A_77 = arith.constant 0 : i32
      %dma_wait3A_78 = tpu.memref_slice %arg3[%add3A_12, %dma_wait3A_77] : memref<2528x128xi32, #tpu.memory_space<hbm>> -> memref<1x128xi32, #tpu.memory_space<hbm>>
      %dma_wait3A_79 = tpu.memref_squeeze %dma_wait3A_78 : memref<1x128xi32, #tpu.memory_space<hbm>> -> memref<128xi32, #tpu.memory_space<hbm>>
      tpu.wait_dma2 semaphore(%run_scoped3A_56 : memref<!tpu.dma_semaphore, #tpu.memory_space<semaphore_mem>>) src(%dma_wait3A_79 : memref<128xi32, #tpu.memory_space<hbm>>) dst(%dma_wait3A_76 : memref<128xi32, #tpu.memory_space<vmem>>)
      tpu.yield
    }) : () -> ()
    %run_scoped3A_13 = arith.constant 0 : i32
    "tpu.region"() ({
      %run_scoped3A_56 = tpu.sem_alloc : memref<!tpu.dma_semaphore, #tpu.memory_space<semaphore_mem>>
      %dma_start3A_57 = arith.constant 0 : i32
      %dma_start3A_58 = tpu.memref_slice %arg8[%run_scoped3A_13, %dma_start3A_57] : memref<2x128xi32, #tpu.memory_space<vmem>> -> memref<1x128xi32, #tpu.memory_space<vmem>>
      %dma_start3A_59 = tpu.memref_squeeze %dma_start3A_58 : memref<1x128xi32, #tpu.memory_space<vmem>> -> memref<128xi32, #tpu.memory_space<vmem>>
      %dma_start3A_60 = arith.constant 0 : i32
      %dma_start3A_61 = tpu.memref_slice %arg4[%add3A_12, %dma_start3A_60] : memref<2528x128xi32, #tpu.memory_space<hbm>> -> memref<1x128xi32, #tpu.memory_space<hbm>>
      %dma_start3A_62 = tpu.memref_squeeze %dma_start3A_61 : memref<1x128xi32, #tpu.memory_space<hbm>> -> memref<128xi32, #tpu.memory_space<hbm>>
      %dma_start3A_63 = arith.constant 0 : i32
      %dma_start3A_64 = tpu.memref_slice %arg8[%run_scoped3A_13, %dma_start3A_63] : memref<2x128xi32, #tpu.memory_space<vmem>> -> memref<1x128xi32, #tpu.memory_space<vmem>>
      %dma_start3A_65 = tpu.memref_squeeze %dma_start3A_64 : memref<1x128xi32, #tpu.memory_space<vmem>> -> memref<128xi32, #tpu.memory_space<vmem>>
      %dma_start3A_66 = arith.constant 0 : i32
      %dma_start3A_67 = tpu.memref_slice %arg4[%add3A_12, %dma_start3A_66] : memref<2528x128xi32, #tpu.memory_space<hbm>> -> memref<1x128xi32, #tpu.memory_space<hbm>>
      %dma_start3A_68 = tpu.memref_squeeze %dma_start3A_67 : memref<1x128xi32, #tpu.memory_space<hbm>> -> memref<128xi32, #tpu.memory_space<hbm>>
      tpu.enqueue_dma source(%dma_start3A_68 : memref<128xi32, #tpu.memory_space<hbm>>) target(%dma_start3A_65 : memref<128xi32, #tpu.memory_space<vmem>>) target_semaphore(%run_scoped3A_56 : memref<!tpu.dma_semaphore, #tpu.memory_space<semaphore_mem>>)
      %dma_wait3A = arith.constant 0 : i32
      %dma_wait3A_69 = tpu.memref_slice %arg8[%run_scoped3A_13, %dma_wait3A] : memref<2x128xi32, #tpu.memory_space<vmem>> -> memref<1x128xi32, #tpu.memory_space<vmem>>
      %dma_wait3A_70 = tpu.memref_squeeze %dma_wait3A_69 : memref<1x128xi32, #tpu.memory_space<vmem>> -> memref<128xi32, #tpu.memory_space<vmem>>
      %dma_wait3A_71 = arith.constant 0 : i32
      %dma_wait3A_72 = tpu.memref_slice %arg4[%add3A_12, %dma_wait3A_71] : memref<2528x128xi32, #tpu.memory_space<hbm>> -> memref<1x128xi32, #tpu.memory_space<hbm>>
      %dma_wait3A_73 = tpu.memref_squeeze %dma_wait3A_72 : memref<1x128xi32, #tpu.memory_space<hbm>> -> memref<128xi32, #tpu.memory_space<hbm>>
      %dma_wait3A_74 = arith.constant 0 : i32
      %dma_wait3A_75 = tpu.memref_slice %arg8[%run_scoped3A_13, %dma_wait3A_74] : memref<2x128xi32, #tpu.memory_space<vmem>> -> memref<1x128xi32, #tpu.memory_space<vmem>>
      %dma_wait3A_76 = tpu.memref_squeeze %dma_wait3A_75 : memref<1x128xi32, #tpu.memory_space<vmem>> -> memref<128xi32, #tpu.memory_space<vmem>>
      %dma_wait3A_77 = arith.constant 0 : i32
      %dma_wait3A_78 = tpu.memref_slice %arg4[%add3A_12, %dma_wait3A_77] : memref<2528x128xi32, #tpu.memory_space<hbm>> -> memref<1x128xi32, #tpu.memory_space<hbm>>
      %dma_wait3A_79 = tpu.memref_squeeze %dma_wait3A_78 : memref<1x128xi32, #tpu.memory_space<hbm>> -> memref<128xi32, #tpu.memory_space<hbm>>
      tpu.wait_dma2 semaphore(%run_scoped3A_56 : memref<!tpu.dma_semaphore, #tpu.memory_space<semaphore_mem>>) src(%dma_wait3A_79 : memref<128xi32, #tpu.memory_space<hbm>>) dst(%dma_wait3A_76 : memref<128xi32, #tpu.memory_space<vmem>>)
      tpu.yield
    }) : () -> ()
    %dma_start3A = arith.constant 0 : i32
    %dma_start3A_14 = arith.constant 0 : i32
    %dma_start3A_15 = arith.constant 0 : i32
    %dma_start3A_16 = arith.constant 0 : i32
    %dma_start3A_17 = arith.constant 0 : i32
    %dma_start3A_18 = tpu.memref_slice %arg9[%dma_start3A_14, %dma_start3A_16, %dma_start3A_17] : memref<2x128x128xf32, #tpu.memory_space<vmem>> -> memref<1x128x128xf32, #tpu.memory_space<vmem>>
    %dma_start3A_19 = tpu.memref_squeeze %dma_start3A_18 : memref<1x128x128xf32, #tpu.memory_space<vmem>> -> memref<128x128xf32, #tpu.memory_space<vmem>>
    %dma_start3A_20 = arith.constant 0 : i32
    %dma_start3A_21 = tpu.memref_slice %arg7[%dma_start3A, %dma_start3A_20] : memref<2x128xi32, #tpu.memory_space<vmem>> -> memref<1x128xi32, #tpu.memory_space<vmem>>
    %dma_start3A_22 = tpu.memref_squeeze %dma_start3A_21 : memref<1x128xi32, #tpu.memory_space<vmem>> -> memref<128xi32, #tpu.memory_space<vmem>>
    %dma_start3A_23 = arith.constant 0 : i32
    %dma_start3A_24 = arith.constant 0 : i32
    %dma_start3A_25 = tpu.memref_slice %arg2[%dma_start3A_23, %dma_start3A_24] : memref<10000x128xf32, #tpu.memory_space<hbm>> -> memref<10000x128xf32, #tpu.memory_space<hbm>>
    %dma_start3A_26 = tpu.memref_slice %arg11[%dma_start3A_15] : memref<2x!tpu.dma_semaphore, #tpu.memory_space<semaphore_mem>> -> memref<1x!tpu.dma_semaphore, #tpu.memory_space<semaphore_mem>>
    %dma_start3A_27 = tpu.memref_squeeze %dma_start3A_26 : memref<1x!tpu.dma_semaphore, #tpu.memory_space<semaphore_mem>> -> memref<!tpu.dma_semaphore, #tpu.memory_space<semaphore_mem>>
    tpu.enqueue_indirect_dma source(%dma_start3A_25 : memref<10000x128xf32, #tpu.memory_space<hbm>>) target(%dma_start3A_19 : memref<128x128xf32, #tpu.memory_space<vmem>>) offsets(%dma_start3A_22 : memref<128xi32, #tpu.memory_space<vmem>>) semaphore(%dma_start3A_27 : memref<!tpu.dma_semaphore, #tpu.memory_space<semaphore_mem>>)
    %add3A_28 = arith.constant 1 : i32
    %add3A_29 = arith.addi %select_n3A_10, %add3A_28 : i32
    %run_scoped3A_30 = arith.constant 1 : i32
    "tpu.region"() ({
      %run_scoped3A_56 = tpu.sem_alloc : memref<!tpu.dma_semaphore, #tpu.memory_space<semaphore_mem>>
      %dma_start3A_57 = arith.constant 0 : i32
      %dma_start3A_58 = tpu.memref_slice %arg7[%run_scoped3A_30, %dma_start3A_57] : memref<2x128xi32, #tpu.memory_space<vmem>> -> memref<1x128xi32, #tpu.memory_space<vmem>>
      %dma_start3A_59 = tpu.memref_squeeze %dma_start3A_58 : memref<1x128xi32, #tpu.memory_space<vmem>> -> memref<128xi32, #tpu.memory_space<vmem>>
      %dma_start3A_60 = arith.constant 0 : i32
      %dma_start3A_61 = tpu.memref_slice %arg3[%add3A_29, %dma_start3A_60] : memref<2528x128xi32, #tpu.memory_space<hbm>> -> memref<1x128xi32, #tpu.memory_space<hbm>>
      %dma_start3A_62 = tpu.memref_squeeze %dma_start3A_61 : memref<1x128xi32, #tpu.memory_space<hbm>> -> memref<128xi32, #tpu.memory_space<hbm>>
      %dma_start3A_63 = arith.constant 0 : i32
      %dma_start3A_64 = tpu.memref_slice %arg7[%run_scoped3A_30, %dma_start3A_63] : memref<2x128xi32, #tpu.memory_space<vmem>> -> memref<1x128xi32, #tpu.memory_space<vmem>>
      %dma_start3A_65 = tpu.memref_squeeze %dma_start3A_64 : memref<1x128xi32, #tpu.memory_space<vmem>> -> memref<128xi32, #tpu.memory_space<vmem>>
      %dma_start3A_66 = arith.constant 0 : i32
      %dma_start3A_67 = tpu.memref_slice %arg3[%add3A_29, %dma_start3A_66] : memref<2528x128xi32, #tpu.memory_space<hbm>> -> memref<1x128xi32, #tpu.memory_space<hbm>>
      %dma_start3A_68 = tpu.memref_squeeze %dma_start3A_67 : memref<1x128xi32, #tpu.memory_space<hbm>> -> memref<128xi32, #tpu.memory_space<hbm>>
      tpu.enqueue_dma source(%dma_start3A_68 : memref<128xi32, #tpu.memory_space<hbm>>) target(%dma_start3A_65 : memref<128xi32, #tpu.memory_space<vmem>>) target_semaphore(%run_scoped3A_56 : memref<!tpu.dma_semaphore, #tpu.memory_space<semaphore_mem>>)
      %dma_wait3A = arith.constant 0 : i32
      %dma_wait3A_69 = tpu.memref_slice %arg7[%run_scoped3A_30, %dma_wait3A] : memref<2x128xi32, #tpu.memory_space<vmem>> -> memref<1x128xi32, #tpu.memory_space<vmem>>
      %dma_wait3A_70 = tpu.memref_squeeze %dma_wait3A_69 : memref<1x128xi32, #tpu.memory_space<vmem>> -> memref<128xi32, #tpu.memory_space<vmem>>
      %dma_wait3A_71 = arith.constant 0 : i32
      %dma_wait3A_72 = tpu.memref_slice %arg3[%add3A_29, %dma_wait3A_71] : memref<2528x128xi32, #tpu.memory_space<hbm>> -> memref<1x128xi32, #tpu.memory_space<hbm>>
      %dma_wait3A_73 = tpu.memref_squeeze %dma_wait3A_72 : memref<1x128xi32, #tpu.memory_space<hbm>> -> memref<128xi32, #tpu.memory_space<hbm>>
      %dma_wait3A_74 = arith.constant 0 : i32
      %dma_wait3A_75 = tpu.memref_slice %arg7[%run_scoped3A_30, %dma_wait3A_74] : memref<2x128xi32, #tpu.memory_space<vmem>> -> memref<1x128xi32, #tpu.memory_space<vmem>>
      %dma_wait3A_76 = tpu.memref_squeeze %dma_wait3A_75 : memref<1x128xi32, #tpu.memory_space<vmem>> -> memref<128xi32, #tpu.memory_space<vmem>>
      %dma_wait3A_77 = arith.constant 0 : i32
      %dma_wait3A_78 = tpu.memref_slice %arg3[%add3A_29, %dma_wait3A_77] : memref<2528x128xi32, #tpu.memory_space<hbm>> -> memref<1x128xi32, #tpu.memory_space<hbm>>
      %dma_wait3A_79 = tpu.memref_squeeze %dma_wait3A_78 : memref<1x128xi32, #tpu.memory_space<hbm>> -> memref<128xi32, #tpu.memory_space<hbm>>
      tpu.wait_dma2 semaphore(%run_scoped3A_56 : memref<!tpu.dma_semaphore, #tpu.memory_space<semaphore_mem>>) src(%dma_wait3A_79 : memref<128xi32, #tpu.memory_space<hbm>>) dst(%dma_wait3A_76 : memref<128xi32, #tpu.memory_space<vmem>>)
      tpu.yield
    }) : () -> ()
    %run_scoped3A_31 = arith.constant 1 : i32
    "tpu.region"() ({
      %run_scoped3A_56 = tpu.sem_alloc : memref<!tpu.dma_semaphore, #tpu.memory_space<semaphore_mem>>
      %dma_start3A_57 = arith.constant 0 : i32
      %dma_start3A_58 = tpu.memref_slice %arg8[%run_scoped3A_31, %dma_start3A_57] : memref<2x128xi32, #tpu.memory_space<vmem>> -> memref<1x128xi32, #tpu.memory_space<vmem>>
      %dma_start3A_59 = tpu.memref_squeeze %dma_start3A_58 : memref<1x128xi32, #tpu.memory_space<vmem>> -> memref<128xi32, #tpu.memory_space<vmem>>
      %dma_start3A_60 = arith.constant 0 : i32
      %dma_start3A_61 = tpu.memref_slice %arg4[%add3A_29, %dma_start3A_60] : memref<2528x128xi32, #tpu.memory_space<hbm>> -> memref<1x128xi32, #tpu.memory_space<hbm>>
      %dma_start3A_62 = tpu.memref_squeeze %dma_start3A_61 : memref<1x128xi32, #tpu.memory_space<hbm>> -> memref<128xi32, #tpu.memory_space<hbm>>
      %dma_start3A_63 = arith.constant 0 : i32
      %dma_start3A_64 = tpu.memref_slice %arg8[%run_scoped3A_31, %dma_start3A_63] : memref<2x128xi32, #tpu.memory_space<vmem>> -> memref<1x128xi32, #tpu.memory_space<vmem>>
      %dma_start3A_65 = tpu.memref_squeeze %dma_start3A_64 : memref<1x128xi32, #tpu.memory_space<vmem>> -> memref<128xi32, #tpu.memory_space<vmem>>
      %dma_start3A_66 = arith.constant 0 : i32
      %dma_start3A_67 = tpu.memref_slice %arg4[%add3A_29, %dma_start3A_66] : memref<2528x128xi32, #tpu.memory_space<hbm>> -> memref<1x128xi32, #tpu.memory_space<hbm>>
      %dma_start3A_68 = tpu.memref_squeeze %dma_start3A_67 : memref<1x128xi32, #tpu.memory_space<hbm>> -> memref<128xi32, #tpu.memory_space<hbm>>
      tpu.enqueue_dma source(%dma_start3A_68 : memref<128xi32, #tpu.memory_space<hbm>>) target(%dma_start3A_65 : memref<128xi32, #tpu.memory_space<vmem>>) target_semaphore(%run_scoped3A_56 : memref<!tpu.dma_semaphore, #tpu.memory_space<semaphore_mem>>)
      %dma_wait3A = arith.constant 0 : i32
      %dma_wait3A_69 = tpu.memref_slice %arg8[%run_scoped3A_31, %dma_wait3A] : memref<2x128xi32, #tpu.memory_space<vmem>> -> memref<1x128xi32, #tpu.memory_space<vmem>>
      %dma_wait3A_70 = tpu.memref_squeeze %dma_wait3A_69 : memref<1x128xi32, #tpu.memory_space<vmem>> -> memref<128xi32, #tpu.memory_space<vmem>>
      %dma_wait3A_71 = arith.constant 0 : i32
      %dma_wait3A_72 = tpu.memref_slice %arg4[%add3A_29, %dma_wait3A_71] : memref<2528x128xi32, #tpu.memory_space<hbm>> -> memref<1x128xi32, #tpu.memory_space<hbm>>
      %dma_wait3A_73 = tpu.memref_squeeze %dma_wait3A_72 : memref<1x128xi32, #tpu.memory_space<hbm>> -> memref<128xi32, #tpu.memory_space<hbm>>
      %dma_wait3A_74 = arith.constant 0 : i32
      %dma_wait3A_75 = tpu.memref_slice %arg8[%run_scoped3A_31, %dma_wait3A_74] : memref<2x128xi32, #tpu.memory_space<vmem>> -> memref<1x128xi32, #tpu.memory_space<vmem>>
      %dma_wait3A_76 = tpu.memref_squeeze %dma_wait3A_75 : memref<1x128xi32, #tpu.memory_space<vmem>> -> memref<128xi32, #tpu.memory_space<vmem>>
      %dma_wait3A_77 = arith.constant 0 : i32
      %dma_wait3A_78 = tpu.memref_slice %arg4[%add3A_29, %dma_wait3A_77] : memref<2528x128xi32, #tpu.memory_space<hbm>> -> memref<1x128xi32, #tpu.memory_space<hbm>>
      %dma_wait3A_79 = tpu.memref_squeeze %dma_wait3A_78 : memref<1x128xi32, #tpu.memory_space<hbm>> -> memref<128xi32, #tpu.memory_space<hbm>>
      tpu.wait_dma2 semaphore(%run_scoped3A_56 : memref<!tpu.dma_semaphore, #tpu.memory_space<semaphore_mem>>) src(%dma_wait3A_79 : memref<128xi32, #tpu.memory_space<hbm>>) dst(%dma_wait3A_76 : memref<128xi32, #tpu.memory_space<vmem>>)
      tpu.yield
    }) : () -> ()
    %dma_start3A_32 = arith.constant 1 : i32
    %dma_start3A_33 = arith.constant 1 : i32
    %dma_start3A_34 = arith.constant 1 : i32
    %dma_start3A_35 = arith.constant 0 : i32
    %dma_start3A_36 = arith.constant 0 : i32
    %dma_start3A_37 = tpu.memref_slice %arg9[%dma_start3A_33, %dma_start3A_35, %dma_start3A_36] : memref<2x128x128xf32, #tpu.memory_space<vmem>> -> memref<1x128x128xf32, #tpu.memory_space<vmem>>
    %dma_start3A_38 = tpu.memref_squeeze %dma_start3A_37 : memref<1x128x128xf32, #tpu.memory_space<vmem>> -> memref<128x128xf32, #tpu.memory_space<vmem>>
    %dma_start3A_39 = arith.constant 0 : i32
    %dma_start3A_40 = tpu.memref_slice %arg7[%dma_start3A_32, %dma_start3A_39] : memref<2x128xi32, #tpu.memory_space<vmem>> -> memref<1x128xi32, #tpu.memory_space<vmem>>
    %dma_start3A_41 = tpu.memref_squeeze %dma_start3A_40 : memref<1x128xi32, #tpu.memory_space<vmem>> -> memref<128xi32, #tpu.memory_space<vmem>>
    %dma_start3A_42 = arith.constant 0 : i32
    %dma_start3A_43 = arith.constant 0 : i32
    %dma_start3A_44 = tpu.memref_slice %arg2[%dma_start3A_42, %dma_start3A_43] : memref<10000x128xf32, #tpu.memory_space<hbm>> -> memref<10000x128xf32, #tpu.memory_space<hbm>>
    %dma_start3A_45 = tpu.memref_slice %arg11[%dma_start3A_34] : memref<2x!tpu.dma_semaphore, #tpu.memory_space<semaphore_mem>> -> memref<1x!tpu.dma_semaphore, #tpu.memory_space<semaphore_mem>>
    %dma_start3A_46 = tpu.memref_squeeze %dma_start3A_45 : memref<1x!tpu.dma_semaphore, #tpu.memory_space<semaphore_mem>> -> memref<!tpu.dma_semaphore, #tpu.memory_space<semaphore_mem>>
    tpu.enqueue_indirect_dma source(%dma_start3A_44 : memref<10000x128xf32, #tpu.memory_space<hbm>>) target(%dma_start3A_38 : memref<128x128xf32, #tpu.memory_space<vmem>>) offsets(%dma_start3A_41 : memref<128xi32, #tpu.memory_space<vmem>>) semaphore(%dma_start3A_46 : memref<!tpu.dma_semaphore, #tpu.memory_space<semaphore_mem>>)
    %scan3A = arith.constant 0 : i32
    %scan3A_47 = arith.constant 79 : i32
    %scan3A_48 = arith.addi %scan3A, %scan3A_47 : i32
    %scan3A_49 = arith.constant 1 : i32
    scf.for %scan3A_56 = %scan3A to %scan3A_48 step %scan3A_49  : i32 {
      %mul3A_57 = arith.constant 1 : i32
      %mul3A_58 = arith.muli %scan3A_56, %mul3A_57 : i32
      %add3A_59 = arith.constant 0 : i32
      %add3A_60 = arith.addi %add3A_59, %mul3A_58 : i32
      %lt3A = arith.cmpi slt, %add3A_60, %select_n3A : i32
      %convert_element_type3A = arith.extui %lt3A : i1 to i32
      %cond3A = arith.constant 0 : i32
      %cond3A_61 = arith.cmpi ne, %convert_element_type3A, %cond3A : i32
      scf.if %cond3A_61 {
        %rem3A = arith.constant 2 : i32
        %rem3A_62 = arith.remsi %add3A_60, %rem3A : i32
        %dma_wait3A = arith.constant 0 : i32
        %dma_wait3A_63 = arith.constant 0 : i32
        %dma_wait3A_64 = tpu.memref_slice %arg9[%rem3A_62, %dma_wait3A, %dma_wait3A_63] : memref<2x128x128xf32, #tpu.memory_space<vmem>> -> memref<1x128x128xf32, #tpu.memory_space<vmem>>
        %dma_wait3A_65 = tpu.memref_squeeze %dma_wait3A_64 : memref<1x128x128xf32, #tpu.memory_space<vmem>> -> memref<128x128xf32, #tpu.memory_space<vmem>>
        %dma_wait3A_66 = arith.constant 0 : i32
        %dma_wait3A_67 = tpu.memref_slice %arg7[%rem3A_62, %dma_wait3A_66] : memref<2x128xi32, #tpu.memory_space<vmem>> -> memref<1x128xi32, #tpu.memory_space<vmem>>
        %dma_wait3A_68 = tpu.memref_squeeze %dma_wait3A_67 : memref<1x128xi32, #tpu.memory_space<vmem>> -> memref<128xi32, #tpu.memory_space<vmem>>
        %dma_wait3A_69 = arith.constant 0 : i32
        %dma_wait3A_70 = arith.constant 0 : i32
        %dma_wait3A_71 = tpu.memref_slice %arg2[%dma_wait3A_69, %dma_wait3A_70] : memref<10000x128xf32, #tpu.memory_space<hbm>> -> memref<10000x128xf32, #tpu.memory_space<hbm>>
        %dma_wait3A_72 = tpu.memref_slice %arg11[%rem3A_62] : memref<2x!tpu.dma_semaphore, #tpu.memory_space<semaphore_mem>> -> memref<1x!tpu.dma_semaphore, #tpu.memory_space<semaphore_mem>>
        %dma_wait3A_73 = tpu.memref_squeeze %dma_wait3A_72 : memref<1x!tpu.dma_semaphore, #tpu.memory_space<semaphore_mem>> -> memref<!tpu.dma_semaphore, #tpu.memory_space<semaphore_mem>>
        tpu.wait_indirect_dma semaphore(%dma_wait3A_73 : memref<!tpu.dma_semaphore, #tpu.memory_space<semaphore_mem>>) src(%dma_wait3A_71 : memref<10000x128xf32, #tpu.memory_space<hbm>>) dst(%dma_wait3A_65 : memref<128x128xf32, #tpu.memory_space<vmem>>)
        "tpu.region"() ({
          %run_scoped3A_80 = tpu.sem_alloc : memref<!tpu.dma_semaphore, #tpu.memory_space<semaphore_mem>>
          %dma_start3A_81 = arith.constant 0 : i32
          %dma_start3A_82 = arith.constant 0 : i32
          %dma_start3A_83 = tpu.memref_slice %arg9[%rem3A_62, %dma_start3A_81, %dma_start3A_82] : memref<2x128x128xf32, #tpu.memory_space<vmem>> -> memref<1x128x128xf32, #tpu.memory_space<vmem>>
          %dma_start3A_84 = tpu.memref_squeeze %dma_start3A_83 : memref<1x128x128xf32, #tpu.memory_space<vmem>> -> memref<128x128xf32, #tpu.memory_space<vmem>>
          %dma_start3A_85 = arith.constant 0 : i32
          %dma_start3A_86 = tpu.memref_slice %arg8[%rem3A_62, %dma_start3A_85] : memref<2x128xi32, #tpu.memory_space<vmem>> -> memref<1x128xi32, #tpu.memory_space<vmem>>
          %dma_start3A_87 = tpu.memref_squeeze %dma_start3A_86 : memref<1x128xi32, #tpu.memory_space<vmem>> -> memref<128xi32, #tpu.memory_space<vmem>>
          %dma_start3A_88 = arith.constant 0 : i32
          %dma_start3A_89 = arith.constant 0 : i32
          %dma_start3A_90 = tpu.memref_slice %arg10[%dma_start3A_88, %dma_start3A_89] : memref<10112x128xf32, #tpu.memory_space<vmem_shared>> -> memref<10112x128xf32, #tpu.memory_space<vmem_shared>>
          tpu.enqueue_indirect_dma source(%dma_start3A_84 : memref<128x128xf32, #tpu.memory_space<vmem>>) target(%dma_start3A_90 : memref<10112x128xf32, #tpu.memory_space<vmem_shared>>) offsets(%dma_start3A_87 : memref<128xi32, #tpu.memory_space<vmem>>) semaphore(%run_scoped3A_80 : memref<!tpu.dma_semaphore, #tpu.memory_space<semaphore_mem>>) {add = true}
          %dma_wait3A_91 = arith.constant 0 : i32
          %dma_wait3A_92 = arith.constant 0 : i32
          %dma_wait3A_93 = tpu.memref_slice %arg9[%rem3A_62, %dma_wait3A_91, %dma_wait3A_92] : memref<2x128x128xf32, #tpu.memory_space<vmem>> -> memref<1x128x128xf32, #tpu.memory_space<vmem>>
          %dma_wait3A_94 = tpu.memref_squeeze %dma_wait3A_93 : memref<1x128x128xf32, #tpu.memory_space<vmem>> -> memref<128x128xf32, #tpu.memory_space<vmem>>
          %dma_wait3A_95 = arith.constant 0 : i32
          %dma_wait3A_96 = tpu.memref_slice %arg8[%rem3A_62, %dma_wait3A_95] : memref<2x128xi32, #tpu.memory_space<vmem>> -> memref<1x128xi32, #tpu.memory_space<vmem>>
          %dma_wait3A_97 = tpu.memref_squeeze %dma_wait3A_96 : memref<1x128xi32, #tpu.memory_space<vmem>> -> memref<128xi32, #tpu.memory_space<vmem>>
          %dma_wait3A_98 = arith.constant 0 : i32
          %dma_wait3A_99 = arith.constant 0 : i32
          %dma_wait3A_100 = tpu.memref_slice %arg10[%dma_wait3A_98, %dma_wait3A_99] : memref<10112x128xf32, #tpu.memory_space<vmem_shared>> -> memref<10112x128xf32, #tpu.memory_space<vmem_shared>>
          tpu.wait_indirect_dma semaphore(%run_scoped3A_80 : memref<!tpu.dma_semaphore, #tpu.memory_space<semaphore_mem>>) src(%dma_wait3A_94 : memref<128x128xf32, #tpu.memory_space<vmem>>) dst(%dma_wait3A_100 : memref<10112x128xf32, #tpu.memory_space<vmem_shared>>)
          tpu.yield
        }) : () -> ()
        %add3A_74 = arith.constant 2 : i32
        %add3A_75 = arith.addi %add3A_60, %add3A_74 : i32
        %lt3A_76 = arith.cmpi slt, %add3A_75, %select_n3A : i32
        %convert_element_type3A_77 = arith.extui %lt3A_76 : i1 to i32
        %cond3A_78 = arith.constant 0 : i32
        %cond3A_79 = arith.cmpi ne, %convert_element_type3A_77, %cond3A_78 : i32
        scf.if %cond3A_79 {
          %add3A_80 = arith.constant 2 : i32
          %add3A_81 = arith.addi %add3A_60, %add3A_80 : i32
          %add3A_82 = arith.addi %select_n3A_10, %add3A_81 : i32
          "tpu.region"() ({
            %run_scoped3A_95 = tpu.sem_alloc : memref<!tpu.dma_semaphore, #tpu.memory_space<semaphore_mem>>
            %dma_start3A_96 = arith.constant 0 : i32
            %dma_start3A_97 = tpu.memref_slice %arg7[%rem3A_62, %dma_start3A_96] : memref<2x128xi32, #tpu.memory_space<vmem>> -> memref<1x128xi32, #tpu.memory_space<vmem>>
            %dma_start3A_98 = tpu.memref_squeeze %dma_start3A_97 : memref<1x128xi32, #tpu.memory_space<vmem>> -> memref<128xi32, #tpu.memory_space<vmem>>
            %dma_start3A_99 = arith.constant 0 : i32
            %dma_start3A_100 = tpu.memref_slice %arg3[%add3A_82, %dma_start3A_99] : memref<2528x128xi32, #tpu.memory_space<hbm>> -> memref<1x128xi32, #tpu.memory_space<hbm>>
            %dma_start3A_101 = tpu.memref_squeeze %dma_start3A_100 : memref<1x128xi32, #tpu.memory_space<hbm>> -> memref<128xi32, #tpu.memory_space<hbm>>
            %dma_start3A_102 = arith.constant 0 : i32
            %dma_start3A_103 = tpu.memref_slice %arg7[%rem3A_62, %dma_start3A_102] : memref<2x128xi32, #tpu.memory_space<vmem>> -> memref<1x128xi32, #tpu.memory_space<vmem>>
            %dma_start3A_104 = tpu.memref_squeeze %dma_start3A_103 : memref<1x128xi32, #tpu.memory_space<vmem>> -> memref<128xi32, #tpu.memory_space<vmem>>
            %dma_start3A_105 = arith.constant 0 : i32
            %dma_start3A_106 = tpu.memref_slice %arg3[%add3A_82, %dma_start3A_105] : memref<2528x128xi32, #tpu.memory_space<hbm>> -> memref<1x128xi32, #tpu.memory_space<hbm>>
            %dma_start3A_107 = tpu.memref_squeeze %dma_start3A_106 : memref<1x128xi32, #tpu.memory_space<hbm>> -> memref<128xi32, #tpu.memory_space<hbm>>
            tpu.enqueue_dma source(%dma_start3A_107 : memref<128xi32, #tpu.memory_space<hbm>>) target(%dma_start3A_104 : memref<128xi32, #tpu.memory_space<vmem>>) target_semaphore(%run_scoped3A_95 : memref<!tpu.dma_semaphore, #tpu.memory_space<semaphore_mem>>)
            %dma_wait3A_108 = arith.constant 0 : i32
            %dma_wait3A_109 = tpu.memref_slice %arg7[%rem3A_62, %dma_wait3A_108] : memref<2x128xi32, #tpu.memory_space<vmem>> -> memref<1x128xi32, #tpu.memory_space<vmem>>
            %dma_wait3A_110 = tpu.memref_squeeze %dma_wait3A_109 : memref<1x128xi32, #tpu.memory_space<vmem>> -> memref<128xi32, #tpu.memory_space<vmem>>
            %dma_wait3A_111 = arith.constant 0 : i32
            %dma_wait3A_112 = tpu.memref_slice %arg3[%add3A_82, %dma_wait3A_111] : memref<2528x128xi32, #tpu.memory_space<hbm>> -> memref<1x128xi32, #tpu.memory_space<hbm>>
            %dma_wait3A_113 = tpu.memref_squeeze %dma_wait3A_112 : memref<1x128xi32, #tpu.memory_space<hbm>> -> memref<128xi32, #tpu.memory_space<hbm>>
            %dma_wait3A_114 = arith.constant 0 : i32
            %dma_wait3A_115 = tpu.memref_slice %arg7[%rem3A_62, %dma_wait3A_114] : memref<2x128xi32, #tpu.memory_space<vmem>> -> memref<1x128xi32, #tpu.memory_space<vmem>>
            %dma_wait3A_116 = tpu.memref_squeeze %dma_wait3A_115 : memref<1x128xi32, #tpu.memory_space<vmem>> -> memref<128xi32, #tpu.memory_space<vmem>>
            %dma_wait3A_117 = arith.constant 0 : i32
            %dma_wait3A_118 = tpu.memref_slice %arg3[%add3A_82, %dma_wait3A_117] : memref<2528x128xi32, #tpu.memory_space<hbm>> -> memref<1x128xi32, #tpu.memory_space<hbm>>
            %dma_wait3A_119 = tpu.memref_squeeze %dma_wait3A_118 : memref<1x128xi32, #tpu.memory_space<hbm>> -> memref<128xi32, #tpu.memory_space<hbm>>
            tpu.wait_dma2 semaphore(%run_scoped3A_95 : memref<!tpu.dma_semaphore, #tpu.memory_space<semaphore_mem>>) src(%dma_wait3A_119 : memref<128xi32, #tpu.memory_space<hbm>>) dst(%dma_wait3A_116 : memref<128xi32, #tpu.memory_space<vmem>>)
            tpu.yield
          }) : () -> ()
          "tpu.region"() ({
            %run_scoped3A_95 = tpu.sem_alloc : memref<!tpu.dma_semaphore, #tpu.memory_space<semaphore_mem>>
            %dma_start3A_96 = arith.constant 0 : i32
            %dma_start3A_97 = tpu.memref_slice %arg8[%rem3A_62, %dma_start3A_96] : memref<2x128xi32, #tpu.memory_space<vmem>> -> memref<1x128xi32, #tpu.memory_space<vmem>>
            %dma_start3A_98 = tpu.memref_squeeze %dma_start3A_97 : memref<1x128xi32, #tpu.memory_space<vmem>> -> memref<128xi32, #tpu.memory_space<vmem>>
            %dma_start3A_99 = arith.constant 0 : i32
            %dma_start3A_100 = tpu.memref_slice %arg4[%add3A_82, %dma_start3A_99] : memref<2528x128xi32, #tpu.memory_space<hbm>> -> memref<1x128xi32, #tpu.memory_space<hbm>>
            %dma_start3A_101 = tpu.memref_squeeze %dma_start3A_100 : memref<1x128xi32, #tpu.memory_space<hbm>> -> memref<128xi32, #tpu.memory_space<hbm>>
            %dma_start3A_102 = arith.constant 0 : i32
            %dma_start3A_103 = tpu.memref_slice %arg8[%rem3A_62, %dma_start3A_102] : memref<2x128xi32, #tpu.memory_space<vmem>> -> memref<1x128xi32, #tpu.memory_space<vmem>>
            %dma_start3A_104 = tpu.memref_squeeze %dma_start3A_103 : memref<1x128xi32, #tpu.memory_space<vmem>> -> memref<128xi32, #tpu.memory_space<vmem>>
            %dma_start3A_105 = arith.constant 0 : i32
            %dma_start3A_106 = tpu.memref_slice %arg4[%add3A_82, %dma_start3A_105] : memref<2528x128xi32, #tpu.memory_space<hbm>> -> memref<1x128xi32, #tpu.memory_space<hbm>>
            %dma_start3A_107 = tpu.memref_squeeze %dma_start3A_106 : memref<1x128xi32, #tpu.memory_space<hbm>> -> memref<128xi32, #tpu.memory_space<hbm>>
            tpu.enqueue_dma source(%dma_start3A_107 : memref<128xi32, #tpu.memory_space<hbm>>) target(%dma_start3A_104 : memref<128xi32, #tpu.memory_space<vmem>>) target_semaphore(%run_scoped3A_95 : memref<!tpu.dma_semaphore, #tpu.memory_space<semaphore_mem>>)
            %dma_wait3A_108 = arith.constant 0 : i32
            %dma_wait3A_109 = tpu.memref_slice %arg8[%rem3A_62, %dma_wait3A_108] : memref<2x128xi32, #tpu.memory_space<vmem>> -> memref<1x128xi32, #tpu.memory_space<vmem>>
            %dma_wait3A_110 = tpu.memref_squeeze %dma_wait3A_109 : memref<1x128xi32, #tpu.memory_space<vmem>> -> memref<128xi32, #tpu.memory_space<vmem>>
            %dma_wait3A_111 = arith.constant 0 : i32
            %dma_wait3A_112 = tpu.memref_slice %arg4[%add3A_82, %dma_wait3A_111] : memref<2528x128xi32, #tpu.memory_space<hbm>> -> memref<1x128xi32, #tpu.memory_space<hbm>>
            %dma_wait3A_113 = tpu.memref_squeeze %dma_wait3A_112 : memref<1x128xi32, #tpu.memory_space<hbm>> -> memref<128xi32, #tpu.memory_space<hbm>>
            %dma_wait3A_114 = arith.constant 0 : i32
            %dma_wait3A_115 = tpu.memref_slice %arg8[%rem3A_62, %dma_wait3A_114] : memref<2x128xi32, #tpu.memory_space<vmem>> -> memref<1x128xi32, #tpu.memory_space<vmem>>
            %dma_wait3A_116 = tpu.memref_squeeze %dma_wait3A_115 : memref<1x128xi32, #tpu.memory_space<vmem>> -> memref<128xi32, #tpu.memory_space<vmem>>
            %dma_wait3A_117 = arith.constant 0 : i32
            %dma_wait3A_118 = tpu.memref_slice %arg4[%add3A_82, %dma_wait3A_117] : memref<2528x128xi32, #tpu.memory_space<hbm>> -> memref<1x128xi32, #tpu.memory_space<hbm>>
            %dma_wait3A_119 = tpu.memref_squeeze %dma_wait3A_118 : memref<1x128xi32, #tpu.memory_space<hbm>> -> memref<128xi32, #tpu.memory_space<hbm>>
            tpu.wait_dma2 semaphore(%run_scoped3A_95 : memref<!tpu.dma_semaphore, #tpu.memory_space<semaphore_mem>>) src(%dma_wait3A_119 : memref<128xi32, #tpu.memory_space<hbm>>) dst(%dma_wait3A_116 : memref<128xi32, #tpu.memory_space<vmem>>)
            tpu.yield
          }) : () -> ()
          %dma_start3A_83 = arith.constant 0 : i32
          %dma_start3A_84 = arith.constant 0 : i32
          %dma_start3A_85 = tpu.memref_slice %arg9[%rem3A_62, %dma_start3A_83, %dma_start3A_84] : memref<2x128x128xf32, #tpu.memory_space<vmem>> -> memref<1x128x128xf32, #tpu.memory_space<vmem>>
          %dma_start3A_86 = tpu.memref_squeeze %dma_start3A_85 : memref<1x128x128xf32, #tpu.memory_space<vmem>> -> memref<128x128xf32, #tpu.memory_space<vmem>>
          %dma_start3A_87 = arith.constant 0 : i32
          %dma_start3A_88 = tpu.memref_slice %arg7[%rem3A_62, %dma_start3A_87] : memref<2x128xi32, #tpu.memory_space<vmem>> -> memref<1x128xi32, #tpu.memory_space<vmem>>
          %dma_start3A_89 = tpu.memref_squeeze %dma_start3A_88 : memref<1x128xi32, #tpu.memory_space<vmem>> -> memref<128xi32, #tpu.memory_space<vmem>>
          %dma_start3A_90 = arith.constant 0 : i32
          %dma_start3A_91 = arith.constant 0 : i32
          %dma_start3A_92 = tpu.memref_slice %arg2[%dma_start3A_90, %dma_start3A_91] : memref<10000x128xf32, #tpu.memory_space<hbm>> -> memref<10000x128xf32, #tpu.memory_space<hbm>>
          %dma_start3A_93 = tpu.memref_slice %arg11[%rem3A_62] : memref<2x!tpu.dma_semaphore, #tpu.memory_space<semaphore_mem>> -> memref<1x!tpu.dma_semaphore, #tpu.memory_space<semaphore_mem>>
          %dma_start3A_94 = tpu.memref_squeeze %dma_start3A_93 : memref<1x!tpu.dma_semaphore, #tpu.memory_space<semaphore_mem>> -> memref<!tpu.dma_semaphore, #tpu.memory_space<semaphore_mem>>
          tpu.enqueue_indirect_dma source(%dma_start3A_92 : memref<10000x128xf32, #tpu.memory_space<hbm>>) target(%dma_start3A_86 : memref<128x128xf32, #tpu.memory_space<vmem>>) offsets(%dma_start3A_89 : memref<128xi32, #tpu.memory_space<vmem>>) semaphore(%dma_start3A_94 : memref<!tpu.dma_semaphore, #tpu.memory_space<semaphore_mem>>)
        } else {
        }
      } else {
      }
    }
    %scan3A_50 = arith.constant 79 : i32
    %barrier3A_51 = arith.constant 0 : index
    tpu.barrier barrier_id(%barrier3A_51)
    %mul3A_52 = arith.constant 632 : i32
    %mul3A_53 = arith.muli %arg1, %mul3A_52 : i32
    %mul3A_54 = arith.constant 632 : i32
    %mul3A_55 = arith.muli %arg1, %mul3A_54 : i32
    "tpu.region"() ({
      %run_scoped3A_56 = tpu.sem_alloc : memref<!tpu.dma_semaphore, #tpu.memory_space<semaphore_mem>>
      %dma_start3A_57 = arith.constant 0 : i32
      %dma_start3A_58 = tpu.memref_slice %arg6[%arg0, %mul3A_55, %dma_start3A_57] : memref<2x10112x128xf32, #tpu.memory_space<hbm>> -> memref<1x632x128xf32, #tpu.memory_space<hbm>>
      %dma_start3A_59 = tpu.memref_squeeze %dma_start3A_58 : memref<1x632x128xf32, #tpu.memory_space<hbm>> -> memref<632x128xf32, #tpu.memory_space<hbm>>
      %dma_start3A_60 = arith.constant 0 : i32
      %dma_start3A_61 = tpu.memref_slice %arg10[%mul3A_53, %dma_start3A_60] : memref<10112x128xf32, #tpu.memory_space<vmem_shared>> -> memref<632x128xf32, #tpu.memory_space<vmem_shared>>
      tpu.enqueue_dma source(%dma_start3A_61 : memref<632x128xf32, #tpu.memory_space<vmem_shared>>) target(%dma_start3A_59 : memref<632x128xf32, #tpu.memory_space<hbm>>) target_semaphore(%run_scoped3A_56 : memref<!tpu.dma_semaphore, #tpu.memory_space<semaphore_mem>>)
      %dma_wait3A = arith.constant 0 : i32
      %dma_wait3A_62 = tpu.memref_slice %arg6[%arg0, %mul3A_55, %dma_wait3A] : memref<2x10112x128xf32, #tpu.memory_space<hbm>> -> memref<1x632x128xf32, #tpu.memory_space<hbm>>
      %dma_wait3A_63 = tpu.memref_squeeze %dma_wait3A_62 : memref<1x632x128xf32, #tpu.memory_space<hbm>> -> memref<632x128xf32, #tpu.memory_space<hbm>>
      %dma_wait3A_64 = arith.constant 0 : i32
      %dma_wait3A_65 = tpu.memref_slice %arg10[%mul3A_53, %dma_wait3A_64] : memref<10112x128xf32, #tpu.memory_space<vmem_shared>> -> memref<632x128xf32, #tpu.memory_space<vmem_shared>>
      tpu.wait_dma2 semaphore(%run_scoped3A_56 : memref<!tpu.dma_semaphore, #tpu.memory_space<semaphore_mem>>) src(%dma_wait3A_65 : memref<632x128xf32, #tpu.memory_space<vmem_shared>>) dst(%dma_wait3A_63 : memref<632x128xf32, #tpu.memory_space<hbm>>)
      tpu.yield
    }) : () -> ()
    return
  }
}

#map = affine_map<(d0, d1) -> (0, 0)>
#map1 = affine_map<(d0, d1) -> (0, 0, 0)>
module attributes {stable_mosaic.version = 14 : i64} {
  func.func @_edge_pool(%arg0: i32, %arg1: i32, %arg2: memref<323584x128xf32, #tpu.memory_space<hbm>>, %arg3: memref<2528x128xi32, #tpu.memory_space<hbm>>, %arg4: memref<632x128xf32, #tpu.memory_space<hbm>>, %arg5: memref<2x10112x128xf32, #tpu.memory_space<hbm>>, %arg6: memref<2x128xi32, #tpu.memory_space<vmem>>, %arg7: memref<2x128x128xf32, #tpu.memory_space<vmem>>, %arg8: memref<10112x128xf32, #tpu.memory_space<vmem_shared>>, %arg9: memref<2x!tpu.dma_semaphore, #tpu.memory_space<semaphore_mem>>) attributes {dimension_semantics = [#tpu.dimension_semantics<core_parallel>, #tpu.dimension_semantics<subcore_parallel>], iteration_bounds = array<i64: 2, 16>, scalar_prefetch = 0 : i64, scratch_operands = 4 : i64, tpu.core_type = #tpu.core_type<sc_vector_subcore>, window_params = [{transform_indices = #map}, {transform_indices = #map}, {transform_indices = #map}, {transform_indices = #map1}]} {
    %mul3A = arith.constant 16 : i32
    %mul3A_0 = arith.muli %arg0, %mul3A : i32
    %add3A = arith.addi %mul3A_0, %arg1 : i32
    %mul3A_1 = arith.constant 632 : i32
    %mul3A_2 = arith.muli %arg1, %mul3A_1 : i32
    "tpu.region"() ({
      %run_scoped3A_37 = tpu.sem_alloc : memref<!tpu.dma_semaphore, #tpu.memory_space<semaphore_mem>>
      %dma_start3A_38 = arith.constant 0 : i32
      %dma_start3A_39 = tpu.memref_slice %arg8[%mul3A_2, %dma_start3A_38] : memref<10112x128xf32, #tpu.memory_space<vmem_shared>> -> memref<632x128xf32, #tpu.memory_space<vmem_shared>>
      tpu.enqueue_dma source(%arg4 : memref<632x128xf32, #tpu.memory_space<hbm>>) target(%dma_start3A_39 : memref<632x128xf32, #tpu.memory_space<vmem_shared>>) target_semaphore(%run_scoped3A_37 : memref<!tpu.dma_semaphore, #tpu.memory_space<semaphore_mem>>)
      %dma_wait3A = arith.constant 0 : i32
      %dma_wait3A_40 = tpu.memref_slice %arg8[%mul3A_2, %dma_wait3A] : memref<10112x128xf32, #tpu.memory_space<vmem_shared>> -> memref<632x128xf32, #tpu.memory_space<vmem_shared>>
      tpu.wait_dma2 semaphore(%run_scoped3A_37 : memref<!tpu.dma_semaphore, #tpu.memory_space<semaphore_mem>>) src(%arg4 : memref<632x128xf32, #tpu.memory_space<hbm>>) dst(%dma_wait3A_40 : memref<632x128xf32, #tpu.memory_space<vmem_shared>>)
      tpu.yield
    }) : () -> ()
    %barrier3A = arith.constant 0 : index
    tpu.barrier barrier_id(%barrier3A)
    %mul3A_3 = arith.constant 79 : i32
    %mul3A_4 = arith.muli %add3A, %mul3A_3 : i32
    %add3A_5 = arith.constant 0 : i32
    %add3A_6 = arith.addi %mul3A_4, %add3A_5 : i32
    %mul3A_7 = arith.constant 128 : i32
    %mul3A_8 = arith.muli %add3A_6, %mul3A_7 : i32
    %mul3A_9 = arith.constant 79 : i32
    %mul3A_10 = arith.muli %add3A, %mul3A_9 : i32
    %add3A_11 = arith.constant 0 : i32
    %add3A_12 = arith.addi %mul3A_10, %add3A_11 : i32
    %run_scoped3A = arith.constant 0 : i32
    "tpu.region"() ({
      %run_scoped3A_37 = tpu.sem_alloc : memref<!tpu.dma_semaphore, #tpu.memory_space<semaphore_mem>>
      %dma_start3A_38 = arith.constant 0 : i32
      %dma_start3A_39 = tpu.memref_slice %arg6[%run_scoped3A, %dma_start3A_38] : memref<2x128xi32, #tpu.memory_space<vmem>> -> memref<1x128xi32, #tpu.memory_space<vmem>>
      %dma_start3A_40 = tpu.memref_squeeze %dma_start3A_39 : memref<1x128xi32, #tpu.memory_space<vmem>> -> memref<128xi32, #tpu.memory_space<vmem>>
      %dma_start3A_41 = arith.constant 0 : i32
      %dma_start3A_42 = tpu.memref_slice %arg3[%add3A_12, %dma_start3A_41] : memref<2528x128xi32, #tpu.memory_space<hbm>> -> memref<1x128xi32, #tpu.memory_space<hbm>>
      %dma_start3A_43 = tpu.memref_squeeze %dma_start3A_42 : memref<1x128xi32, #tpu.memory_space<hbm>> -> memref<128xi32, #tpu.memory_space<hbm>>
      %dma_start3A_44 = arith.constant 0 : i32
      %dma_start3A_45 = tpu.memref_slice %arg6[%run_scoped3A, %dma_start3A_44] : memref<2x128xi32, #tpu.memory_space<vmem>> -> memref<1x128xi32, #tpu.memory_space<vmem>>
      %dma_start3A_46 = tpu.memref_squeeze %dma_start3A_45 : memref<1x128xi32, #tpu.memory_space<vmem>> -> memref<128xi32, #tpu.memory_space<vmem>>
      %dma_start3A_47 = arith.constant 0 : i32
      %dma_start3A_48 = tpu.memref_slice %arg3[%add3A_12, %dma_start3A_47] : memref<2528x128xi32, #tpu.memory_space<hbm>> -> memref<1x128xi32, #tpu.memory_space<hbm>>
      %dma_start3A_49 = tpu.memref_squeeze %dma_start3A_48 : memref<1x128xi32, #tpu.memory_space<hbm>> -> memref<128xi32, #tpu.memory_space<hbm>>
      tpu.enqueue_dma source(%dma_start3A_49 : memref<128xi32, #tpu.memory_space<hbm>>) target(%dma_start3A_46 : memref<128xi32, #tpu.memory_space<vmem>>) target_semaphore(%run_scoped3A_37 : memref<!tpu.dma_semaphore, #tpu.memory_space<semaphore_mem>>)
      %dma_wait3A = arith.constant 0 : i32
      %dma_wait3A_50 = tpu.memref_slice %arg6[%run_scoped3A, %dma_wait3A] : memref<2x128xi32, #tpu.memory_space<vmem>> -> memref<1x128xi32, #tpu.memory_space<vmem>>
      %dma_wait3A_51 = tpu.memref_squeeze %dma_wait3A_50 : memref<1x128xi32, #tpu.memory_space<vmem>> -> memref<128xi32, #tpu.memory_space<vmem>>
      %dma_wait3A_52 = arith.constant 0 : i32
      %dma_wait3A_53 = tpu.memref_slice %arg3[%add3A_12, %dma_wait3A_52] : memref<2528x128xi32, #tpu.memory_space<hbm>> -> memref<1x128xi32, #tpu.memory_space<hbm>>
      %dma_wait3A_54 = tpu.memref_squeeze %dma_wait3A_53 : memref<1x128xi32, #tpu.memory_space<hbm>> -> memref<128xi32, #tpu.memory_space<hbm>>
      %dma_wait3A_55 = arith.constant 0 : i32
      %dma_wait3A_56 = tpu.memref_slice %arg6[%run_scoped3A, %dma_wait3A_55] : memref<2x128xi32, #tpu.memory_space<vmem>> -> memref<1x128xi32, #tpu.memory_space<vmem>>
      %dma_wait3A_57 = tpu.memref_squeeze %dma_wait3A_56 : memref<1x128xi32, #tpu.memory_space<vmem>> -> memref<128xi32, #tpu.memory_space<vmem>>
      %dma_wait3A_58 = arith.constant 0 : i32
      %dma_wait3A_59 = tpu.memref_slice %arg3[%add3A_12, %dma_wait3A_58] : memref<2528x128xi32, #tpu.memory_space<hbm>> -> memref<1x128xi32, #tpu.memory_space<hbm>>
      %dma_wait3A_60 = tpu.memref_squeeze %dma_wait3A_59 : memref<1x128xi32, #tpu.memory_space<hbm>> -> memref<128xi32, #tpu.memory_space<hbm>>
      tpu.wait_dma2 semaphore(%run_scoped3A_37 : memref<!tpu.dma_semaphore, #tpu.memory_space<semaphore_mem>>) src(%dma_wait3A_60 : memref<128xi32, #tpu.memory_space<hbm>>) dst(%dma_wait3A_57 : memref<128xi32, #tpu.memory_space<vmem>>)
      tpu.yield
    }) : () -> ()
    %dma_start3A = arith.constant 0 : i32
    %dma_start3A_13 = arith.constant 0 : i32
    %dma_start3A_14 = arith.constant 0 : i32
    %dma_start3A_15 = arith.constant 0 : i32
    %dma_start3A_16 = tpu.memref_slice %arg7[%dma_start3A, %dma_start3A_14, %dma_start3A_15] : memref<2x128x128xf32, #tpu.memory_space<vmem>> -> memref<1x128x128xf32, #tpu.memory_space<vmem>>
    %dma_start3A_17 = tpu.memref_squeeze %dma_start3A_16 : memref<1x128x128xf32, #tpu.memory_space<vmem>> -> memref<128x128xf32, #tpu.memory_space<vmem>>
    %dma_start3A_18 = arith.constant 0 : i32
    %dma_start3A_19 = tpu.memref_slice %arg2[%mul3A_8, %dma_start3A_18] : memref<323584x128xf32, #tpu.memory_space<hbm>> -> memref<128x128xf32, #tpu.memory_space<hbm>>
    %dma_start3A_20 = tpu.memref_slice %arg9[%dma_start3A_13] : memref<2x!tpu.dma_semaphore, #tpu.memory_space<semaphore_mem>> -> memref<1x!tpu.dma_semaphore, #tpu.memory_space<semaphore_mem>>
    %dma_start3A_21 = tpu.memref_squeeze %dma_start3A_20 : memref<1x!tpu.dma_semaphore, #tpu.memory_space<semaphore_mem>> -> memref<!tpu.dma_semaphore, #tpu.memory_space<semaphore_mem>>
    %dma_start3A_22 = arith.constant 0 : i32
    %dma_start3A_23 = arith.constant 0 : i32
    %dma_start3A_24 = tpu.memref_slice %arg7[%dma_start3A, %dma_start3A_22, %dma_start3A_23] : memref<2x128x128xf32, #tpu.memory_space<vmem>> -> memref<1x128x128xf32, #tpu.memory_space<vmem>>
    %dma_start3A_25 = tpu.memref_squeeze %dma_start3A_24 : memref<1x128x128xf32, #tpu.memory_space<vmem>> -> memref<128x128xf32, #tpu.memory_space<vmem>>
    %dma_start3A_26 = arith.constant 0 : i32
    %dma_start3A_27 = tpu.memref_slice %arg2[%mul3A_8, %dma_start3A_26] : memref<323584x128xf32, #tpu.memory_space<hbm>> -> memref<128x128xf32, #tpu.memory_space<hbm>>
    tpu.enqueue_dma source(%dma_start3A_27 : memref<128x128xf32, #tpu.memory_space<hbm>>) target(%dma_start3A_25 : memref<128x128xf32, #tpu.memory_space<vmem>>) target_semaphore(%dma_start3A_21 : memref<!tpu.dma_semaphore, #tpu.memory_space<semaphore_mem>>)
    %scan3A = arith.constant 0 : i32
    %scan3A_28 = arith.constant 79 : i32
    %scan3A_29 = arith.addi %scan3A, %scan3A_28 : i32
    %scan3A_30 = arith.constant 1 : i32
    scf.for %scan3A_37 = %scan3A to %scan3A_29 step %scan3A_30  : i32 {
      %mul3A_38 = arith.constant 1 : i32
      %mul3A_39 = arith.muli %scan3A_37, %mul3A_38 : i32
      %add3A_40 = arith.constant 0 : i32
      %add3A_41 = arith.addi %add3A_40, %mul3A_39 : i32
      %rem3A = arith.constant 2 : i32
      %rem3A_42 = arith.remsi %add3A_41, %rem3A : i32
      %add3A_43 = arith.constant 1 : i32
      %add3A_44 = arith.addi %add3A_41, %add3A_43 : i32
      %lt3A = arith.constant 79 : i32
      %lt3A_45 = arith.cmpi slt, %add3A_44, %lt3A : i32
      %convert_element_type3A = arith.extui %lt3A_45 : i1 to i32
      %cond3A = arith.constant 0 : i32
      %cond3A_46 = arith.cmpi ne, %convert_element_type3A, %cond3A : i32
      scf.if %cond3A_46 {
        %add3A_65 = arith.constant 1 : i32
        %add3A_66 = arith.addi %add3A_41, %add3A_65 : i32
        %sub3A = arith.constant 1 : i32
        %sub3A_67 = arith.subi %sub3A, %rem3A_42 : i32
        %mul3A_68 = arith.constant 79 : i32
        %mul3A_69 = arith.muli %add3A, %mul3A_68 : i32
        %add3A_70 = arith.addi %mul3A_69, %add3A_66 : i32
        %mul3A_71 = arith.constant 128 : i32
        %mul3A_72 = arith.muli %add3A_70, %mul3A_71 : i32
        %mul3A_73 = arith.constant 79 : i32
        %mul3A_74 = arith.muli %add3A, %mul3A_73 : i32
        %add3A_75 = arith.addi %mul3A_74, %add3A_66 : i32
        "tpu.region"() ({
          %run_scoped3A_90 = tpu.sem_alloc : memref<!tpu.dma_semaphore, #tpu.memory_space<semaphore_mem>>
          %dma_start3A_91 = arith.constant 0 : i32
          %dma_start3A_92 = tpu.memref_slice %arg6[%sub3A_67, %dma_start3A_91] : memref<2x128xi32, #tpu.memory_space<vmem>> -> memref<1x128xi32, #tpu.memory_space<vmem>>
          %dma_start3A_93 = tpu.memref_squeeze %dma_start3A_92 : memref<1x128xi32, #tpu.memory_space<vmem>> -> memref<128xi32, #tpu.memory_space<vmem>>
          %dma_start3A_94 = arith.constant 0 : i32
          %dma_start3A_95 = tpu.memref_slice %arg3[%add3A_75, %dma_start3A_94] : memref<2528x128xi32, #tpu.memory_space<hbm>> -> memref<1x128xi32, #tpu.memory_space<hbm>>
          %dma_start3A_96 = tpu.memref_squeeze %dma_start3A_95 : memref<1x128xi32, #tpu.memory_space<hbm>> -> memref<128xi32, #tpu.memory_space<hbm>>
          %dma_start3A_97 = arith.constant 0 : i32
          %dma_start3A_98 = tpu.memref_slice %arg6[%sub3A_67, %dma_start3A_97] : memref<2x128xi32, #tpu.memory_space<vmem>> -> memref<1x128xi32, #tpu.memory_space<vmem>>
          %dma_start3A_99 = tpu.memref_squeeze %dma_start3A_98 : memref<1x128xi32, #tpu.memory_space<vmem>> -> memref<128xi32, #tpu.memory_space<vmem>>
          %dma_start3A_100 = arith.constant 0 : i32
          %dma_start3A_101 = tpu.memref_slice %arg3[%add3A_75, %dma_start3A_100] : memref<2528x128xi32, #tpu.memory_space<hbm>> -> memref<1x128xi32, #tpu.memory_space<hbm>>
          %dma_start3A_102 = tpu.memref_squeeze %dma_start3A_101 : memref<1x128xi32, #tpu.memory_space<hbm>> -> memref<128xi32, #tpu.memory_space<hbm>>
          tpu.enqueue_dma source(%dma_start3A_102 : memref<128xi32, #tpu.memory_space<hbm>>) target(%dma_start3A_99 : memref<128xi32, #tpu.memory_space<vmem>>) target_semaphore(%run_scoped3A_90 : memref<!tpu.dma_semaphore, #tpu.memory_space<semaphore_mem>>)
          %dma_wait3A_103 = arith.constant 0 : i32
          %dma_wait3A_104 = tpu.memref_slice %arg6[%sub3A_67, %dma_wait3A_103] : memref<2x128xi32, #tpu.memory_space<vmem>> -> memref<1x128xi32, #tpu.memory_space<vmem>>
          %dma_wait3A_105 = tpu.memref_squeeze %dma_wait3A_104 : memref<1x128xi32, #tpu.memory_space<vmem>> -> memref<128xi32, #tpu.memory_space<vmem>>
          %dma_wait3A_106 = arith.constant 0 : i32
          %dma_wait3A_107 = tpu.memref_slice %arg3[%add3A_75, %dma_wait3A_106] : memref<2528x128xi32, #tpu.memory_space<hbm>> -> memref<1x128xi32, #tpu.memory_space<hbm>>
          %dma_wait3A_108 = tpu.memref_squeeze %dma_wait3A_107 : memref<1x128xi32, #tpu.memory_space<hbm>> -> memref<128xi32, #tpu.memory_space<hbm>>
          %dma_wait3A_109 = arith.constant 0 : i32
          %dma_wait3A_110 = tpu.memref_slice %arg6[%sub3A_67, %dma_wait3A_109] : memref<2x128xi32, #tpu.memory_space<vmem>> -> memref<1x128xi32, #tpu.memory_space<vmem>>
          %dma_wait3A_111 = tpu.memref_squeeze %dma_wait3A_110 : memref<1x128xi32, #tpu.memory_space<vmem>> -> memref<128xi32, #tpu.memory_space<vmem>>
          %dma_wait3A_112 = arith.constant 0 : i32
          %dma_wait3A_113 = tpu.memref_slice %arg3[%add3A_75, %dma_wait3A_112] : memref<2528x128xi32, #tpu.memory_space<hbm>> -> memref<1x128xi32, #tpu.memory_space<hbm>>
          %dma_wait3A_114 = tpu.memref_squeeze %dma_wait3A_113 : memref<1x128xi32, #tpu.memory_space<hbm>> -> memref<128xi32, #tpu.memory_space<hbm>>
          tpu.wait_dma2 semaphore(%run_scoped3A_90 : memref<!tpu.dma_semaphore, #tpu.memory_space<semaphore_mem>>) src(%dma_wait3A_114 : memref<128xi32, #tpu.memory_space<hbm>>) dst(%dma_wait3A_111 : memref<128xi32, #tpu.memory_space<vmem>>)
          tpu.yield
        }) : () -> ()
        %dma_start3A_76 = arith.constant 0 : i32
        %dma_start3A_77 = arith.constant 0 : i32
        %dma_start3A_78 = tpu.memref_slice %arg7[%sub3A_67, %dma_start3A_76, %dma_start3A_77] : memref<2x128x128xf32, #tpu.memory_space<vmem>> -> memref<1x128x128xf32, #tpu.memory_space<vmem>>
        %dma_start3A_79 = tpu.memref_squeeze %dma_start3A_78 : memref<1x128x128xf32, #tpu.memory_space<vmem>> -> memref<128x128xf32, #tpu.memory_space<vmem>>
        %dma_start3A_80 = arith.constant 0 : i32
        %dma_start3A_81 = tpu.memref_slice %arg2[%mul3A_72, %dma_start3A_80] : memref<323584x128xf32, #tpu.memory_space<hbm>> -> memref<128x128xf32, #tpu.memory_space<hbm>>
        %dma_start3A_82 = tpu.memref_slice %arg9[%sub3A_67] : memref<2x!tpu.dma_semaphore, #tpu.memory_space<semaphore_mem>> -> memref<1x!tpu.dma_semaphore, #tpu.memory_space<semaphore_mem>>
        %dma_start3A_83 = tpu.memref_squeeze %dma_start3A_82 : memref<1x!tpu.dma_semaphore, #tpu.memory_space<semaphore_mem>> -> memref<!tpu.dma_semaphore, #tpu.memory_space<semaphore_mem>>
        %dma_start3A_84 = arith.constant 0 : i32
        %dma_start3A_85 = arith.constant 0 : i32
        %dma_start3A_86 = tpu.memref_slice %arg7[%sub3A_67, %dma_start3A_84, %dma_start3A_85] : memref<2x128x128xf32, #tpu.memory_space<vmem>> -> memref<1x128x128xf32, #tpu.memory_space<vmem>>
        %dma_start3A_87 = tpu.memref_squeeze %dma_start3A_86 : memref<1x128x128xf32, #tpu.memory_space<vmem>> -> memref<128x128xf32, #tpu.memory_space<vmem>>
        %dma_start3A_88 = arith.constant 0 : i32
        %dma_start3A_89 = tpu.memref_slice %arg2[%mul3A_72, %dma_start3A_88] : memref<323584x128xf32, #tpu.memory_space<hbm>> -> memref<128x128xf32, #tpu.memory_space<hbm>>
        tpu.enqueue_dma source(%dma_start3A_89 : memref<128x128xf32, #tpu.memory_space<hbm>>) target(%dma_start3A_87 : memref<128x128xf32, #tpu.memory_space<vmem>>) target_semaphore(%dma_start3A_83 : memref<!tpu.dma_semaphore, #tpu.memory_space<semaphore_mem>>)
      } else {
      }
      %mul3A_47 = arith.constant 79 : i32
      %mul3A_48 = arith.muli %add3A, %mul3A_47 : i32
      %add3A_49 = arith.addi %mul3A_48, %add3A_41 : i32
      %mul3A_50 = arith.constant 128 : i32
      %mul3A_51 = arith.muli %add3A_49, %mul3A_50 : i32
      %dma_wait3A = arith.constant 0 : i32
      %dma_wait3A_52 = arith.constant 0 : i32
      %dma_wait3A_53 = tpu.memref_slice %arg7[%rem3A_42, %dma_wait3A, %dma_wait3A_52] : memref<2x128x128xf32, #tpu.memory_space<vmem>> -> memref<1x128x128xf32, #tpu.memory_space<vmem>>
      %dma_wait3A_54 = tpu.memref_squeeze %dma_wait3A_53 : memref<1x128x128xf32, #tpu.memory_space<vmem>> -> memref<128x128xf32, #tpu.memory_space<vmem>>
      %dma_wait3A_55 = arith.constant 0 : i32
      %dma_wait3A_56 = tpu.memref_slice %arg2[%mul3A_51, %dma_wait3A_55] : memref<323584x128xf32, #tpu.memory_space<hbm>> -> memref<128x128xf32, #tpu.memory_space<hbm>>
      %dma_wait3A_57 = tpu.memref_slice %arg9[%rem3A_42] : memref<2x!tpu.dma_semaphore, #tpu.memory_space<semaphore_mem>> -> memref<1x!tpu.dma_semaphore, #tpu.memory_space<semaphore_mem>>
      %dma_wait3A_58 = tpu.memref_squeeze %dma_wait3A_57 : memref<1x!tpu.dma_semaphore, #tpu.memory_space<semaphore_mem>> -> memref<!tpu.dma_semaphore, #tpu.memory_space<semaphore_mem>>
      %dma_wait3A_59 = arith.constant 0 : i32
      %dma_wait3A_60 = arith.constant 0 : i32
      %dma_wait3A_61 = tpu.memref_slice %arg7[%rem3A_42, %dma_wait3A_59, %dma_wait3A_60] : memref<2x128x128xf32, #tpu.memory_space<vmem>> -> memref<1x128x128xf32, #tpu.memory_space<vmem>>
      %dma_wait3A_62 = tpu.memref_squeeze %dma_wait3A_61 : memref<1x128x128xf32, #tpu.memory_space<vmem>> -> memref<128x128xf32, #tpu.memory_space<vmem>>
      %dma_wait3A_63 = arith.constant 0 : i32
      %dma_wait3A_64 = tpu.memref_slice %arg2[%mul3A_51, %dma_wait3A_63] : memref<323584x128xf32, #tpu.memory_space<hbm>> -> memref<128x128xf32, #tpu.memory_space<hbm>>
      tpu.wait_dma2 semaphore(%dma_wait3A_58 : memref<!tpu.dma_semaphore, #tpu.memory_space<semaphore_mem>>) src(%dma_wait3A_64 : memref<128x128xf32, #tpu.memory_space<hbm>>) dst(%dma_wait3A_62 : memref<128x128xf32, #tpu.memory_space<vmem>>)
      "tpu.region"() ({
        %run_scoped3A_65 = tpu.sem_alloc : memref<!tpu.dma_semaphore, #tpu.memory_space<semaphore_mem>>
        %dma_start3A_66 = arith.constant 0 : i32
        %dma_start3A_67 = arith.constant 0 : i32
        %dma_start3A_68 = tpu.memref_slice %arg7[%rem3A_42, %dma_start3A_66, %dma_start3A_67] : memref<2x128x128xf32, #tpu.memory_space<vmem>> -> memref<1x128x128xf32, #tpu.memory_space<vmem>>
        %dma_start3A_69 = tpu.memref_squeeze %dma_start3A_68 : memref<1x128x128xf32, #tpu.memory_space<vmem>> -> memref<128x128xf32, #tpu.memory_space<vmem>>
        %dma_start3A_70 = arith.constant 0 : i32
        %dma_start3A_71 = tpu.memref_slice %arg6[%rem3A_42, %dma_start3A_70] : memref<2x128xi32, #tpu.memory_space<vmem>> -> memref<1x128xi32, #tpu.memory_space<vmem>>
        %dma_start3A_72 = tpu.memref_squeeze %dma_start3A_71 : memref<1x128xi32, #tpu.memory_space<vmem>> -> memref<128xi32, #tpu.memory_space<vmem>>
        %dma_start3A_73 = arith.constant 0 : i32
        %dma_start3A_74 = arith.constant 0 : i32
        %dma_start3A_75 = tpu.memref_slice %arg8[%dma_start3A_73, %dma_start3A_74] : memref<10112x128xf32, #tpu.memory_space<vmem_shared>> -> memref<10112x128xf32, #tpu.memory_space<vmem_shared>>
        tpu.enqueue_indirect_dma source(%dma_start3A_69 : memref<128x128xf32, #tpu.memory_space<vmem>>) target(%dma_start3A_75 : memref<10112x128xf32, #tpu.memory_space<vmem_shared>>) offsets(%dma_start3A_72 : memref<128xi32, #tpu.memory_space<vmem>>) semaphore(%run_scoped3A_65 : memref<!tpu.dma_semaphore, #tpu.memory_space<semaphore_mem>>) {add = true}
        %dma_wait3A_76 = arith.constant 0 : i32
        %dma_wait3A_77 = arith.constant 0 : i32
        %dma_wait3A_78 = tpu.memref_slice %arg7[%rem3A_42, %dma_wait3A_76, %dma_wait3A_77] : memref<2x128x128xf32, #tpu.memory_space<vmem>> -> memref<1x128x128xf32, #tpu.memory_space<vmem>>
        %dma_wait3A_79 = tpu.memref_squeeze %dma_wait3A_78 : memref<1x128x128xf32, #tpu.memory_space<vmem>> -> memref<128x128xf32, #tpu.memory_space<vmem>>
        %dma_wait3A_80 = arith.constant 0 : i32
        %dma_wait3A_81 = tpu.memref_slice %arg6[%rem3A_42, %dma_wait3A_80] : memref<2x128xi32, #tpu.memory_space<vmem>> -> memref<1x128xi32, #tpu.memory_space<vmem>>
        %dma_wait3A_82 = tpu.memref_squeeze %dma_wait3A_81 : memref<1x128xi32, #tpu.memory_space<vmem>> -> memref<128xi32, #tpu.memory_space<vmem>>
        %dma_wait3A_83 = arith.constant 0 : i32
        %dma_wait3A_84 = arith.constant 0 : i32
        %dma_wait3A_85 = tpu.memref_slice %arg8[%dma_wait3A_83, %dma_wait3A_84] : memref<10112x128xf32, #tpu.memory_space<vmem_shared>> -> memref<10112x128xf32, #tpu.memory_space<vmem_shared>>
        tpu.wait_indirect_dma semaphore(%run_scoped3A_65 : memref<!tpu.dma_semaphore, #tpu.memory_space<semaphore_mem>>) src(%dma_wait3A_79 : memref<128x128xf32, #tpu.memory_space<vmem>>) dst(%dma_wait3A_85 : memref<10112x128xf32, #tpu.memory_space<vmem_shared>>)
        tpu.yield
      }) : () -> ()
    }
    %scan3A_31 = arith.constant 79 : i32
    %barrier3A_32 = arith.constant 0 : index
    tpu.barrier barrier_id(%barrier3A_32)
    %mul3A_33 = arith.constant 632 : i32
    %mul3A_34 = arith.muli %arg1, %mul3A_33 : i32
    %mul3A_35 = arith.constant 632 : i32
    %mul3A_36 = arith.muli %arg1, %mul3A_35 : i32
    "tpu.region"() ({
      %run_scoped3A_37 = tpu.sem_alloc : memref<!tpu.dma_semaphore, #tpu.memory_space<semaphore_mem>>
      %dma_start3A_38 = arith.constant 0 : i32
      %dma_start3A_39 = tpu.memref_slice %arg5[%arg0, %mul3A_36, %dma_start3A_38] : memref<2x10112x128xf32, #tpu.memory_space<hbm>> -> memref<1x632x128xf32, #tpu.memory_space<hbm>>
      %dma_start3A_40 = tpu.memref_squeeze %dma_start3A_39 : memref<1x632x128xf32, #tpu.memory_space<hbm>> -> memref<632x128xf32, #tpu.memory_space<hbm>>
      %dma_start3A_41 = arith.constant 0 : i32
      %dma_start3A_42 = tpu.memref_slice %arg8[%mul3A_34, %dma_start3A_41] : memref<10112x128xf32, #tpu.memory_space<vmem_shared>> -> memref<632x128xf32, #tpu.memory_space<vmem_shared>>
      tpu.enqueue_dma source(%dma_start3A_42 : memref<632x128xf32, #tpu.memory_space<vmem_shared>>) target(%dma_start3A_40 : memref<632x128xf32, #tpu.memory_space<hbm>>) target_semaphore(%run_scoped3A_37 : memref<!tpu.dma_semaphore, #tpu.memory_space<semaphore_mem>>)
      %dma_wait3A = arith.constant 0 : i32
      %dma_wait3A_43 = tpu.memref_slice %arg5[%arg0, %mul3A_36, %dma_wait3A] : memref<2x10112x128xf32, #tpu.memory_space<hbm>> -> memref<1x632x128xf32, #tpu.memory_space<hbm>>
      %dma_wait3A_44 = tpu.memref_squeeze %dma_wait3A_43 : memref<1x632x128xf32, #tpu.memory_space<hbm>> -> memref<632x128xf32, #tpu.memory_space<hbm>>
      %dma_wait3A_45 = arith.constant 0 : i32
      %dma_wait3A_46 = tpu.memref_slice %arg8[%mul3A_34, %dma_wait3A_45] : memref<10112x128xf32, #tpu.memory_space<vmem_shared>> -> memref<632x128xf32, #tpu.memory_space<vmem_shared>>
      tpu.wait_dma2 semaphore(%run_scoped3A_37 : memref<!tpu.dma_semaphore, #tpu.memory_space<semaphore_mem>>) src(%dma_wait3A_46 : memref<632x128xf32, #tpu.memory_space<vmem_shared>>) dst(%dma_wait3A_44 : memref<632x128xf32, #tpu.memory_space<hbm>>)
      tpu.yield
    }) : () -> ()
    return
  }
}

#map = affine_map<(d0, d1) -> (0, 0)>
#map1 = affine_map<(d0, d1) -> (0, 0, 0)>
module attributes {stable_mosaic.version = 14 : i64} {
  func.func @_spmm(%arg0: i32, %arg1: i32, %arg2: memref<10000x128xf32, #tpu.memory_space<hbm>>, %arg3: memref<2528x128xi32, #tpu.memory_space<hbm>>, %arg4: memref<2528x128xi32, #tpu.memory_space<hbm>>, %arg5: memref<632x128xf32, #tpu.memory_space<hbm>>, %arg6: memref<2x10112x128xf32, #tpu.memory_space<hbm>>, %arg7: memref<2x128xi32, #tpu.memory_space<vmem>>, %arg8: memref<2x128xi32, #tpu.memory_space<vmem>>, %arg9: memref<2x128x128xf32, #tpu.memory_space<vmem>>, %arg10: memref<10112x128xf32, #tpu.memory_space<vmem_shared>>, %arg11: memref<2x!tpu.dma_semaphore, #tpu.memory_space<semaphore_mem>>) attributes {dimension_semantics = [#tpu.dimension_semantics<core_parallel>, #tpu.dimension_semantics<subcore_parallel>], iteration_bounds = array<i64: 2, 16>, scalar_prefetch = 0 : i64, scratch_operands = 5 : i64, tpu.core_type = #tpu.core_type<sc_vector_subcore>, window_params = [{transform_indices = #map}, {transform_indices = #map}, {transform_indices = #map}, {transform_indices = #map}, {transform_indices = #map1}]} {
    %mul3A = arith.constant 632 : i32
    %mul3A_0 = arith.muli %arg1, %mul3A : i32
    "tpu.region"() ({
      %run_scoped3A_56 = tpu.sem_alloc : memref<!tpu.dma_semaphore, #tpu.memory_space<semaphore_mem>>
      %dma_start3A_57 = arith.constant 0 : i32
      %dma_start3A_58 = tpu.memref_slice %arg10[%mul3A_0, %dma_start3A_57] : memref<10112x128xf32, #tpu.memory_space<vmem_shared>> -> memref<632x128xf32, #tpu.memory_space<vmem_shared>>
      tpu.enqueue_dma source(%arg5 : memref<632x128xf32, #tpu.memory_space<hbm>>) target(%dma_start3A_58 : memref<632x128xf32, #tpu.memory_space<vmem_shared>>) target_semaphore(%run_scoped3A_56 : memref<!tpu.dma_semaphore, #tpu.memory_space<semaphore_mem>>)
      %dma_wait3A = arith.constant 0 : i32
      %dma_wait3A_59 = tpu.memref_slice %arg10[%mul3A_0, %dma_wait3A] : memref<10112x128xf32, #tpu.memory_space<vmem_shared>> -> memref<632x128xf32, #tpu.memory_space<vmem_shared>>
      tpu.wait_dma2 semaphore(%run_scoped3A_56 : memref<!tpu.dma_semaphore, #tpu.memory_space<semaphore_mem>>) src(%arg5 : memref<632x128xf32, #tpu.memory_space<hbm>>) dst(%dma_wait3A_59 : memref<632x128xf32, #tpu.memory_space<vmem_shared>>)
      tpu.yield
    }) : () -> ()
    %barrier3A = arith.constant 0 : index
    tpu.barrier barrier_id(%barrier3A)
    %eq3A = arith.constant 0 : i32
    %eq3A_1 = arith.cmpi eq, %arg0, %eq3A : i32
    %jit3A = arith.constant 79 : i32
    %jit3A_2 = arith.constant 79 : i32
    %select_n3A = arith.select %eq3A_1, %jit3A, %jit3A_2 : i32
    %eq3A_3 = arith.constant 0 : i32
    %eq3A_4 = arith.cmpi eq, %arg0, %eq3A_3 : i32
    %mul3A_5 = arith.constant 79 : i32
    %mul3A_6 = arith.muli %arg1, %mul3A_5 : i32
    %mul3A_7 = arith.constant 79 : i32
    %mul3A_8 = arith.muli %arg1, %mul3A_7 : i32
    %add3A = arith.constant 1264 : i32
    %add3A_9 = arith.addi %add3A, %mul3A_8 : i32
    %select_n3A_10 = arith.select %eq3A_4, %mul3A_6, %add3A_9 : i32
    %add3A_11 = arith.constant 0 : i32
    %add3A_12 = arith.addi %select_n3A_10, %add3A_11 : i32
    %run_scoped3A = arith.constant 0 : i32
    "tpu.region"() ({
      %run_scoped3A_56 = tpu.sem_alloc : memref<!tpu.dma_semaphore, #tpu.memory_space<semaphore_mem>>
      %dma_start3A_57 = arith.constant 0 : i32
      %dma_start3A_58 = tpu.memref_slice %arg7[%run_scoped3A, %dma_start3A_57] : memref<2x128xi32, #tpu.memory_space<vmem>> -> memref<1x128xi32, #tpu.memory_space<vmem>>
      %dma_start3A_59 = tpu.memref_squeeze %dma_start3A_58 : memref<1x128xi32, #tpu.memory_space<vmem>> -> memref<128xi32, #tpu.memory_space<vmem>>
      %dma_start3A_60 = arith.constant 0 : i32
      %dma_start3A_61 = tpu.memref_slice %arg3[%add3A_12, %dma_start3A_60] : memref<2528x128xi32, #tpu.memory_space<hbm>> -> memref<1x128xi32, #tpu.memory_space<hbm>>
      %dma_start3A_62 = tpu.memref_squeeze %dma_start3A_61 : memref<1x128xi32, #tpu.memory_space<hbm>> -> memref<128xi32, #tpu.memory_space<hbm>>
      %dma_start3A_63 = arith.constant 0 : i32
      %dma_start3A_64 = tpu.memref_slice %arg7[%run_scoped3A, %dma_start3A_63] : memref<2x128xi32, #tpu.memory_space<vmem>> -> memref<1x128xi32, #tpu.memory_space<vmem>>
      %dma_start3A_65 = tpu.memref_squeeze %dma_start3A_64 : memref<1x128xi32, #tpu.memory_space<vmem>> -> memref<128xi32, #tpu.memory_space<vmem>>
      %dma_start3A_66 = arith.constant 0 : i32
      %dma_start3A_67 = tpu.memref_slice %arg3[%add3A_12, %dma_start3A_66] : memref<2528x128xi32, #tpu.memory_space<hbm>> -> memref<1x128xi32, #tpu.memory_space<hbm>>
      %dma_start3A_68 = tpu.memref_squeeze %dma_start3A_67 : memref<1x128xi32, #tpu.memory_space<hbm>> -> memref<128xi32, #tpu.memory_space<hbm>>
      tpu.enqueue_dma source(%dma_start3A_68 : memref<128xi32, #tpu.memory_space<hbm>>) target(%dma_start3A_65 : memref<128xi32, #tpu.memory_space<vmem>>) target_semaphore(%run_scoped3A_56 : memref<!tpu.dma_semaphore, #tpu.memory_space<semaphore_mem>>)
      %dma_wait3A = arith.constant 0 : i32
      %dma_wait3A_69 = tpu.memref_slice %arg7[%run_scoped3A, %dma_wait3A] : memref<2x128xi32, #tpu.memory_space<vmem>> -> memref<1x128xi32, #tpu.memory_space<vmem>>
      %dma_wait3A_70 = tpu.memref_squeeze %dma_wait3A_69 : memref<1x128xi32, #tpu.memory_space<vmem>> -> memref<128xi32, #tpu.memory_space<vmem>>
      %dma_wait3A_71 = arith.constant 0 : i32
      %dma_wait3A_72 = tpu.memref_slice %arg3[%add3A_12, %dma_wait3A_71] : memref<2528x128xi32, #tpu.memory_space<hbm>> -> memref<1x128xi32, #tpu.memory_space<hbm>>
      %dma_wait3A_73 = tpu.memref_squeeze %dma_wait3A_72 : memref<1x128xi32, #tpu.memory_space<hbm>> -> memref<128xi32, #tpu.memory_space<hbm>>
      %dma_wait3A_74 = arith.constant 0 : i32
      %dma_wait3A_75 = tpu.memref_slice %arg7[%run_scoped3A, %dma_wait3A_74] : memref<2x128xi32, #tpu.memory_space<vmem>> -> memref<1x128xi32, #tpu.memory_space<vmem>>
      %dma_wait3A_76 = tpu.memref_squeeze %dma_wait3A_75 : memref<1x128xi32, #tpu.memory_space<vmem>> -> memref<128xi32, #tpu.memory_space<vmem>>
      %dma_wait3A_77 = arith.constant 0 : i32
      %dma_wait3A_78 = tpu.memref_slice %arg3[%add3A_12, %dma_wait3A_77] : memref<2528x128xi32, #tpu.memory_space<hbm>> -> memref<1x128xi32, #tpu.memory_space<hbm>>
      %dma_wait3A_79 = tpu.memref_squeeze %dma_wait3A_78 : memref<1x128xi32, #tpu.memory_space<hbm>> -> memref<128xi32, #tpu.memory_space<hbm>>
      tpu.wait_dma2 semaphore(%run_scoped3A_56 : memref<!tpu.dma_semaphore, #tpu.memory_space<semaphore_mem>>) src(%dma_wait3A_79 : memref<128xi32, #tpu.memory_space<hbm>>) dst(%dma_wait3A_76 : memref<128xi32, #tpu.memory_space<vmem>>)
      tpu.yield
    }) : () -> ()
    %run_scoped3A_13 = arith.constant 0 : i32
    "tpu.region"() ({
      %run_scoped3A_56 = tpu.sem_alloc : memref<!tpu.dma_semaphore, #tpu.memory_space<semaphore_mem>>
      %dma_start3A_57 = arith.constant 0 : i32
      %dma_start3A_58 = tpu.memref_slice %arg8[%run_scoped3A_13, %dma_start3A_57] : memref<2x128xi32, #tpu.memory_space<vmem>> -> memref<1x128xi32, #tpu.memory_space<vmem>>
      %dma_start3A_59 = tpu.memref_squeeze %dma_start3A_58 : memref<1x128xi32, #tpu.memory_space<vmem>> -> memref<128xi32, #tpu.memory_space<vmem>>
      %dma_start3A_60 = arith.constant 0 : i32
      %dma_start3A_61 = tpu.memref_slice %arg4[%add3A_12, %dma_start3A_60] : memref<2528x128xi32, #tpu.memory_space<hbm>> -> memref<1x128xi32, #tpu.memory_space<hbm>>
      %dma_start3A_62 = tpu.memref_squeeze %dma_start3A_61 : memref<1x128xi32, #tpu.memory_space<hbm>> -> memref<128xi32, #tpu.memory_space<hbm>>
      %dma_start3A_63 = arith.constant 0 : i32
      %dma_start3A_64 = tpu.memref_slice %arg8[%run_scoped3A_13, %dma_start3A_63] : memref<2x128xi32, #tpu.memory_space<vmem>> -> memref<1x128xi32, #tpu.memory_space<vmem>>
      %dma_start3A_65 = tpu.memref_squeeze %dma_start3A_64 : memref<1x128xi32, #tpu.memory_space<vmem>> -> memref<128xi32, #tpu.memory_space<vmem>>
      %dma_start3A_66 = arith.constant 0 : i32
      %dma_start3A_67 = tpu.memref_slice %arg4[%add3A_12, %dma_start3A_66] : memref<2528x128xi32, #tpu.memory_space<hbm>> -> memref<1x128xi32, #tpu.memory_space<hbm>>
      %dma_start3A_68 = tpu.memref_squeeze %dma_start3A_67 : memref<1x128xi32, #tpu.memory_space<hbm>> -> memref<128xi32, #tpu.memory_space<hbm>>
      tpu.enqueue_dma source(%dma_start3A_68 : memref<128xi32, #tpu.memory_space<hbm>>) target(%dma_start3A_65 : memref<128xi32, #tpu.memory_space<vmem>>) target_semaphore(%run_scoped3A_56 : memref<!tpu.dma_semaphore, #tpu.memory_space<semaphore_mem>>)
      %dma_wait3A = arith.constant 0 : i32
      %dma_wait3A_69 = tpu.memref_slice %arg8[%run_scoped3A_13, %dma_wait3A] : memref<2x128xi32, #tpu.memory_space<vmem>> -> memref<1x128xi32, #tpu.memory_space<vmem>>
      %dma_wait3A_70 = tpu.memref_squeeze %dma_wait3A_69 : memref<1x128xi32, #tpu.memory_space<vmem>> -> memref<128xi32, #tpu.memory_space<vmem>>
      %dma_wait3A_71 = arith.constant 0 : i32
      %dma_wait3A_72 = tpu.memref_slice %arg4[%add3A_12, %dma_wait3A_71] : memref<2528x128xi32, #tpu.memory_space<hbm>> -> memref<1x128xi32, #tpu.memory_space<hbm>>
      %dma_wait3A_73 = tpu.memref_squeeze %dma_wait3A_72 : memref<1x128xi32, #tpu.memory_space<hbm>> -> memref<128xi32, #tpu.memory_space<hbm>>
      %dma_wait3A_74 = arith.constant 0 : i32
      %dma_wait3A_75 = tpu.memref_slice %arg8[%run_scoped3A_13, %dma_wait3A_74] : memref<2x128xi32, #tpu.memory_space<vmem>> -> memref<1x128xi32, #tpu.memory_space<vmem>>
      %dma_wait3A_76 = tpu.memref_squeeze %dma_wait3A_75 : memref<1x128xi32, #tpu.memory_space<vmem>> -> memref<128xi32, #tpu.memory_space<vmem>>
      %dma_wait3A_77 = arith.constant 0 : i32
      %dma_wait3A_78 = tpu.memref_slice %arg4[%add3A_12, %dma_wait3A_77] : memref<2528x128xi32, #tpu.memory_space<hbm>> -> memref<1x128xi32, #tpu.memory_space<hbm>>
      %dma_wait3A_79 = tpu.memref_squeeze %dma_wait3A_78 : memref<1x128xi32, #tpu.memory_space<hbm>> -> memref<128xi32, #tpu.memory_space<hbm>>
      tpu.wait_dma2 semaphore(%run_scoped3A_56 : memref<!tpu.dma_semaphore, #tpu.memory_space<semaphore_mem>>) src(%dma_wait3A_79 : memref<128xi32, #tpu.memory_space<hbm>>) dst(%dma_wait3A_76 : memref<128xi32, #tpu.memory_space<vmem>>)
      tpu.yield
    }) : () -> ()
    %dma_start3A = arith.constant 0 : i32
    %dma_start3A_14 = arith.constant 0 : i32
    %dma_start3A_15 = arith.constant 0 : i32
    %dma_start3A_16 = arith.constant 0 : i32
    %dma_start3A_17 = arith.constant 0 : i32
    %dma_start3A_18 = tpu.memref_slice %arg9[%dma_start3A_14, %dma_start3A_16, %dma_start3A_17] : memref<2x128x128xf32, #tpu.memory_space<vmem>> -> memref<1x128x128xf32, #tpu.memory_space<vmem>>
    %dma_start3A_19 = tpu.memref_squeeze %dma_start3A_18 : memref<1x128x128xf32, #tpu.memory_space<vmem>> -> memref<128x128xf32, #tpu.memory_space<vmem>>
    %dma_start3A_20 = arith.constant 0 : i32
    %dma_start3A_21 = tpu.memref_slice %arg7[%dma_start3A, %dma_start3A_20] : memref<2x128xi32, #tpu.memory_space<vmem>> -> memref<1x128xi32, #tpu.memory_space<vmem>>
    %dma_start3A_22 = tpu.memref_squeeze %dma_start3A_21 : memref<1x128xi32, #tpu.memory_space<vmem>> -> memref<128xi32, #tpu.memory_space<vmem>>
    %dma_start3A_23 = arith.constant 0 : i32
    %dma_start3A_24 = arith.constant 0 : i32
    %dma_start3A_25 = tpu.memref_slice %arg2[%dma_start3A_23, %dma_start3A_24] : memref<10000x128xf32, #tpu.memory_space<hbm>> -> memref<10000x128xf32, #tpu.memory_space<hbm>>
    %dma_start3A_26 = tpu.memref_slice %arg11[%dma_start3A_15] : memref<2x!tpu.dma_semaphore, #tpu.memory_space<semaphore_mem>> -> memref<1x!tpu.dma_semaphore, #tpu.memory_space<semaphore_mem>>
    %dma_start3A_27 = tpu.memref_squeeze %dma_start3A_26 : memref<1x!tpu.dma_semaphore, #tpu.memory_space<semaphore_mem>> -> memref<!tpu.dma_semaphore, #tpu.memory_space<semaphore_mem>>
    tpu.enqueue_indirect_dma source(%dma_start3A_25 : memref<10000x128xf32, #tpu.memory_space<hbm>>) target(%dma_start3A_19 : memref<128x128xf32, #tpu.memory_space<vmem>>) offsets(%dma_start3A_22 : memref<128xi32, #tpu.memory_space<vmem>>) semaphore(%dma_start3A_27 : memref<!tpu.dma_semaphore, #tpu.memory_space<semaphore_mem>>)
    %add3A_28 = arith.constant 1 : i32
    %add3A_29 = arith.addi %select_n3A_10, %add3A_28 : i32
    %run_scoped3A_30 = arith.constant 1 : i32
    "tpu.region"() ({
      %run_scoped3A_56 = tpu.sem_alloc : memref<!tpu.dma_semaphore, #tpu.memory_space<semaphore_mem>>
      %dma_start3A_57 = arith.constant 0 : i32
      %dma_start3A_58 = tpu.memref_slice %arg7[%run_scoped3A_30, %dma_start3A_57] : memref<2x128xi32, #tpu.memory_space<vmem>> -> memref<1x128xi32, #tpu.memory_space<vmem>>
      %dma_start3A_59 = tpu.memref_squeeze %dma_start3A_58 : memref<1x128xi32, #tpu.memory_space<vmem>> -> memref<128xi32, #tpu.memory_space<vmem>>
      %dma_start3A_60 = arith.constant 0 : i32
      %dma_start3A_61 = tpu.memref_slice %arg3[%add3A_29, %dma_start3A_60] : memref<2528x128xi32, #tpu.memory_space<hbm>> -> memref<1x128xi32, #tpu.memory_space<hbm>>
      %dma_start3A_62 = tpu.memref_squeeze %dma_start3A_61 : memref<1x128xi32, #tpu.memory_space<hbm>> -> memref<128xi32, #tpu.memory_space<hbm>>
      %dma_start3A_63 = arith.constant 0 : i32
      %dma_start3A_64 = tpu.memref_slice %arg7[%run_scoped3A_30, %dma_start3A_63] : memref<2x128xi32, #tpu.memory_space<vmem>> -> memref<1x128xi32, #tpu.memory_space<vmem>>
      %dma_start3A_65 = tpu.memref_squeeze %dma_start3A_64 : memref<1x128xi32, #tpu.memory_space<vmem>> -> memref<128xi32, #tpu.memory_space<vmem>>
      %dma_start3A_66 = arith.constant 0 : i32
      %dma_start3A_67 = tpu.memref_slice %arg3[%add3A_29, %dma_start3A_66] : memref<2528x128xi32, #tpu.memory_space<hbm>> -> memref<1x128xi32, #tpu.memory_space<hbm>>
      %dma_start3A_68 = tpu.memref_squeeze %dma_start3A_67 : memref<1x128xi32, #tpu.memory_space<hbm>> -> memref<128xi32, #tpu.memory_space<hbm>>
      tpu.enqueue_dma source(%dma_start3A_68 : memref<128xi32, #tpu.memory_space<hbm>>) target(%dma_start3A_65 : memref<128xi32, #tpu.memory_space<vmem>>) target_semaphore(%run_scoped3A_56 : memref<!tpu.dma_semaphore, #tpu.memory_space<semaphore_mem>>)
      %dma_wait3A = arith.constant 0 : i32
      %dma_wait3A_69 = tpu.memref_slice %arg7[%run_scoped3A_30, %dma_wait3A] : memref<2x128xi32, #tpu.memory_space<vmem>> -> memref<1x128xi32, #tpu.memory_space<vmem>>
      %dma_wait3A_70 = tpu.memref_squeeze %dma_wait3A_69 : memref<1x128xi32, #tpu.memory_space<vmem>> -> memref<128xi32, #tpu.memory_space<vmem>>
      %dma_wait3A_71 = arith.constant 0 : i32
      %dma_wait3A_72 = tpu.memref_slice %arg3[%add3A_29, %dma_wait3A_71] : memref<2528x128xi32, #tpu.memory_space<hbm>> -> memref<1x128xi32, #tpu.memory_space<hbm>>
      %dma_wait3A_73 = tpu.memref_squeeze %dma_wait3A_72 : memref<1x128xi32, #tpu.memory_space<hbm>> -> memref<128xi32, #tpu.memory_space<hbm>>
      %dma_wait3A_74 = arith.constant 0 : i32
      %dma_wait3A_75 = tpu.memref_slice %arg7[%run_scoped3A_30, %dma_wait3A_74] : memref<2x128xi32, #tpu.memory_space<vmem>> -> memref<1x128xi32, #tpu.memory_space<vmem>>
      %dma_wait3A_76 = tpu.memref_squeeze %dma_wait3A_75 : memref<1x128xi32, #tpu.memory_space<vmem>> -> memref<128xi32, #tpu.memory_space<vmem>>
      %dma_wait3A_77 = arith.constant 0 : i32
      %dma_wait3A_78 = tpu.memref_slice %arg3[%add3A_29, %dma_wait3A_77] : memref<2528x128xi32, #tpu.memory_space<hbm>> -> memref<1x128xi32, #tpu.memory_space<hbm>>
      %dma_wait3A_79 = tpu.memref_squeeze %dma_wait3A_78 : memref<1x128xi32, #tpu.memory_space<hbm>> -> memref<128xi32, #tpu.memory_space<hbm>>
      tpu.wait_dma2 semaphore(%run_scoped3A_56 : memref<!tpu.dma_semaphore, #tpu.memory_space<semaphore_mem>>) src(%dma_wait3A_79 : memref<128xi32, #tpu.memory_space<hbm>>) dst(%dma_wait3A_76 : memref<128xi32, #tpu.memory_space<vmem>>)
      tpu.yield
    }) : () -> ()
    %run_scoped3A_31 = arith.constant 1 : i32
    "tpu.region"() ({
      %run_scoped3A_56 = tpu.sem_alloc : memref<!tpu.dma_semaphore, #tpu.memory_space<semaphore_mem>>
      %dma_start3A_57 = arith.constant 0 : i32
      %dma_start3A_58 = tpu.memref_slice %arg8[%run_scoped3A_31, %dma_start3A_57] : memref<2x128xi32, #tpu.memory_space<vmem>> -> memref<1x128xi32, #tpu.memory_space<vmem>>
      %dma_start3A_59 = tpu.memref_squeeze %dma_start3A_58 : memref<1x128xi32, #tpu.memory_space<vmem>> -> memref<128xi32, #tpu.memory_space<vmem>>
      %dma_start3A_60 = arith.constant 0 : i32
      %dma_start3A_61 = tpu.memref_slice %arg4[%add3A_29, %dma_start3A_60] : memref<2528x128xi32, #tpu.memory_space<hbm>> -> memref<1x128xi32, #tpu.memory_space<hbm>>
      %dma_start3A_62 = tpu.memref_squeeze %dma_start3A_61 : memref<1x128xi32, #tpu.memory_space<hbm>> -> memref<128xi32, #tpu.memory_space<hbm>>
      %dma_start3A_63 = arith.constant 0 : i32
      %dma_start3A_64 = tpu.memref_slice %arg8[%run_scoped3A_31, %dma_start3A_63] : memref<2x128xi32, #tpu.memory_space<vmem>> -> memref<1x128xi32, #tpu.memory_space<vmem>>
      %dma_start3A_65 = tpu.memref_squeeze %dma_start3A_64 : memref<1x128xi32, #tpu.memory_space<vmem>> -> memref<128xi32, #tpu.memory_space<vmem>>
      %dma_start3A_66 = arith.constant 0 : i32
      %dma_start3A_67 = tpu.memref_slice %arg4[%add3A_29, %dma_start3A_66] : memref<2528x128xi32, #tpu.memory_space<hbm>> -> memref<1x128xi32, #tpu.memory_space<hbm>>
      %dma_start3A_68 = tpu.memref_squeeze %dma_start3A_67 : memref<1x128xi32, #tpu.memory_space<hbm>> -> memref<128xi32, #tpu.memory_space<hbm>>
      tpu.enqueue_dma source(%dma_start3A_68 : memref<128xi32, #tpu.memory_space<hbm>>) target(%dma_start3A_65 : memref<128xi32, #tpu.memory_space<vmem>>) target_semaphore(%run_scoped3A_56 : memref<!tpu.dma_semaphore, #tpu.memory_space<semaphore_mem>>)
      %dma_wait3A = arith.constant 0 : i32
      %dma_wait3A_69 = tpu.memref_slice %arg8[%run_scoped3A_31, %dma_wait3A] : memref<2x128xi32, #tpu.memory_space<vmem>> -> memref<1x128xi32, #tpu.memory_space<vmem>>
      %dma_wait3A_70 = tpu.memref_squeeze %dma_wait3A_69 : memref<1x128xi32, #tpu.memory_space<vmem>> -> memref<128xi32, #tpu.memory_space<vmem>>
      %dma_wait3A_71 = arith.constant 0 : i32
      %dma_wait3A_72 = tpu.memref_slice %arg4[%add3A_29, %dma_wait3A_71] : memref<2528x128xi32, #tpu.memory_space<hbm>> -> memref<1x128xi32, #tpu.memory_space<hbm>>
      %dma_wait3A_73 = tpu.memref_squeeze %dma_wait3A_72 : memref<1x128xi32, #tpu.memory_space<hbm>> -> memref<128xi32, #tpu.memory_space<hbm>>
      %dma_wait3A_74 = arith.constant 0 : i32
      %dma_wait3A_75 = tpu.memref_slice %arg8[%run_scoped3A_31, %dma_wait3A_74] : memref<2x128xi32, #tpu.memory_space<vmem>> -> memref<1x128xi32, #tpu.memory_space<vmem>>
      %dma_wait3A_76 = tpu.memref_squeeze %dma_wait3A_75 : memref<1x128xi32, #tpu.memory_space<vmem>> -> memref<128xi32, #tpu.memory_space<vmem>>
      %dma_wait3A_77 = arith.constant 0 : i32
      %dma_wait3A_78 = tpu.memref_slice %arg4[%add3A_29, %dma_wait3A_77] : memref<2528x128xi32, #tpu.memory_space<hbm>> -> memref<1x128xi32, #tpu.memory_space<hbm>>
      %dma_wait3A_79 = tpu.memref_squeeze %dma_wait3A_78 : memref<1x128xi32, #tpu.memory_space<hbm>> -> memref<128xi32, #tpu.memory_space<hbm>>
      tpu.wait_dma2 semaphore(%run_scoped3A_56 : memref<!tpu.dma_semaphore, #tpu.memory_space<semaphore_mem>>) src(%dma_wait3A_79 : memref<128xi32, #tpu.memory_space<hbm>>) dst(%dma_wait3A_76 : memref<128xi32, #tpu.memory_space<vmem>>)
      tpu.yield
    }) : () -> ()
    %dma_start3A_32 = arith.constant 1 : i32
    %dma_start3A_33 = arith.constant 1 : i32
    %dma_start3A_34 = arith.constant 1 : i32
    %dma_start3A_35 = arith.constant 0 : i32
    %dma_start3A_36 = arith.constant 0 : i32
    %dma_start3A_37 = tpu.memref_slice %arg9[%dma_start3A_33, %dma_start3A_35, %dma_start3A_36] : memref<2x128x128xf32, #tpu.memory_space<vmem>> -> memref<1x128x128xf32, #tpu.memory_space<vmem>>
    %dma_start3A_38 = tpu.memref_squeeze %dma_start3A_37 : memref<1x128x128xf32, #tpu.memory_space<vmem>> -> memref<128x128xf32, #tpu.memory_space<vmem>>
    %dma_start3A_39 = arith.constant 0 : i32
    %dma_start3A_40 = tpu.memref_slice %arg7[%dma_start3A_32, %dma_start3A_39] : memref<2x128xi32, #tpu.memory_space<vmem>> -> memref<1x128xi32, #tpu.memory_space<vmem>>
    %dma_start3A_41 = tpu.memref_squeeze %dma_start3A_40 : memref<1x128xi32, #tpu.memory_space<vmem>> -> memref<128xi32, #tpu.memory_space<vmem>>
    %dma_start3A_42 = arith.constant 0 : i32
    %dma_start3A_43 = arith.constant 0 : i32
    %dma_start3A_44 = tpu.memref_slice %arg2[%dma_start3A_42, %dma_start3A_43] : memref<10000x128xf32, #tpu.memory_space<hbm>> -> memref<10000x128xf32, #tpu.memory_space<hbm>>
    %dma_start3A_45 = tpu.memref_slice %arg11[%dma_start3A_34] : memref<2x!tpu.dma_semaphore, #tpu.memory_space<semaphore_mem>> -> memref<1x!tpu.dma_semaphore, #tpu.memory_space<semaphore_mem>>
    %dma_start3A_46 = tpu.memref_squeeze %dma_start3A_45 : memref<1x!tpu.dma_semaphore, #tpu.memory_space<semaphore_mem>> -> memref<!tpu.dma_semaphore, #tpu.memory_space<semaphore_mem>>
    tpu.enqueue_indirect_dma source(%dma_start3A_44 : memref<10000x128xf32, #tpu.memory_space<hbm>>) target(%dma_start3A_38 : memref<128x128xf32, #tpu.memory_space<vmem>>) offsets(%dma_start3A_41 : memref<128xi32, #tpu.memory_space<vmem>>) semaphore(%dma_start3A_46 : memref<!tpu.dma_semaphore, #tpu.memory_space<semaphore_mem>>)
    %scan3A = arith.constant 0 : i32
    %scan3A_47 = arith.constant 79 : i32
    %scan3A_48 = arith.addi %scan3A, %scan3A_47 : i32
    %scan3A_49 = arith.constant 1 : i32
    scf.for %scan3A_56 = %scan3A to %scan3A_48 step %scan3A_49  : i32 {
      %mul3A_57 = arith.constant 1 : i32
      %mul3A_58 = arith.muli %scan3A_56, %mul3A_57 : i32
      %add3A_59 = arith.constant 0 : i32
      %add3A_60 = arith.addi %add3A_59, %mul3A_58 : i32
      %lt3A = arith.cmpi slt, %add3A_60, %select_n3A : i32
      %convert_element_type3A = arith.extui %lt3A : i1 to i32
      %cond3A = arith.constant 0 : i32
      %cond3A_61 = arith.cmpi ne, %convert_element_type3A, %cond3A : i32
      scf.if %cond3A_61 {
        %rem3A = arith.constant 2 : i32
        %rem3A_62 = arith.remsi %add3A_60, %rem3A : i32
        %dma_wait3A = arith.constant 0 : i32
        %dma_wait3A_63 = arith.constant 0 : i32
        %dma_wait3A_64 = tpu.memref_slice %arg9[%rem3A_62, %dma_wait3A, %dma_wait3A_63] : memref<2x128x128xf32, #tpu.memory_space<vmem>> -> memref<1x128x128xf32, #tpu.memory_space<vmem>>
        %dma_wait3A_65 = tpu.memref_squeeze %dma_wait3A_64 : memref<1x128x128xf32, #tpu.memory_space<vmem>> -> memref<128x128xf32, #tpu.memory_space<vmem>>
        %dma_wait3A_66 = arith.constant 0 : i32
        %dma_wait3A_67 = tpu.memref_slice %arg7[%rem3A_62, %dma_wait3A_66] : memref<2x128xi32, #tpu.memory_space<vmem>> -> memref<1x128xi32, #tpu.memory_space<vmem>>
        %dma_wait3A_68 = tpu.memref_squeeze %dma_wait3A_67 : memref<1x128xi32, #tpu.memory_space<vmem>> -> memref<128xi32, #tpu.memory_space<vmem>>
        %dma_wait3A_69 = arith.constant 0 : i32
        %dma_wait3A_70 = arith.constant 0 : i32
        %dma_wait3A_71 = tpu.memref_slice %arg2[%dma_wait3A_69, %dma_wait3A_70] : memref<10000x128xf32, #tpu.memory_space<hbm>> -> memref<10000x128xf32, #tpu.memory_space<hbm>>
        %dma_wait3A_72 = tpu.memref_slice %arg11[%rem3A_62] : memref<2x!tpu.dma_semaphore, #tpu.memory_space<semaphore_mem>> -> memref<1x!tpu.dma_semaphore, #tpu.memory_space<semaphore_mem>>
        %dma_wait3A_73 = tpu.memref_squeeze %dma_wait3A_72 : memref<1x!tpu.dma_semaphore, #tpu.memory_space<semaphore_mem>> -> memref<!tpu.dma_semaphore, #tpu.memory_space<semaphore_mem>>
        tpu.wait_indirect_dma semaphore(%dma_wait3A_73 : memref<!tpu.dma_semaphore, #tpu.memory_space<semaphore_mem>>) src(%dma_wait3A_71 : memref<10000x128xf32, #tpu.memory_space<hbm>>) dst(%dma_wait3A_65 : memref<128x128xf32, #tpu.memory_space<vmem>>)
        "tpu.region"() ({
          %run_scoped3A_80 = tpu.sem_alloc : memref<!tpu.dma_semaphore, #tpu.memory_space<semaphore_mem>>
          %dma_start3A_81 = arith.constant 0 : i32
          %dma_start3A_82 = arith.constant 0 : i32
          %dma_start3A_83 = tpu.memref_slice %arg9[%rem3A_62, %dma_start3A_81, %dma_start3A_82] : memref<2x128x128xf32, #tpu.memory_space<vmem>> -> memref<1x128x128xf32, #tpu.memory_space<vmem>>
          %dma_start3A_84 = tpu.memref_squeeze %dma_start3A_83 : memref<1x128x128xf32, #tpu.memory_space<vmem>> -> memref<128x128xf32, #tpu.memory_space<vmem>>
          %dma_start3A_85 = arith.constant 0 : i32
          %dma_start3A_86 = tpu.memref_slice %arg8[%rem3A_62, %dma_start3A_85] : memref<2x128xi32, #tpu.memory_space<vmem>> -> memref<1x128xi32, #tpu.memory_space<vmem>>
          %dma_start3A_87 = tpu.memref_squeeze %dma_start3A_86 : memref<1x128xi32, #tpu.memory_space<vmem>> -> memref<128xi32, #tpu.memory_space<vmem>>
          %dma_start3A_88 = arith.constant 0 : i32
          %dma_start3A_89 = arith.constant 0 : i32
          %dma_start3A_90 = tpu.memref_slice %arg10[%dma_start3A_88, %dma_start3A_89] : memref<10112x128xf32, #tpu.memory_space<vmem_shared>> -> memref<10112x128xf32, #tpu.memory_space<vmem_shared>>
          tpu.enqueue_indirect_dma source(%dma_start3A_84 : memref<128x128xf32, #tpu.memory_space<vmem>>) target(%dma_start3A_90 : memref<10112x128xf32, #tpu.memory_space<vmem_shared>>) offsets(%dma_start3A_87 : memref<128xi32, #tpu.memory_space<vmem>>) semaphore(%run_scoped3A_80 : memref<!tpu.dma_semaphore, #tpu.memory_space<semaphore_mem>>) {add = true}
          %dma_wait3A_91 = arith.constant 0 : i32
          %dma_wait3A_92 = arith.constant 0 : i32
          %dma_wait3A_93 = tpu.memref_slice %arg9[%rem3A_62, %dma_wait3A_91, %dma_wait3A_92] : memref<2x128x128xf32, #tpu.memory_space<vmem>> -> memref<1x128x128xf32, #tpu.memory_space<vmem>>
          %dma_wait3A_94 = tpu.memref_squeeze %dma_wait3A_93 : memref<1x128x128xf32, #tpu.memory_space<vmem>> -> memref<128x128xf32, #tpu.memory_space<vmem>>
          %dma_wait3A_95 = arith.constant 0 : i32
          %dma_wait3A_96 = tpu.memref_slice %arg8[%rem3A_62, %dma_wait3A_95] : memref<2x128xi32, #tpu.memory_space<vmem>> -> memref<1x128xi32, #tpu.memory_space<vmem>>
          %dma_wait3A_97 = tpu.memref_squeeze %dma_wait3A_96 : memref<1x128xi32, #tpu.memory_space<vmem>> -> memref<128xi32, #tpu.memory_space<vmem>>
          %dma_wait3A_98 = arith.constant 0 : i32
          %dma_wait3A_99 = arith.constant 0 : i32
          %dma_wait3A_100 = tpu.memref_slice %arg10[%dma_wait3A_98, %dma_wait3A_99] : memref<10112x128xf32, #tpu.memory_space<vmem_shared>> -> memref<10112x128xf32, #tpu.memory_space<vmem_shared>>
          tpu.wait_indirect_dma semaphore(%run_scoped3A_80 : memref<!tpu.dma_semaphore, #tpu.memory_space<semaphore_mem>>) src(%dma_wait3A_94 : memref<128x128xf32, #tpu.memory_space<vmem>>) dst(%dma_wait3A_100 : memref<10112x128xf32, #tpu.memory_space<vmem_shared>>)
          tpu.yield
        }) : () -> ()
        %add3A_74 = arith.constant 2 : i32
        %add3A_75 = arith.addi %add3A_60, %add3A_74 : i32
        %lt3A_76 = arith.cmpi slt, %add3A_75, %select_n3A : i32
        %convert_element_type3A_77 = arith.extui %lt3A_76 : i1 to i32
        %cond3A_78 = arith.constant 0 : i32
        %cond3A_79 = arith.cmpi ne, %convert_element_type3A_77, %cond3A_78 : i32
        scf.if %cond3A_79 {
          %add3A_80 = arith.constant 2 : i32
          %add3A_81 = arith.addi %add3A_60, %add3A_80 : i32
          %add3A_82 = arith.addi %select_n3A_10, %add3A_81 : i32
          "tpu.region"() ({
            %run_scoped3A_95 = tpu.sem_alloc : memref<!tpu.dma_semaphore, #tpu.memory_space<semaphore_mem>>
            %dma_start3A_96 = arith.constant 0 : i32
            %dma_start3A_97 = tpu.memref_slice %arg7[%rem3A_62, %dma_start3A_96] : memref<2x128xi32, #tpu.memory_space<vmem>> -> memref<1x128xi32, #tpu.memory_space<vmem>>
            %dma_start3A_98 = tpu.memref_squeeze %dma_start3A_97 : memref<1x128xi32, #tpu.memory_space<vmem>> -> memref<128xi32, #tpu.memory_space<vmem>>
            %dma_start3A_99 = arith.constant 0 : i32
            %dma_start3A_100 = tpu.memref_slice %arg3[%add3A_82, %dma_start3A_99] : memref<2528x128xi32, #tpu.memory_space<hbm>> -> memref<1x128xi32, #tpu.memory_space<hbm>>
            %dma_start3A_101 = tpu.memref_squeeze %dma_start3A_100 : memref<1x128xi32, #tpu.memory_space<hbm>> -> memref<128xi32, #tpu.memory_space<hbm>>
            %dma_start3A_102 = arith.constant 0 : i32
            %dma_start3A_103 = tpu.memref_slice %arg7[%rem3A_62, %dma_start3A_102] : memref<2x128xi32, #tpu.memory_space<vmem>> -> memref<1x128xi32, #tpu.memory_space<vmem>>
            %dma_start3A_104 = tpu.memref_squeeze %dma_start3A_103 : memref<1x128xi32, #tpu.memory_space<vmem>> -> memref<128xi32, #tpu.memory_space<vmem>>
            %dma_start3A_105 = arith.constant 0 : i32
            %dma_start3A_106 = tpu.memref_slice %arg3[%add3A_82, %dma_start3A_105] : memref<2528x128xi32, #tpu.memory_space<hbm>> -> memref<1x128xi32, #tpu.memory_space<hbm>>
            %dma_start3A_107 = tpu.memref_squeeze %dma_start3A_106 : memref<1x128xi32, #tpu.memory_space<hbm>> -> memref<128xi32, #tpu.memory_space<hbm>>
            tpu.enqueue_dma source(%dma_start3A_107 : memref<128xi32, #tpu.memory_space<hbm>>) target(%dma_start3A_104 : memref<128xi32, #tpu.memory_space<vmem>>) target_semaphore(%run_scoped3A_95 : memref<!tpu.dma_semaphore, #tpu.memory_space<semaphore_mem>>)
            %dma_wait3A_108 = arith.constant 0 : i32
            %dma_wait3A_109 = tpu.memref_slice %arg7[%rem3A_62, %dma_wait3A_108] : memref<2x128xi32, #tpu.memory_space<vmem>> -> memref<1x128xi32, #tpu.memory_space<vmem>>
            %dma_wait3A_110 = tpu.memref_squeeze %dma_wait3A_109 : memref<1x128xi32, #tpu.memory_space<vmem>> -> memref<128xi32, #tpu.memory_space<vmem>>
            %dma_wait3A_111 = arith.constant 0 : i32
            %dma_wait3A_112 = tpu.memref_slice %arg3[%add3A_82, %dma_wait3A_111] : memref<2528x128xi32, #tpu.memory_space<hbm>> -> memref<1x128xi32, #tpu.memory_space<hbm>>
            %dma_wait3A_113 = tpu.memref_squeeze %dma_wait3A_112 : memref<1x128xi32, #tpu.memory_space<hbm>> -> memref<128xi32, #tpu.memory_space<hbm>>
            %dma_wait3A_114 = arith.constant 0 : i32
            %dma_wait3A_115 = tpu.memref_slice %arg7[%rem3A_62, %dma_wait3A_114] : memref<2x128xi32, #tpu.memory_space<vmem>> -> memref<1x128xi32, #tpu.memory_space<vmem>>
            %dma_wait3A_116 = tpu.memref_squeeze %dma_wait3A_115 : memref<1x128xi32, #tpu.memory_space<vmem>> -> memref<128xi32, #tpu.memory_space<vmem>>
            %dma_wait3A_117 = arith.constant 0 : i32
            %dma_wait3A_118 = tpu.memref_slice %arg3[%add3A_82, %dma_wait3A_117] : memref<2528x128xi32, #tpu.memory_space<hbm>> -> memref<1x128xi32, #tpu.memory_space<hbm>>
            %dma_wait3A_119 = tpu.memref_squeeze %dma_wait3A_118 : memref<1x128xi32, #tpu.memory_space<hbm>> -> memref<128xi32, #tpu.memory_space<hbm>>
            tpu.wait_dma2 semaphore(%run_scoped3A_95 : memref<!tpu.dma_semaphore, #tpu.memory_space<semaphore_mem>>) src(%dma_wait3A_119 : memref<128xi32, #tpu.memory_space<hbm>>) dst(%dma_wait3A_116 : memref<128xi32, #tpu.memory_space<vmem>>)
            tpu.yield
          }) : () -> ()
          "tpu.region"() ({
            %run_scoped3A_95 = tpu.sem_alloc : memref<!tpu.dma_semaphore, #tpu.memory_space<semaphore_mem>>
            %dma_start3A_96 = arith.constant 0 : i32
            %dma_start3A_97 = tpu.memref_slice %arg8[%rem3A_62, %dma_start3A_96] : memref<2x128xi32, #tpu.memory_space<vmem>> -> memref<1x128xi32, #tpu.memory_space<vmem>>
            %dma_start3A_98 = tpu.memref_squeeze %dma_start3A_97 : memref<1x128xi32, #tpu.memory_space<vmem>> -> memref<128xi32, #tpu.memory_space<vmem>>
            %dma_start3A_99 = arith.constant 0 : i32
            %dma_start3A_100 = tpu.memref_slice %arg4[%add3A_82, %dma_start3A_99] : memref<2528x128xi32, #tpu.memory_space<hbm>> -> memref<1x128xi32, #tpu.memory_space<hbm>>
            %dma_start3A_101 = tpu.memref_squeeze %dma_start3A_100 : memref<1x128xi32, #tpu.memory_space<hbm>> -> memref<128xi32, #tpu.memory_space<hbm>>
            %dma_start3A_102 = arith.constant 0 : i32
            %dma_start3A_103 = tpu.memref_slice %arg8[%rem3A_62, %dma_start3A_102] : memref<2x128xi32, #tpu.memory_space<vmem>> -> memref<1x128xi32, #tpu.memory_space<vmem>>
            %dma_start3A_104 = tpu.memref_squeeze %dma_start3A_103 : memref<1x128xi32, #tpu.memory_space<vmem>> -> memref<128xi32, #tpu.memory_space<vmem>>
            %dma_start3A_105 = arith.constant 0 : i32
            %dma_start3A_106 = tpu.memref_slice %arg4[%add3A_82, %dma_start3A_105] : memref<2528x128xi32, #tpu.memory_space<hbm>> -> memref<1x128xi32, #tpu.memory_space<hbm>>
            %dma_start3A_107 = tpu.memref_squeeze %dma_start3A_106 : memref<1x128xi32, #tpu.memory_space<hbm>> -> memref<128xi32, #tpu.memory_space<hbm>>
            tpu.enqueue_dma source(%dma_start3A_107 : memref<128xi32, #tpu.memory_space<hbm>>) target(%dma_start3A_104 : memref<128xi32, #tpu.memory_space<vmem>>) target_semaphore(%run_scoped3A_95 : memref<!tpu.dma_semaphore, #tpu.memory_space<semaphore_mem>>)
            %dma_wait3A_108 = arith.constant 0 : i32
            %dma_wait3A_109 = tpu.memref_slice %arg8[%rem3A_62, %dma_wait3A_108] : memref<2x128xi32, #tpu.memory_space<vmem>> -> memref<1x128xi32, #tpu.memory_space<vmem>>
            %dma_wait3A_110 = tpu.memref_squeeze %dma_wait3A_109 : memref<1x128xi32, #tpu.memory_space<vmem>> -> memref<128xi32, #tpu.memory_space<vmem>>
            %dma_wait3A_111 = arith.constant 0 : i32
            %dma_wait3A_112 = tpu.memref_slice %arg4[%add3A_82, %dma_wait3A_111] : memref<2528x128xi32, #tpu.memory_space<hbm>> -> memref<1x128xi32, #tpu.memory_space<hbm>>
            %dma_wait3A_113 = tpu.memref_squeeze %dma_wait3A_112 : memref<1x128xi32, #tpu.memory_space<hbm>> -> memref<128xi32, #tpu.memory_space<hbm>>
            %dma_wait3A_114 = arith.constant 0 : i32
            %dma_wait3A_115 = tpu.memref_slice %arg8[%rem3A_62, %dma_wait3A_114] : memref<2x128xi32, #tpu.memory_space<vmem>> -> memref<1x128xi32, #tpu.memory_space<vmem>>
            %dma_wait3A_116 = tpu.memref_squeeze %dma_wait3A_115 : memref<1x128xi32, #tpu.memory_space<vmem>> -> memref<128xi32, #tpu.memory_space<vmem>>
            %dma_wait3A_117 = arith.constant 0 : i32
            %dma_wait3A_118 = tpu.memref_slice %arg4[%add3A_82, %dma_wait3A_117] : memref<2528x128xi32, #tpu.memory_space<hbm>> -> memref<1x128xi32, #tpu.memory_space<hbm>>
            %dma_wait3A_119 = tpu.memref_squeeze %dma_wait3A_118 : memref<1x128xi32, #tpu.memory_space<hbm>> -> memref<128xi32, #tpu.memory_space<hbm>>
            tpu.wait_dma2 semaphore(%run_scoped3A_95 : memref<!tpu.dma_semaphore, #tpu.memory_space<semaphore_mem>>) src(%dma_wait3A_119 : memref<128xi32, #tpu.memory_space<hbm>>) dst(%dma_wait3A_116 : memref<128xi32, #tpu.memory_space<vmem>>)
            tpu.yield
          }) : () -> ()
          %dma_start3A_83 = arith.constant 0 : i32
          %dma_start3A_84 = arith.constant 0 : i32
          %dma_start3A_85 = tpu.memref_slice %arg9[%rem3A_62, %dma_start3A_83, %dma_start3A_84] : memref<2x128x128xf32, #tpu.memory_space<vmem>> -> memref<1x128x128xf32, #tpu.memory_space<vmem>>
          %dma_start3A_86 = tpu.memref_squeeze %dma_start3A_85 : memref<1x128x128xf32, #tpu.memory_space<vmem>> -> memref<128x128xf32, #tpu.memory_space<vmem>>
          %dma_start3A_87 = arith.constant 0 : i32
          %dma_start3A_88 = tpu.memref_slice %arg7[%rem3A_62, %dma_start3A_87] : memref<2x128xi32, #tpu.memory_space<vmem>> -> memref<1x128xi32, #tpu.memory_space<vmem>>
          %dma_start3A_89 = tpu.memref_squeeze %dma_start3A_88 : memref<1x128xi32, #tpu.memory_space<vmem>> -> memref<128xi32, #tpu.memory_space<vmem>>
          %dma_start3A_90 = arith.constant 0 : i32
          %dma_start3A_91 = arith.constant 0 : i32
          %dma_start3A_92 = tpu.memref_slice %arg2[%dma_start3A_90, %dma_start3A_91] : memref<10000x128xf32, #tpu.memory_space<hbm>> -> memref<10000x128xf32, #tpu.memory_space<hbm>>
          %dma_start3A_93 = tpu.memref_slice %arg11[%rem3A_62] : memref<2x!tpu.dma_semaphore, #tpu.memory_space<semaphore_mem>> -> memref<1x!tpu.dma_semaphore, #tpu.memory_space<semaphore_mem>>
          %dma_start3A_94 = tpu.memref_squeeze %dma_start3A_93 : memref<1x!tpu.dma_semaphore, #tpu.memory_space<semaphore_mem>> -> memref<!tpu.dma_semaphore, #tpu.memory_space<semaphore_mem>>
          tpu.enqueue_indirect_dma source(%dma_start3A_92 : memref<10000x128xf32, #tpu.memory_space<hbm>>) target(%dma_start3A_86 : memref<128x128xf32, #tpu.memory_space<vmem>>) offsets(%dma_start3A_89 : memref<128xi32, #tpu.memory_space<vmem>>) semaphore(%dma_start3A_94 : memref<!tpu.dma_semaphore, #tpu.memory_space<semaphore_mem>>)
        } else {
        }
      } else {
      }
    }
    %scan3A_50 = arith.constant 79 : i32
    %barrier3A_51 = arith.constant 0 : index
    tpu.barrier barrier_id(%barrier3A_51)
    %mul3A_52 = arith.constant 632 : i32
    %mul3A_53 = arith.muli %arg1, %mul3A_52 : i32
    %mul3A_54 = arith.constant 632 : i32
    %mul3A_55 = arith.muli %arg1, %mul3A_54 : i32
    "tpu.region"() ({
      %run_scoped3A_56 = tpu.sem_alloc : memref<!tpu.dma_semaphore, #tpu.memory_space<semaphore_mem>>
      %dma_start3A_57 = arith.constant 0 : i32
      %dma_start3A_58 = tpu.memref_slice %arg6[%arg0, %mul3A_55, %dma_start3A_57] : memref<2x10112x128xf32, #tpu.memory_space<hbm>> -> memref<1x632x128xf32, #tpu.memory_space<hbm>>
      %dma_start3A_59 = tpu.memref_squeeze %dma_start3A_58 : memref<1x632x128xf32, #tpu.memory_space<hbm>> -> memref<632x128xf32, #tpu.memory_space<hbm>>
      %dma_start3A_60 = arith.constant 0 : i32
      %dma_start3A_61 = tpu.memref_slice %arg10[%mul3A_53, %dma_start3A_60] : memref<10112x128xf32, #tpu.memory_space<vmem_shared>> -> memref<632x128xf32, #tpu.memory_space<vmem_shared>>
      tpu.enqueue_dma source(%dma_start3A_61 : memref<632x128xf32, #tpu.memory_space<vmem_shared>>) target(%dma_start3A_59 : memref<632x128xf32, #tpu.memory_space<hbm>>) target_semaphore(%run_scoped3A_56 : memref<!tpu.dma_semaphore, #tpu.memory_space<semaphore_mem>>)
      %dma_wait3A = arith.constant 0 : i32
      %dma_wait3A_62 = tpu.memref_slice %arg6[%arg0, %mul3A_55, %dma_wait3A] : memref<2x10112x128xf32, #tpu.memory_space<hbm>> -> memref<1x632x128xf32, #tpu.memory_space<hbm>>
      %dma_wait3A_63 = tpu.memref_squeeze %dma_wait3A_62 : memref<1x632x128xf32, #tpu.memory_space<hbm>> -> memref<632x128xf32, #tpu.memory_space<hbm>>
      %dma_wait3A_64 = arith.constant 0 : i32
      %dma_wait3A_65 = tpu.memref_slice %arg10[%mul3A_53, %dma_wait3A_64] : memref<10112x128xf32, #tpu.memory_space<vmem_shared>> -> memref<632x128xf32, #tpu.memory_space<vmem_shared>>
      tpu.wait_dma2 semaphore(%run_scoped3A_56 : memref<!tpu.dma_semaphore, #tpu.memory_space<semaphore_mem>>) src(%dma_wait3A_65 : memref<632x128xf32, #tpu.memory_space<vmem_shared>>) dst(%dma_wait3A_63 : memref<632x128xf32, #tpu.memory_space<hbm>>)
      tpu.yield
    }) : () -> ()
    return
  }
}

module attributes {stable_mosaic.version = 14 : i64} {
  func.func @_edge_linear_kernel(%arg0: i32, %arg1: memref<16x3200xf32, #tpu.memory_space<vmem>>, %arg2: memref<16x128xf32, #tpu.memory_space<vmem>>, %arg3: memref<1x128xf32, #tpu.memory_space<vmem>>, %arg4: memref<3200x128xf32, #tpu.memory_space<vmem>>) attributes {dimension_semantics = [#tpu.dimension_semantics<arbitrary>], iteration_bounds = array<i64: 100>, scalar_prefetch = 0 : i64, scratch_operands = 0 : i64, tpu.core_type = #tpu.core_type<tc>, window_params = [{transform_indices = @transform_0, window_bounds = array<i64: 16, 3200>}, {pipeline_mode = #tpu.pipeline_mode<synchronous>, transform_indices = @transform_1, window_bounds = array<i64: 16, 128>}, {pipeline_mode = #tpu.pipeline_mode<synchronous>, transform_indices = @transform_2, window_bounds = array<i64: 1, 128>}, {transform_indices = @transform_3, window_bounds = array<i64: 3200, 128>}]} {
    %get3A = arith.constant 0 : index
    %get3A_0 = arith.constant 0 : index
    %get3A_1 = vector.load %arg1[%get3A, %get3A_0] : memref<16x3200xf32, #tpu.memory_space<vmem>>, vector<16x3200xf32>
    %get3A_2 = arith.constant 0 : index
    %get3A_3 = arith.constant 0 : index
    %get3A_4 = vector.load %arg2[%get3A_2, %get3A_3] : memref<16x128xf32, #tpu.memory_space<vmem>>, vector<16x128xf32>
    %dot_general3A = arith.constant dense<0.000000e+00> : vector<3200x128xf32>
    %dot_general3A_5 = tpu.matmul %get3A_1, %get3A_4, %dot_general3A {dimension_numbers = #tpu.dot_dimension_numbers<[0], [0], [1], [1], [0, 1, 1, 1], [], []>, transpose_lhs_hint = false} : vector<16x3200xf32>, vector<16x128xf32>, vector<3200x128xf32> -> vector<3200x128xf32>
    %get3A_6 = arith.constant 0 : index
    %get3A_7 = arith.constant 0 : index
    %get3A_8 = vector.load %arg3[%get3A_6, %get3A_7] : memref<1x128xf32, #tpu.memory_space<vmem>>, vector<1x128xf32>
    %add3A = vector.broadcast %get3A_8 : vector<1x128xf32> to vector<3200x128xf32>
    %add3A_9 = arith.addf %dot_general3A_5, %add3A : vector<3200x128xf32>
    %swap3A = arith.constant 0 : index
    %swap3A_10 = arith.constant 0 : index
    %swap3A_11 = vector.load %arg4[%swap3A, %swap3A_10] : memref<3200x128xf32, #tpu.memory_space<vmem>>, vector<3200x128xf32>
    tpu.vector_store %arg4[%swap3A, %swap3A_10], %add3A_9 {strides = array<i32>} : memref<3200x128xf32, #tpu.memory_space<vmem>>, vector<3200x128xf32>,
    return
  }
  func.func @transform_0(%arg0: i32) -> (i32, i32) {
    %c0_i32 = arith.constant 0 : i32
    %c0_i32_0 = arith.constant 0 : i32
    return %c0_i32, %arg0 : i32, i32
  }
  func.func @transform_1(%arg0: i32) -> (i32, i32) {
    %c0_i32 = arith.constant 0 : i32
    %c0_i32_0 = arith.constant 0 : i32
    %c0_i32_1 = arith.constant 0 : i32
    return %c0_i32, %c0_i32_0 : i32, i32
  }
  func.func @transform_2(%arg0: i32) -> (i32, i32) {
    %c0_i32 = arith.constant 0 : i32
    %c0_i32_0 = arith.constant 0 : i32
    %c0_i32_1 = arith.constant 0 : i32
    return %c0_i32, %c0_i32_0 : i32, i32
  }
  func.func @transform_3(%arg0: i32) -> (i32, i32) {
    %c0_i32 = arith.constant 0 : i32
    %c0_i32_0 = arith.constant 0 : i32
    return %arg0, %c0_i32 : i32, i32
  }
}

module attributes {stable_mosaic.version = 14 : i64} {
  func.func @_msg_kernel(%arg0: i32, %arg1: memref<1000x128xf32, #tpu.memory_space<vmem>>, %arg2: memref<128x128xf32, #tpu.memory_space<vmem>>, %arg3: memref<1x128xf32, #tpu.memory_space<vmem>>, %arg4: memref<1x1000x128xf32, #tpu.memory_space<vmem>>, %arg5: memref<1x1000x128xf32, #tpu.memory_space<vmem>>, %arg6: memref<1x128xf32, #tpu.memory_space<vmem>>, %arg7: memref<128x128xf32, #tpu.memory_space<vmem>>, %arg8: memref<1000x128xf32, #tpu.memory_space<vmem>>, %arg9: memref<1000x128xf32, #tpu.memory_space<vmem>>) attributes {dimension_semantics = [#tpu.dimension_semantics<arbitrary>], iteration_bounds = array<i64: 10>, scalar_prefetch = 0 : i64, scratch_operands = 0 : i64, tpu.core_type = #tpu.core_type<tc>, window_params = [{transform_indices = @transform_0, window_bounds = array<i64: 1000, 128>}, {pipeline_mode = #tpu.pipeline_mode<synchronous>, transform_indices = @transform_1, window_bounds = array<i64: 128, 128>}, {pipeline_mode = #tpu.pipeline_mode<synchronous>, transform_indices = @transform_2, window_bounds = array<i64: 1, 128>}, {transform_indices = @transform_3, window_bounds = array<i64: 1, 1000, 128>}, {transform_indices = @transform_4, window_bounds = array<i64: 1, 1000, 128>}, {pipeline_mode = #tpu.pipeline_mode<synchronous>, transform_indices = @transform_5, window_bounds = array<i64: 1, 128>}, {pipeline_mode = #tpu.pipeline_mode<synchronous>, transform_indices = @transform_6, window_bounds = array<i64: 128, 128>}, {transform_indices = @transform_7, window_bounds = array<i64: 1000, 128>}, {transform_indices = @transform_8, window_bounds = array<i64: 1000, 128>}]} {
    %get3A = arith.constant 0 : index
    %get3A_0 = arith.constant 0 : index
    %get3A_1 = vector.load %arg1[%get3A, %get3A_0] : memref<1000x128xf32, #tpu.memory_space<vmem>>, vector<1000x128xf32>
    %get3A_2 = arith.constant 0 : index
    %get3A_3 = arith.constant 0 : index
    %get3A_4 = vector.load %arg2[%get3A_2, %get3A_3] : memref<128x128xf32, #tpu.memory_space<vmem>>, vector<128x128xf32>
    %dot_general3A = arith.constant dense<0.000000e+00> : vector<1000x128xf32>
    %dot_general3A_5 = tpu.matmul %get3A_1, %get3A_4, %dot_general3A {dimension_numbers = #tpu.dot_dimension_numbers<[1], [0], [0], [1], [0, 0, 1, 1], [], []>, transpose_lhs_hint = false} : vector<1000x128xf32>, vector<128x128xf32>, vector<1000x128xf32> -> vector<1000x128xf32>
    %get3A_6 = arith.constant 0 : index
    %get3A_7 = arith.constant 0 : index
    %get3A_8 = vector.load %arg3[%get3A_6, %get3A_7] : memref<1x128xf32, #tpu.memory_space<vmem>>, vector<1x128xf32>
    %add3A = vector.broadcast %get3A_8 : vector<1x128xf32> to vector<1000x128xf32>
    %add3A_9 = arith.addf %dot_general3A_5, %add3A : vector<1000x128xf32>
    %get3A_10 = arith.constant 0 : index
    %get3A_11 = arith.constant 0 : index
    %get3A_12 = arith.constant 0 : index
    %get3A_13 = vector.load %arg4[%get3A_10, %get3A_11, %get3A_12] : memref<1x1000x128xf32, #tpu.memory_space<vmem>>, vector<1x1000x128xf32>
    %squeeze3A = vector.shape_cast %get3A_13 : vector<1x1000x128xf32> to vector<1000x128xf32>
    %add3A_14 = arith.addf %add3A_9, %squeeze3A : vector<1000x128xf32>
    %get3A_15 = arith.constant 0 : index
    %get3A_16 = arith.constant 0 : index
    %get3A_17 = arith.constant 0 : index
    %get3A_18 = vector.load %arg5[%get3A_15, %get3A_16, %get3A_17] : memref<1x1000x128xf32, #tpu.memory_space<vmem>>, vector<1x1000x128xf32>
    %squeeze3A_19 = vector.shape_cast %get3A_18 : vector<1x1000x128xf32> to vector<1000x128xf32>
    %add3A_20 = arith.addf %add3A_14, %squeeze3A_19 : vector<1000x128xf32>
    %get3A_21 = arith.constant 0 : index
    %get3A_22 = arith.constant 0 : index
    %get3A_23 = vector.load %arg6[%get3A_21, %get3A_22] : memref<1x128xf32, #tpu.memory_space<vmem>>, vector<1x128xf32>
    %add3A_24 = vector.broadcast %get3A_23 : vector<1x128xf32> to vector<1000x128xf32>
    %add3A_25 = arith.addf %add3A_20, %add3A_24 : vector<1000x128xf32>
    %swap3A = arith.constant 0 : index
    %swap3A_26 = arith.constant 0 : index
    %swap3A_27 = vector.load %arg9[%swap3A, %swap3A_26] : memref<1000x128xf32, #tpu.memory_space<vmem>>, vector<1000x128xf32>
    tpu.vector_store %arg9[%swap3A, %swap3A_26], %add3A_25 {strides = array<i32>} : memref<1000x128xf32, #tpu.memory_space<vmem>>, vector<1000x128xf32>,
    %max3A = arith.constant 0.000000e+00 : f32
    %max3A_28 = vector.broadcast %max3A : f32 to vector<1000x128xf32>
    %max3A_29 = arith.maximumf %add3A_20, %max3A_28 : vector<1000x128xf32>
    %get3A_30 = arith.constant 0 : index
    %get3A_31 = arith.constant 0 : index
    %get3A_32 = vector.load %arg7[%get3A_30, %get3A_31] : memref<128x128xf32, #tpu.memory_space<vmem>>, vector<128x128xf32>
    %dot_general3A_33 = arith.constant dense<0.000000e+00> : vector<1000x128xf32>
    %dot_general3A_34 = tpu.matmul %max3A_29, %get3A_32, %dot_general3A_33 {dimension_numbers = #tpu.dot_dimension_numbers<[1], [0], [0], [1], [0, 0, 1, 1], [], []>, transpose_lhs_hint = false} : vector<1000x128xf32>, vector<128x128xf32>, vector<1000x128xf32> -> vector<1000x128xf32>
    %swap3A_35 = arith.constant 0 : index
    %swap3A_36 = arith.constant 0 : index
    %swap3A_37 = vector.load %arg8[%swap3A_35, %swap3A_36] : memref<1000x128xf32, #tpu.memory_space<vmem>>, vector<1000x128xf32>
    tpu.vector_store %arg8[%swap3A_35, %swap3A_36], %dot_general3A_34 {strides = array<i32>} : memref<1000x128xf32, #tpu.memory_space<vmem>>, vector<1000x128xf32>,
    return
  }
  func.func @transform_0(%arg0: i32) -> (i32, i32) {
    %c0_i32 = arith.constant 0 : i32
    %c0_i32_0 = arith.constant 0 : i32
    return %arg0, %c0_i32 : i32, i32
  }
  func.func @transform_1(%arg0: i32) -> (i32, i32) {
    %c0_i32 = arith.constant 0 : i32
    %c0_i32_0 = arith.constant 0 : i32
    %c0_i32_1 = arith.constant 0 : i32
    return %c0_i32, %c0_i32_0 : i32, i32
  }
  func.func @transform_2(%arg0: i32) -> (i32, i32) {
    %c0_i32 = arith.constant 0 : i32
    %c0_i32_0 = arith.constant 0 : i32
    %c0_i32_1 = arith.constant 0 : i32
    return %c0_i32, %c0_i32_0 : i32, i32
  }
  func.func @transform_3(%arg0: i32) -> (i32, i32, i32) {
    %c0_i32 = arith.constant 0 : i32
    %c0_i32_0 = arith.constant 0 : i32
    %c0_i32_1 = arith.constant 0 : i32
    return %c0_i32, %arg0, %c0_i32_0 : i32, i32, i32
  }
  func.func @transform_4(%arg0: i32) -> (i32, i32, i32) {
    %c1_i32 = arith.constant 1 : i32
    %c0_i32 = arith.constant 0 : i32
    %c0_i32_0 = arith.constant 0 : i32
    return %c1_i32, %arg0, %c0_i32 : i32, i32, i32
  }
  func.func @transform_5(%arg0: i32) -> (i32, i32) {
    %c0_i32 = arith.constant 0 : i32
    %c0_i32_0 = arith.constant 0 : i32
    %c0_i32_1 = arith.constant 0 : i32
    return %c0_i32, %c0_i32_0 : i32, i32
  }
  func.func @transform_6(%arg0: i32) -> (i32, i32) {
    %c0_i32 = arith.constant 0 : i32
    %c0_i32_0 = arith.constant 0 : i32
    %c0_i32_1 = arith.constant 0 : i32
    return %c0_i32, %c0_i32_0 : i32, i32
  }
  func.func @transform_7(%arg0: i32) -> (i32, i32) {
    %c0_i32 = arith.constant 0 : i32
    %c0_i32_0 = arith.constant 0 : i32
    return %arg0, %c0_i32 : i32, i32
  }
  func.func @transform_8(%arg0: i32) -> (i32, i32) {
    %c0_i32 = arith.constant 0 : i32
    %c0_i32_0 = arith.constant 0 : i32
    return %arg0, %c0_i32 : i32, i32
  }
}

module attributes {stable_mosaic.version = 14 : i64} {
  func.func @_iter_kernel(%arg0: i32, %arg1: memref<1x1000x128xf32, #tpu.memory_space<vmem>>, %arg2: memref<1x1000x128xf32, #tpu.memory_space<vmem>>, %arg3: memref<1000x128xf32, #tpu.memory_space<vmem>>, %arg4: memref<128x128xf32, #tpu.memory_space<vmem>>, %arg5: memref<1000x128xf32, #tpu.memory_space<vmem>>) attributes {dimension_semantics = [#tpu.dimension_semantics<arbitrary>], iteration_bounds = array<i64: 10>, scalar_prefetch = 0 : i64, scratch_operands = 0 : i64, tpu.core_type = #tpu.core_type<tc>, window_params = [{transform_indices = @transform_0, window_bounds = array<i64: 1, 1000, 128>}, {transform_indices = @transform_1, window_bounds = array<i64: 1, 1000, 128>}, {transform_indices = @transform_2, window_bounds = array<i64: 1000, 128>}, {pipeline_mode = #tpu.pipeline_mode<synchronous>, transform_indices = @transform_3, window_bounds = array<i64: 128, 128>}, {transform_indices = @transform_4, window_bounds = array<i64: 1000, 128>}]} {
    %get3A = arith.constant 0 : index
    %get3A_0 = arith.constant 0 : index
    %get3A_1 = arith.constant 0 : index
    %get3A_2 = vector.load %arg1[%get3A, %get3A_0, %get3A_1] : memref<1x1000x128xf32, #tpu.memory_space<vmem>>, vector<1x1000x128xf32>
    %squeeze3A = vector.shape_cast %get3A_2 : vector<1x1000x128xf32> to vector<1000x128xf32>
    %get3A_3 = arith.constant 0 : index
    %get3A_4 = arith.constant 0 : index
    %get3A_5 = arith.constant 0 : index
    %get3A_6 = vector.load %arg2[%get3A_3, %get3A_4, %get3A_5] : memref<1x1000x128xf32, #tpu.memory_space<vmem>>, vector<1x1000x128xf32>
    %squeeze3A_7 = vector.shape_cast %get3A_6 : vector<1x1000x128xf32> to vector<1000x128xf32>
    %add3A = arith.addf %squeeze3A, %squeeze3A_7 : vector<1000x128xf32>
    %get3A_8 = arith.constant 0 : index
    %get3A_9 = arith.constant 0 : index
    %get3A_10 = vector.load %arg3[%get3A_8, %get3A_9] : memref<1000x128xf32, #tpu.memory_space<vmem>>, vector<1000x128xf32>
    %add3A_11 = arith.addf %add3A, %get3A_10 : vector<1000x128xf32>
    %max3A = arith.constant 0.000000e+00 : f32
    %max3A_12 = vector.broadcast %max3A : f32 to vector<1000x128xf32>
    %max3A_13 = arith.maximumf %add3A_11, %max3A_12 : vector<1000x128xf32>
    %get3A_14 = arith.constant 0 : index
    %get3A_15 = arith.constant 0 : index
    %get3A_16 = vector.load %arg4[%get3A_14, %get3A_15] : memref<128x128xf32, #tpu.memory_space<vmem>>, vector<128x128xf32>
    %dot_general3A = arith.constant dense<0.000000e+00> : vector<1000x128xf32>
    %dot_general3A_17 = tpu.matmul %max3A_13, %get3A_16, %dot_general3A {dimension_numbers = #tpu.dot_dimension_numbers<[1], [0], [0], [1], [0, 0, 1, 1], [], []>, transpose_lhs_hint = false} : vector<1000x128xf32>, vector<128x128xf32>, vector<1000x128xf32> -> vector<1000x128xf32>
    %swap3A = arith.constant 0 : index
    %swap3A_18 = arith.constant 0 : index
    %swap3A_19 = vector.load %arg5[%swap3A, %swap3A_18] : memref<1000x128xf32, #tpu.memory_space<vmem>>, vector<1000x128xf32>
    tpu.vector_store %arg5[%swap3A, %swap3A_18], %dot_general3A_17 {strides = array<i32>} : memref<1000x128xf32, #tpu.memory_space<vmem>>, vector<1000x128xf32>,
    return
  }
  func.func @transform_0(%arg0: i32) -> (i32, i32, i32) {
    %c0_i32 = arith.constant 0 : i32
    %c0_i32_0 = arith.constant 0 : i32
    %c0_i32_1 = arith.constant 0 : i32
    return %c0_i32, %arg0, %c0_i32_0 : i32, i32, i32
  }
  func.func @transform_1(%arg0: i32) -> (i32, i32, i32) {
    %c1_i32 = arith.constant 1 : i32
    %c0_i32 = arith.constant 0 : i32
    %c0_i32_0 = arith.constant 0 : i32
    return %c1_i32, %arg0, %c0_i32 : i32, i32, i32
  }
  func.func @transform_2(%arg0: i32) -> (i32, i32) {
    %c0_i32 = arith.constant 0 : i32
    %c0_i32_0 = arith.constant 0 : i32
    return %arg0, %c0_i32 : i32, i32
  }
  func.func @transform_3(%arg0: i32) -> (i32, i32) {
    %c0_i32 = arith.constant 0 : i32
    %c0_i32_0 = arith.constant 0 : i32
    %c0_i32_1 = arith.constant 0 : i32
    return %c0_i32, %c0_i32_0 : i32, i32
  }
  func.func @transform_4(%arg0: i32) -> (i32, i32) {
    %c0_i32 = arith.constant 0 : i32
    %c0_i32_0 = arith.constant 0 : i32
    return %arg0, %c0_i32 : i32, i32
  }
}

module attributes {stable_mosaic.version = 14 : i64} {
  func.func @_final_kernel(%arg0: i32, %arg1: memref<1x1000x128xf32, #tpu.memory_space<vmem>>, %arg2: memref<1x1000x128xf32, #tpu.memory_space<vmem>>, %arg3: memref<1000x128xf32, #tpu.memory_space<vmem>>, %arg4: memref<128x128xf32, #tpu.memory_space<vmem>>, %arg5: memref<1x128xf32, #tpu.memory_space<vmem>>, %arg6: memref<1x1x1000xi32, #tpu.memory_space<vmem>>, %arg7: memref<64x128xf32, #tpu.memory_space<vmem>>) attributes {dimension_semantics = [#tpu.dimension_semantics<arbitrary>], iteration_bounds = array<i64: 10>, scalar_prefetch = 0 : i64, scratch_operands = 0 : i64, tpu.core_type = #tpu.core_type<tc>, window_params = [{transform_indices = @transform_0, window_bounds = array<i64: 1, 1000, 128>}, {transform_indices = @transform_1, window_bounds = array<i64: 1, 1000, 128>}, {transform_indices = @transform_2, window_bounds = array<i64: 1000, 128>}, {pipeline_mode = #tpu.pipeline_mode<synchronous>, transform_indices = @transform_3, window_bounds = array<i64: 128, 128>}, {pipeline_mode = #tpu.pipeline_mode<synchronous>, transform_indices = @transform_4, window_bounds = array<i64: 1, 128>}, {transform_indices = @transform_5, window_bounds = array<i64: 1, 1, 1000>}, {pipeline_mode = #tpu.pipeline_mode<synchronous>, transform_indices = @transform_6, window_bounds = array<i64: 64, 128>}]} {
    %get3A = arith.constant 0 : index
    %get3A_0 = arith.constant 0 : index
    %get3A_1 = arith.constant 0 : index
    %get3A_2 = vector.load %arg1[%get3A, %get3A_0, %get3A_1] : memref<1x1000x128xf32, #tpu.memory_space<vmem>>, vector<1x1000x128xf32>
    %squeeze3A = vector.shape_cast %get3A_2 : vector<1x1000x128xf32> to vector<1000x128xf32>
    %get3A_3 = arith.constant 0 : index
    %get3A_4 = arith.constant 0 : index
    %get3A_5 = arith.constant 0 : index
    %get3A_6 = vector.load %arg2[%get3A_3, %get3A_4, %get3A_5] : memref<1x1000x128xf32, #tpu.memory_space<vmem>>, vector<1x1000x128xf32>
    %squeeze3A_7 = vector.shape_cast %get3A_6 : vector<1x1000x128xf32> to vector<1000x128xf32>
    %add3A = arith.addf %squeeze3A, %squeeze3A_7 : vector<1000x128xf32>
    %get3A_8 = arith.constant 0 : index
    %get3A_9 = arith.constant 0 : index
    %get3A_10 = vector.load %arg3[%get3A_8, %get3A_9] : memref<1000x128xf32, #tpu.memory_space<vmem>>, vector<1000x128xf32>
    %add3A_11 = arith.addf %add3A, %get3A_10 : vector<1000x128xf32>
    %max3A = arith.constant 0.000000e+00 : f32
    %max3A_12 = vector.broadcast %max3A : f32 to vector<1000x128xf32>
    %max3A_13 = arith.maximumf %add3A_11, %max3A_12 : vector<1000x128xf32>
    %get3A_14 = arith.constant 0 : index
    %get3A_15 = arith.constant 0 : index
    %get3A_16 = vector.load %arg4[%get3A_14, %get3A_15] : memref<128x128xf32, #tpu.memory_space<vmem>>, vector<128x128xf32>
    %dot_general3A = arith.constant dense<0.000000e+00> : vector<1000x128xf32>
    %dot_general3A_17 = tpu.matmul %max3A_13, %get3A_16, %dot_general3A {dimension_numbers = #tpu.dot_dimension_numbers<[1], [0], [0], [1], [0, 0, 1, 1], [], []>, transpose_lhs_hint = false} : vector<1000x128xf32>, vector<128x128xf32>, vector<1000x128xf32> -> vector<1000x128xf32>
    %get3A_18 = arith.constant 0 : index
    %get3A_19 = arith.constant 0 : index
    %get3A_20 = vector.load %arg5[%get3A_18, %get3A_19] : memref<1x128xf32, #tpu.memory_space<vmem>>, vector<1x128xf32>
    %add3A_21 = vector.broadcast %get3A_20 : vector<1x128xf32> to vector<1000x128xf32>
    %add3A_22 = arith.addf %dot_general3A_17, %add3A_21 : vector<1000x128xf32>
    %max3A_23 = arith.constant 0.000000e+00 : f32
    %max3A_24 = vector.broadcast %max3A_23 : f32 to vector<1000x128xf32>
    %max3A_25 = arith.maximumf %add3A_22, %max3A_24 : vector<1000x128xf32>
    %get3A_26 = arith.constant 0 : index
    %get3A_27 = arith.constant 0 : index
    %get3A_28 = arith.constant 0 : index
    %get3A_29 = vector.load %arg6[%get3A_26, %get3A_27, %get3A_28] : memref<1x1x1000xi32, #tpu.memory_space<vmem>>, vector<1x1x1000xi32>
    %get3A_30 = vector.shape_cast %get3A_29 : vector<1x1x1000xi32> to vector<1000xi32>
    %reshape3A = vector.shape_cast %get3A_30 : vector<1000xi32> to vector<1x1000xi32>
    %iota3A = tpu.iota {dimensions = array<i32: 0>} : vector<64x1000xi32>
    %eq3A = vector.broadcast %reshape3A : vector<1x1000xi32> to vector<64x1000xi32>
    %eq3A_31 = arith.cmpi eq, %iota3A, %eq3A : vector<64x1000xi32>
    %convert_element_type3A = arith.extui %eq3A_31 : vector<64x1000xi1> to vector<64x1000xi32>
    %convert_element_type3A_32 = arith.sitofp %convert_element_type3A : vector<64x1000xi32> to vector<64x1000xf32>
    %dot_general3A_33 = arith.constant dense<0.000000e+00> : vector<64x128xf32>
    %dot_general3A_34 = tpu.matmul %convert_element_type3A_32, %max3A_25, %dot_general3A_33 {dimension_numbers = #tpu.dot_dimension_numbers<[1], [0], [0], [1], [0, 0, 1, 1], [], []>, transpose_lhs_hint = false} : vector<64x1000xf32>, vector<1000x128xf32>, vector<64x128xf32> -> vector<64x128xf32>
    %eq3A_35 = arith.constant 0 : i32
    %eq3A_36 = arith.cmpi eq, %arg0, %eq3A_35 : i32
    %convert_element_type3A_37 = arith.extui %eq3A_36 : i1 to i32
    %cond3A = arith.constant 0 : i32
    %cond3A_38 = arith.cmpi ne, %convert_element_type3A_37, %cond3A : i32
    scf.if %cond3A_38 {
      %broadcast_in_dim3A = arith.constant 0.000000e+00 : f32
      %broadcast_in_dim3A_50 = vector.broadcast %broadcast_in_dim3A : f32 to vector<64x128xf32>
      %swap3A_51 = arith.constant 0 : index
      %swap3A_52 = arith.constant 0 : index
      %swap3A_53 = vector.load %arg7[%swap3A_51, %swap3A_52] : memref<64x128xf32, #tpu.memory_space<vmem>>, vector<64x128xf32>
      tpu.vector_store %arg7[%swap3A_51, %swap3A_52], %broadcast_in_dim3A_50 {strides = array<i32>} : memref<64x128xf32, #tpu.memory_space<vmem>>, vector<64x128xf32>,
    } else {
    }
    %get3A_39 = arith.constant 0 : index
    %get3A_40 = arith.constant 0 : index
    %get3A_41 = vector.load %arg7[%get3A_39, %get3A_40] : memref<64x128xf32, #tpu.memory_space<vmem>>, vector<64x128xf32>
    %add3A_42 = arith.addf %get3A_41, %dot_general3A_34 : vector<64x128xf32>
    %eq3A_43 = arith.constant 9 : i32
    %eq3A_44 = arith.cmpi eq, %arg0, %eq3A_43 : i32
    %max3A_45 = arith.constant 0.000000e+00 : f32
    %max3A_46 = vector.broadcast %max3A_45 : f32 to vector<64x128xf32>
    %max3A_47 = arith.maximumf %add3A_42, %max3A_46 : vector<64x128xf32>
    %select_n3A = arith.select %eq3A_44, %max3A_47, %add3A_42 : vector<64x128xf32>
    %swap3A = arith.constant 0 : index
    %swap3A_48 = arith.constant 0 : index
    %swap3A_49 = vector.load %arg7[%swap3A, %swap3A_48] : memref<64x128xf32, #tpu.memory_space<vmem>>, vector<64x128xf32>
    tpu.vector_store %arg7[%swap3A, %swap3A_48], %select_n3A {strides = array<i32>} : memref<64x128xf32, #tpu.memory_space<vmem>>, vector<64x128xf32>,
    return
  }
  func.func @transform_0(%arg0: i32) -> (i32, i32, i32) {
    %c0_i32 = arith.constant 0 : i32
    %c0_i32_0 = arith.constant 0 : i32
    %c0_i32_1 = arith.constant 0 : i32
    return %c0_i32, %arg0, %c0_i32_0 : i32, i32, i32
  }
  func.func @transform_1(%arg0: i32) -> (i32, i32, i32) {
    %c1_i32 = arith.constant 1 : i32
    %c0_i32 = arith.constant 0 : i32
    %c0_i32_0 = arith.constant 0 : i32
    return %c1_i32, %arg0, %c0_i32 : i32, i32, i32
  }
  func.func @transform_2(%arg0: i32) -> (i32, i32) {
    %c0_i32 = arith.constant 0 : i32
    %c0_i32_0 = arith.constant 0 : i32
    return %arg0, %c0_i32 : i32, i32
  }
  func.func @transform_3(%arg0: i32) -> (i32, i32) {
    %c0_i32 = arith.constant 0 : i32
    %c0_i32_0 = arith.constant 0 : i32
    %c0_i32_1 = arith.constant 0 : i32
    return %c0_i32, %c0_i32_0 : i32, i32
  }
  func.func @transform_4(%arg0: i32) -> (i32, i32) {
    %c0_i32 = arith.constant 0 : i32
    %c0_i32_0 = arith.constant 0 : i32
    %c0_i32_1 = arith.constant 0 : i32
    return %c0_i32, %c0_i32_0 : i32, i32
  }
  func.func @transform_5(%arg0: i32) -> (i32, i32, i32) {
    %c0_i32 = arith.constant 0 : i32
    %c0_i32_0 = arith.constant 0 : i32
    %c0_i32_1 = arith.constant 0 : i32
    return %arg0, %c0_i32, %c0_i32_0 : i32, i32, i32
  }
  func.func @transform_6(%arg0: i32) -> (i32, i32) {
    %c0_i32 = arith.constant 0 : i32
    %c0_i32_0 = arith.constant 0 : i32
    %c0_i32_1 = arith.constant 0 : i32
    return %c0_i32, %c0_i32_0 : i32, i32
  }
}

</mosaic_0001>

<sc_bundles>
// kernel: kernel.11.cloned.1.call-start
scs
__scs_entry_jumppad:
0x0: {  	(pc) =	sbr.rel $0x88, $3  }
0x1: {  	(tag) =	ssettag $0x0;
	lr =	simm.s32 $0x1  }
0x2: {  	[smem:$0x3F95] =	sst lr;
	_ =	strace $0xD0000000  }
0x3: {  	_ = 	snop  }
0x4: {  	_ = 	snop  }
0x5: {  	_ = 	snop  }
0x6: {  	_ = 	snop  }
0x7: {  	_ = 	snop  }
__scs_overlays_trampoline_lowered:
0x8: {  	[smem:$0x3FA4] =	sst s0  }
0x9: {  	[smem:$0x3FA5] =	sst s1  }
0xa: {  	[smem:$0x3FA6] =	sst s2  }
0xb: {  	[smem:$0x3FA7] =	sst s3  }
0xc: {  	[smem:$0x3FA8] =	sst s4  }
0xd: {  	[smem:$0x3FA9] =	sst s5  }
0xe: {  	[smem:$0x3FAA] =	sst s6  }
0xf: {  	[smem:$0x3FAB] =	sst s7  }
0x10: {  	[smem:$0x3FAC] =	sst s8  }
0x11: {  	[smem:$0x3FAD] =	sst s9;
	s0 =	simm.s32 @!p0 $0x0  }
0x12: {  	s1 =	sld [smem:$0x3F93];
	s0 =	simm.s32 @p0 $0x1  }
0x13: {  	[smem:$0x3FAE] =	sst s0;
	s0 =	simm.s32 @!p1 $0x0  }
0x14: {  	s2 =	sld [smem:$0x3F92];
	s0 =	simm.s32 @p1 $0x1  }
0x15: {  	[smem:$0x3FAF] =	sst s0;
	s0 =	simm.s32 @!p2 $0x0  }
0x16: {  	s3 =	sld [smem:$0x3FDB];
	s0 =	simm.s32 @p2 $0x1  }
0x17: {  	s4 =	simm.s32 $0x1BF5;
	[smem:$0x3FB1] =	sst s0  }
0x18: {  	s0 =	sld [smem:$0x3F94];
	_ =	swait.ge [sflag:s4], $0x0  }
0x19: {  	s7 =	sld [smem:$0x3F95]  }
0x1a: {  	s8 =	sadd.s32 $0xFFFFE003, lr  }
0x1b: {  	s9 =	sadd.s32 $0xFFFFFEF7, lr;
	s5 =	simm.s32 $0xFFFFFFFF;
	p2 =	slt.u32 s8, $0xFFFFF086  }
0x1c: {  	p1 =	slt.u32 s9, $0xF7A;
	s5 =	simm.s32 @!p2 $0x0  }
0x1d: {  	s5 =	simm.s32 @p1 $0x1;
	p0 =	seq.s32 s7, s2  }
0x1e: {  	s7 =	smul.u32 @!p0 $0xF7A, s2;
	p2 =	seq.s32 @!p0 s5, $0x0  }
0x1f: {  	s9 =	smul.u32 $0xF7A, s1;
	s8 =	simm.s32 @!p0 $0x1BF5;
	p2 =	por !p2, p0  }
0x20: {  	[sflag:s8] =	ssyncset.s32 @!p0 $0xFFFFF086;
	s6 =	sadd.s32 @!p0 s3, s7;
	s7 =	simm.s32 @!p0 $0x108  }
0x21: {  	s3 =	sadd.s32 s3, s9;
	s6 =	sadd.s32 @!p0 $0x88, s6;
	s7 =	simm.s32 @p2 $0x1082  }
0x22: {  	[simem:s7], [sflag:s8] =	dma.local @!p0 [hbm:s6], $0xF7A  }
0x23: {  	s9 =	sor.u32 $0xD0000000, s2;
	s6 =	simm.s32 $0x108;
	_ =	swait.ge @!p0 [sflag:s8], $0x0  }
0x24: {  	s3 =	sadd.s32 $0x88, s3;
	s6 =	simm.s32 @!p1 $0x1082;
	[sflag:s4] =	ssyncset.s32 $0xFFFFF086  }
0x25: {  	[simem:s6], [sflag:s4] =	dma.local [hbm:s3], $0xF7A  }
0x26: {  	[smem:$0x3F95] =	sst s1;
	(tag) =	ssettag s2;
	_ =	strace s9  }
0x27: {  	s1 =	sld [smem:$0x3FA5]  }
0x28: {  	s2 =	sld [smem:$0x3FA6]  }
0x29: {  	s4 =	sld [smem:$0x3FA8]  }
0x2a: {  	p0 =	seq.s32 s5, $0x0;
	s5 =	sld [smem:$0x3FA9]  }
0x2b: {  	s6 =	sld [smem:$0x3FAA]  }
0x2c: {  	s7 =	sld [smem:$0x3FAB]  }
0x2d: {  	s3 =	simm.s32 $0x108;
	s8 =	sld [smem:$0x3FAC]  }
0x2e: {  	s3 =	simm.s32 @!p0 $0x1082;
	s9 =	sld [smem:$0x3FAD]  }
0x2f: {  	lr =	sadd.s32 s0, s3;
	s0 =	sld [smem:$0x3FA4]  }
0x30: {  	s3 =	sld [smem:$0x3FA7]  }
0x31: {  	[smem:$0x3FB0] =	sst s10  }
0x32: {  	s10 =	sld [smem:$0x3FAE];
	_ =	sdelay $0x3  }
0x33: {  	p0 =	seq.s32 s10, $0x1;
	s10 =	sld [smem:$0x3FB0];
	_ =	sdelay $0x3  }
0x34: {  	[smem:$0x3FB0] =	sst s10  }
0x35: {  	s10 =	sld [smem:$0x3FAF];
	_ =	sdelay $0x3  }
0x36: {  	p1 =	seq.s32 s10, $0x1;
	s10 =	sld [smem:$0x3FB0];
	_ =	sdelay $0x3  }
0x37: {  	[smem:$0x3FB0] =	sst s10  }
0x38: {  	s10 =	sld [smem:$0x3FB1]  }
0x39: {  	_ = 	snop;
	(pc) =	sbr.ind lr, $3  }
0x3a: {  	_ = 	snop  }
0x3b: {  	_ = 	snop  }
0x3c: {  	p2 =	seq.s32 s10, $0x1;
	s10 =	sld [smem:$0x3FB0]  }
0x3d: {  	_ =	shalt  }
0x3e: {  	_ =	shalt  }
0x3f: {  	_ =	shalt  }
0x40: {  	_ =	shalt  }
0x41: {  	_ =	shalt  }
0x42: {  	_ =	shalt  }
0x43: {  	_ =	shalt  }
0x44: {  	_ =	shalt  }
0x45: {  	_ =	shalt  }
0x46: {  	_ =	shalt  }
0x47: {  	_ =	shalt  }
0x48: {  	_ =	shalt  }
0x49: {  	_ =	shalt  }
0x4a: {  	_ =	shalt  }
0x4b: {  	_ =	shalt  }
0x4c: {  	_ =	shalt  }
0x4d: {  	_ =	shalt  }
0x4e: {  	_ =	shalt  }
0x4f: {  	_ =	shalt  }
0x50: {  	_ =	shalt  }
0x51: {  	_ =	shalt  }
0x52: {  	_ =	shalt  }
0x53: {  	_ =	shalt  }
0x54: {  	_ =	shalt  }
0x55: {  	_ =	shalt  }
0x56: {  	_ =	shalt  }
0x57: {  	_ =	shalt  }
0x58: {  	_ =	shalt  }
0x59: {  	_ =	shalt  }
0x5a: {  	_ =	shalt  }
0x5b: {  	_ =	shalt  }
0x5c: {  	_ =	shalt  }
0x5d: {  	_ =	shalt  }
0x5e: {  	_ =	shalt  }
0x5f: {  	_ =	shalt  }
0x60: {  	_ =	shalt  }
0x61: {  	_ =	shalt  }
0x62: {  	_ =	shalt  }
0x63: {  	_ =	shalt  }
0x64: {  	_ =	shalt  }
0x65: {  	_ =	shalt  }
0x66: {  	_ =	shalt  }
0x67: {  	_ =	shalt  }
0x68: {  	_ =	shalt  }
0x69: {  	_ =	shalt  }
0x6a: {  	_ =	shalt  }
0x6b: {  	_ =	shalt  }
0x6c: {  	_ =	shalt  }
0x6d: {  	_ =	shalt  }
0x6e: {  	_ =	shalt  }
0x6f: {  	_ =	shalt  }
0x70: {  	_ =	shalt  }
0x71: {  	_ =	shalt  }
0x72: {  	_ =	shalt  }
0x73: {  	_ =	shalt  }
0x74: {  	_ =	shalt  }
0x75: {  	_ =	shalt  }
0x76: {  	_ =	shalt  }
0x77: {  	_ =	shalt  }
0x78: {  	_ =	shalt  }
0x79: {  	_ =	shalt  }
0x7a: {  	_ =	shalt  }
0x7b: {  	_ =	shalt  }
0x7c: {  	_ =	shalt  }
0x7d: {  	_ =	shalt  }
0x7e: {  	_ =	shalt  }
0x7f: {  	_ =	shalt  }
0x80: {  	_ =	shalt  }
0x81: {  	_ =	shalt  }
0x82: {  	_ =	shalt  }
0x83: {  	_ =	shalt  }
0x84: {  	_ =	shalt  }
0x85: {  	_ =	shalt  }
0x86: {  	_ =	shalt  }
0x87: {  	_ =	shalt  }
.Lfunc_end0:
.L_simem_size_0:
called_computation_lowered:
.L_overlay_start_0:
0x88: {  	s2 =	sld [smem:$0x3FD9]  }
0x89: {  	s3 =	sld [smem:$0x3FFE];
	_ =	sdelay $0x1  }
0x8a: {  	s1 =	srdreg.scid  }
0x8b: {  	s0 =	sand.u32 $0x1, s1  }
0x8c: {  	s16 =	sshll.u32 s0, $0xA;
	s2 =	sadd.s32 s3, s2  }
0x8d: {  	s2 =	sadd.s32 s2, s16  }
0x8e: {  	[smem:$0x3FBC] =	sst s2  }
0x8f: {  	_ = 	snop  }
0x90: {  	(tm) =	ssettm $0x1  }
0x91: {  	s17 =	sld [smem:$0x3FFB];
	_ =	sdelay $0x3  }
0x92: {  	_ =	strace s17  }
0x93: {  	s2 =	sld [smem:$0x3FFC];
	_ =	sdelay $0x3  }
0x94: {  	_ =	strace s2  }
0x95: {  	s2 =	sld [smem:$0x3FFD];
	_ =	sdelay $0x3  }
0x96: {  	_ =	strace s2  }
0x97: {  	_ =	strace $0x8FFFFFFF  }
0x98: {  	s18 =	sld [smem:$0x3FDB];
	_ =	sdelay $0x1  }
0x99: {  	s19 =	simm.s32 $_scs_section_size  }
0x9a: {  	s4 =	simm.s32 $_size__tile_overlayer_lowered;
	s5 =	simm.s32 $_tile_overlayer_lowered  }
0x9b: {  	s22 =	simm.s32 $0x1BFF;
	s21 =	sshll.u32 s5, $0x1;
	s2 =	sadd.s32 s19, s18  }
0x9c: {  	s6 =	simm.s32 $0x0;
	s20 =	sshll.u32 s4, $0x1;
	s4 =	sadd.s32 s21, s2  }
0x9d: {  	[timem:s6], [sflag:s22] =	dma.local [hbm:s4], s20  }
0x9e: {  	_ =	swait.ge [sflag:s22], s20  }
0x9f: {  	s3 =	ssub.s32 $0x0, s20;
	[sflag:s22] =	ssyncset.done $0x0  }
0xa0: {  	[sflag:s22] =	ssyncadd.s32 s3;
	_ =	sdelay $0x1  }
0xa1: {  	s23 =	simm.s32 $0x1B8B  }
0xa2: {  	_ =	swait.ge [sflag:s23], $0x1  }
0xa3: {  	[sflag:s23] =	ssyncset.done $0x0  }
0xa4: {  	s25 =	simm.s32 $0x1B8E;
	s24 =	sld [smem:$0x3FFE];
	[sflag:s23] =	ssyncadd.s32 $0xFFFFFFFF  }
0xa5: {  	s26 =	simm.s32 $execute0_lowered;
	[smem:$0x3FD2] =	sst s25  }
0xa6: {  	s4 =	sshll.u32 s26, $0x1;
	_ =	strace $0x80000046;
	[dreg:$0x1] =	wrdreg $0xFFFFFFFF  }
0xa7: {  	s28 =	simm.s32 $_size_execute0_lowered;
	s2 =	sadd.s32 s2, s4;
	[dreg:$0x0] =	wrdreg $0x0  }
0xa8: {  	s4 =	sshll.u32 s28, $0x1;
	[dreg:$0x2] =	wrdreg s2  }
0xa9: {  	[dreg:$0x3] =	wrdreg s4  }
0xaa: {  	[dreg:$0x4] =	wrdreg $0xC0  }
0xab: {  	_ =	task [dreg:s6], $0x5FFFF  }
0xac: {  	[dreg:$0x1] =	wrdreg $0xFFFFFFFF  }
0xad: {  	[dreg:$0x0] =	wrdreg $0x60  }
0xae: {  	[dreg:$0x2] =	wrdreg s24  }
0xaf: {  	[dreg:$0x3] =	wrdreg $0x81000  }
0xb0: {  	[dreg:$0x4] =	wrdreg $0x9  }
0xb1: {  	_ =	task.clear_ibuf [dreg:s6], $0x5FFFF;
	_ =	strace $0x90000046  }
0xb2: {  	s29 =	simm.s32 $0x9;
	_ =	strace $0x80000048  }
0xb3: {  	_ =	swait.ge [sflag:s29], $0x1  }
0xb4: {  	[sflag:s29] =	ssyncadd.s32 $0xFFFFFFFF  }
0xb5: {  	_ =	strace $0x90000048  }
0xb6: {  	_ =	sfence  }
0xb7: {  	s30 =	sld [smem:$0x0];
	_ =	sdelay $0x2  }
0xb8: {  	s31 =	sshll.u32 s1, $0xD;
	s1 =	sshrl.u32 s1, $0x2  }
0xb9: {  	s3 =	sand.u32 $0x4000, s31;
	s1 =	sadd.s32 s1, s30  }
0xba: {  	s0 =	sor.u32 s3, s0;
	s1 =	sshll.u32 s1, $0x11  }
0xbb: {  	s0 =	sor.u32 s1, s0  }
0xbc: {  	s0 =	sadd.s32 $0x8F2B, s0  }
0xbd: {  	[sflag:s0] =	ssyncadd.remote.s32 $0x1  }
0xbe: {  	_ =	sfence.sel $0xFFFF  }
0xbf: {  	[dreg:$0x0] =	wrdreg $0xFFFFFFFF;
	(pc) =	sbr.abs _section_cstart, $3  }
0xc0: {  	[dreg:$0x1] =	wrdreg $0xFFFFFFFF  }
0xc1: {  	_ =	task.clear_ibuf [dreg:s6], $0x2FFFF;
	_ =	strace $0x9FFFFFFF  }
0xc2: {  	(tm) =	ssettm $0x7FFFFFFF  }
0xc3: {  	_ =	shalt  }
tec
execute0_lowered:
.L_overlay_start_1:
0x0: {  	(tag) =	ssettag $0x1  }
0x1: {  	s5 =	rddreg [dreg:$0x0]  }
0x2: {  	s1 =	rddreg [dreg:$0x1];
	s3 =	srdreg.scid  }
0x3: {  	s0 =	rddreg [dreg:$0x2];
	s6 =	sand.u32 $0x1, s3  }
0x4: {  	s2 =	simm.s32 $0x0;
	s3 =	stileid.u32;
	s7 =	smul.u32 $0x13C000, s6  }
0x5: {  	s17 =	simm.s32 $0x0;
	[smem:$0x7FF] =	sst s2;
	s8 =	smul.u32 $0x13C00, s3  }
0x6: {  	s9 =	sadd.s32 $0x16A00, s5;
	s10 =	sadd.s32 $0xCC00, s5;
	s12 =	smul.u32 $0x4F000, s3  }
0x7: {  	s4 =	sadd.s32 $0x506A00, s5;
	s11 =	sshll.u32 s6, $0x4;
	s24 =	smul.u32 $0x4F, s3  }
0x8: {  	_ =	strace $0x80000047;
	s28 =	smul.u32 $0x4F0, s6;
	s11 =	sor.u32 s3, s11  }
0x9: {  	s20 =	ssub.s32 $0x2, s6;
	s29 =	sshll.u32 s3, $0x6;
	s13 =	smul.u32 $0x2780, s11  }
0xa: {  	s14 =	sshrl.u32 s20, $0x1;
	s7 =	sadd.s32 s8, s7;
	s15 =	smul.u32 $0x380, s11  }
0xb: {  	s14 =	ssub.s32 s20, s14;
	s21 =	sshrl.u32 s12, $0x2;
	s11 =	smul.u32 $0x27800, s11  }
0xc: {  	s30 =	sadd.s32 s24, s28;
	s7 =	sshrl.u32 s7, $0x3;
	s25 =	sadd.s32 s21, s1  }
0xd: {  	s31 =	sshll.u32 s30, $0xB;
	s12 =	sshll.u32 s30, $0x4;
	s16 =	sadd.s32 s7, s5  }
0xe: {  	s22 =	sand.u32 $0x7FC00, s13;
	s23 =	sand.u32 $0x380, s15;
	s5 =	sor.u32 $0x1C03, s29  }
0xf: {  	s7 =	sadd.s32 s9, s11;
	s11 =	sadd.s32 s31, s9;
	s12 =	sadd.s32 s12, s10  }
0x10: {  	s9 =	smax.u32 s14, $0x1;
	s13 =	simm.s32 $0x3;
	s26 =	sor.u32 s23, s22  }
0x11: {  	s14 =	simm.s32 $0x100;
	s15 =	simm.s32 $0x80;
	s8 =	sshrl.u32 s26, $0x3  }
0x12: {  	s6 =	sadd.s32 s10, s8;
	s8 =	sadd.s32 $0x509200, s16;
	s10 =	sadd.s32 $0x800, s11  }
0x13: {  	s11 =	sadd.s32 $0x10, s12;
	s12 =	sshrl.u32 s25, $0x3;
	s16 =	simm.s32 $0x1  }
.LBB2_1:
0x14: {  	[spmem:s12], [sflag:s5] =	dma.local [hbm:s4], $0x2780  }
0x15: {  	_ =	swait.ge [sflag:s13], $0x2780  }
0x16: {  	[sflag:s13] =	ssyncset.done $0x0  }
0x17: {  	[sflag:s13] =	ssyncadd.s32 $0xFFFFD880  }
0x18: {  	[bflag:$0x0] =	sbarrier.arrive $0xFFFF  }
0x19: {  	[tilespmem:s2], [sflag:$0x3] =	stream.linear.gather [hbm4b:s6+s2], $0x80, $0x38;
	[tilespmem:$0x1BD00] =	vst v63  }
0x1a: {  	_ =	swait.ge [sflag:s13], $0x80  }
0x1b: {  	s18 =	sand.u32 $0x1, s2;
	[sflag:s13] =	ssyncset.done $0x0  }
0x1c: {  	s19 =	sxor.u32 $0x1, s18;
	[sflag:s13] =	ssyncadd.s32 $0xFFFFFF80  }
0x1d: {  	[tilespmem:s14], [sflag:$0x1] =	stream.linear.gather [hbm4b:s7+s2], $0x4000, $0x38;
	[tilespmem:$0x1BD00] =	vst v63  }
0x1e: {  	s20 =	sshll.u32 s19, $0x7  }
0x1f: {  	[tilespmem:s20], [sflag:$0x3] =	stream.linear.gather [hbm4b:s11+s2], $0x80, $0x38;
	[tilespmem:$0x1BD00] =	vst v63  }
0x20: {  	_ =	swait.ge [sflag:s13], $0x80  }
0x21: {  	s21 =	sadd.s32 $0x1, s18;
	s30 =	sshll.u32 s19, $0xE;
	[sflag:s13] =	ssyncset.done $0x0  }
0x22: {  	s19 =	sadd.s32 $0x1, s19;
	s20 =	sor.u32 $0x100, s30;
	[sflag:s13] =	ssyncadd.s32 $0xFFFFFF80  }
0x23: {  	[tilespmem:s20], [sflag:s19] =	stream.linear.gather [hbm4b:s10+s2], $0x4000, $0x38;
	[tilespmem:$0x1BD00] =	vst v63  }
0x24: {  	s31 =	simm.s32 $0x1;
	s23 =	simm.s32 $0x2;
	_ =	swait.ge [sflag:s21], $0x4000  }
0x25: {  	s22 =	sshll.u32 s18, $0xE;
	s18 =	sshll.u32 s18, $0x7;
	[sflag:s21] =	ssyncset.done $0x0  }
0x26: {  	s22 =	sor.u32 $0x100, s22;
	s20 =	sadd.s32 $0x10, s11;
	[sflag:s21] =	ssyncadd.s32 $0xFFFFC000  }
0x27: {  	[spmem:s1] =	stream.indirect.scatter.add.f32 [tilespmem:s22], [sflag:$0x3], $0x80, s18, s15, $0xb8;
	[tilespmem:$0x1BD00] =	vst v63  }
0x28: {  	s19 =	sadd.s32 $0x800, s10;
	s18 =	sand.u32 $0x1, s31;
	_ =	swait.ge [sflag:s13], $0x4000  }
0x29: {  	s22 =	sxor.u32 $0x1, s18;
	s21 =	sshll.u32 s18, $0xE;
	[sflag:s13] =	ssyncset.done $0x0  }
.LBB2_2:
0x2a: {  	s24 =	sshll.u32 s22, $0x7  }
0x2b: {  	[sflag:s13] =	ssyncadd.s32 $0xFFFFC000;
	s25 =	smov.u32 s23;
	s26 =	sadd.s32 $0x1, s23  }
0x2c: {  	[tilespmem:s24], [sflag:$0x3] =	stream.linear.gather [hbm4b:s20+s2], $0x80, $0x38;
	[tilespmem:$0x1BD00] =	vst v63  }
0x2d: {  	p0 =	sne.s32 s23, $0x4D;
	_ =	swait.ge [sflag:s13], $0x80  }
0x2e: {  	s23 =	sshll.u32 s22, $0xE;
	s24 =	sadd.s32 $0x1, s18;
	[sflag:s13] =	ssyncset.done $0x0  }
0x2f: {  	s22 =	sadd.s32 $0x1, s22;
	s23 =	sor.u32 $0x100, s23;
	[sflag:s13] =	ssyncadd.s32 $0xFFFFFF80  }
0x30: {  	[tilespmem:s23], [sflag:s22] =	stream.linear.gather [hbm4b:s19+s2], $0x4000, $0x38;
	[tilespmem:$0x1BD00] =	vst v63  }
0x31: {  	s21 =	sor.u32 $0x100, s21;
	_ =	swait.ge [sflag:s24], $0x4000  }
.Ltmp0:
0x32: {  	s20 =	sadd.s32 $0x10, s20;
	[sflag:s24] =	ssyncset.done $0x0;
	(pc) =	sbr.rel @p0 .LBB2_2-.Ltmp0, $4  }
0x33: {  	s18 =	sshll.u32 s18, $0x7;
	s19 =	sadd.s32 $0x800, s19;
	[sflag:s24] =	ssyncadd.s32 $0xFFFFC000  }
0x34: {  	[spmem:s1] =	stream.indirect.scatter.add.f32 [tilespmem:s21], [sflag:$0x3], $0x80, s18, s15, $0xb8;
	[tilespmem:$0x1BD00] =	vst v63  }
0x35: {  	s23 =	smov.u32 s26;
	s18 =	sand.u32 $0x1, s25;
	_ =	swait.ge [sflag:s13], $0x4000  }
0x36: {  	s22 =	sxor.u32 $0x1, s18;
	s21 =	sshll.u32 s18, $0xE;
	[sflag:s13] =	ssyncset.done $0x0  }
0x37: {  	s23 =	sshll.u32 s22, $0x7;
	[sflag:s13] =	ssyncadd.s32 $0xFFFFC000  }
0x38: {  	[tilespmem:s23], [sflag:$0x3] =	stream.linear.gather [hbm4b:s20+s2], $0x80, $0x38;
	[tilespmem:$0x1BD00] =	vst v63  }
0x39: {  	_ =	swait.ge [sflag:s13], $0x80  }
0x3a: {  	s26 =	sshll.u32 s22, $0xE;
	s28 =	sadd.s32 $0x1, s18;
	[sflag:s13] =	ssyncset.done $0x0  }
0x3b: {  	s29 =	sadd.s32 $0x1, s22;
	s20 =	sor.u32 $0x100, s26;
	[sflag:s13] =	ssyncadd.s32 $0xFFFFFF80  }
0x3c: {  	[tilespmem:s20], [sflag:s29] =	stream.linear.gather [hbm4b:s19+s2], $0x4000, $0x38;
	[tilespmem:$0x1BD00] =	vst v63  }
0x3d: {  	_ =	swait.ge [sflag:s28], $0x4000  }
0x3e: {  	[sflag:s28] =	ssyncset.done $0x0  }
0x3f: {  	s30 =	sor.u32 $0x100, s21;
	s31 =	sshll.u32 s18, $0x7;
	[sflag:s28] =	ssyncadd.s32 $0xFFFFC000  }
0x40: {  	[spmem:s1] =	stream.indirect.scatter.add.f32 [tilespmem:s30], [sflag:$0x3], $0x80, s31, s15, $0xb8;
	[tilespmem:$0x1BD00] =	vst v63  }
0x41: {  	_ =	swait.ge [sflag:s13], $0x4000  }
0x42: {  	[sflag:s13] =	ssyncset.done $0x0  }
0x43: {  	[sflag:s13] =	ssyncadd.s32 $0xFFFFC000  }
0x44: {  	_ =	swait.ge [sflag:s16], $0x4000  }
0x45: {  	[sflag:s16] =	ssyncset.done $0x0  }
0x46: {  	[sflag:s16] =	ssyncadd.s32 $0xFFFFC000  }
0x47: {  	[spmem:s1] =	stream.indirect.scatter.add.f32 [tilespmem:s14], [sflag:$0x3], $0x80, s2, s15, $0xb8;
	[tilespmem:$0x1BD00] =	vst v63  }
0x48: {  	_ =	swait.ge [sflag:s13], $0x4000  }
0x49: {  	s17 =	sadd.s32 $0x1, s17;
	[sflag:s13] =	ssyncset.done $0x0  }
0x4a: {  	p0 =	sne.s32 s17, s9;
	[sflag:s13] =	ssyncadd.s32 $0xFFFFC000  }
.Ltmp1:
0x4b: {  	[bflag:$0x0] =	sbarrier.arrive $0xFFFF;
	(pc) =	sbr.rel @p0 .LBB2_1-.Ltmp1, $4  }
0x4c: {  	[hbm:s8], [sflag:s5] =	dma.local [spmem:s12], $0x2780  }
0x4d: {  	_ =	swait.ge [sflag:s13], $0x2780  }
0x4e: {  	[sflag:s13] =	ssyncset.done $0x0  }
0x4f: {  	[sflag:s13] =	ssyncadd.s32 $0xFFFFD880  }
0x50: {  	_ =	sfence.sel $0x180000  }
0x51: {  	[bflag:$0x0] =	sbarrier.arrive $0xFFFF  }
0x52: {  	p0 =	sne.s32 s3, $0x0;
	_ =	strace $0x90000047  }
0x53: {  	s0 =	sadd.s32 @!p0 $0x100000, s0;
	[bflag:$0x2] =	sbarrier.arrive $0xFFFF  }
0x54: {  	[sflag:s0] =	ssyncadd.tile.s32 @!p0 $0x1;
	_ =	shalt  }
.Lfunc_end2:
_tile_overlayer_lowered:
.L_overlay_start_2:
0x55: {  	(tag) =	ssettag $0x2  }
0x56: {  	s0 =	rddreg [dreg:$0x0];
	s2 =	stileid.u32  }
0x57: {  	s1 =	rddreg [dreg:$0x1];
	p0 =	sne.s32 s2, $0x0  }
0x58: {  	s3 =	rddreg [dreg:$0x2];
	[bflag:$0x3] =	sbarrier.arrive $0xFFFF;
	s2 =	simm.s32 @!p0 $0x1C03  }
0x59: {  	[timem:s3], [sflag:s2] =	dma.local @!p0 [hbm:s0], s1  }
0x5a: {  	s0 =	simm.s32 @!p0 $0x3  }
0x5b: {  	_ =	swait.ge @!p0 [sflag:s0], s1  }
0x5c: {  	s1 =	ssub.s32 @!p0 $0x0, s1;
	[sflag:s0] =	ssyncset.done @!p0 $0x0  }
0x5d: {  	[sflag:s0] =	ssyncadd.s32 @!p0 s1  }
0x5e: {  	[bflag:$0x3] =	sbarrier.arrive $0xFFFF  }
0x5f: {  	_ =	shalt  }

// kernel: kernel.14.cloned.1.call-start
scs
__scs_entry_jumppad:
0x0: {  	(pc) =	sbr.rel $0x88, $3  }
0x1: {  	(tag) =	ssettag $0x0;
	lr =	simm.s32 $0x1  }
0x2: {  	[smem:$0x3F95] =	sst lr;
	_ =	strace $0xD0000000  }
0x3: {  	_ = 	snop  }
0x4: {  	_ = 	snop  }
0x5: {  	_ = 	snop  }
0x6: {  	_ = 	snop  }
0x7: {  	_ = 	snop  }
__scs_overlays_trampoline_lowered:
0x8: {  	[smem:$0x3FA4] =	sst s0  }
0x9: {  	[smem:$0x3FA5] =	sst s1  }
0xa: {  	[smem:$0x3FA6] =	sst s2  }
0xb: {  	[smem:$0x3FA7] =	sst s3  }
0xc: {  	[smem:$0x3FA8] =	sst s4  }
0xd: {  	[smem:$0x3FA9] =	sst s5  }
0xe: {  	[smem:$0x3FAA] =	sst s6  }
0xf: {  	[smem:$0x3FAB] =	sst s7  }
0x10: {  	[smem:$0x3FAC] =	sst s8  }
0x11: {  	[smem:$0x3FAD] =	sst s9;
	s0 =	simm.s32 @!p0 $0x0  }
0x12: {  	s1 =	sld [smem:$0x3F93];
	s0 =	simm.s32 @p0 $0x1  }
0x13: {  	[smem:$0x3FAE] =	sst s0;
	s0 =	simm.s32 @!p1 $0x0  }
0x14: {  	s2 =	sld [smem:$0x3F92];
	s0 =	simm.s32 @p1 $0x1  }
0x15: {  	[smem:$0x3FAF] =	sst s0;
	s0 =	simm.s32 @!p2 $0x0  }
0x16: {  	s3 =	sld [smem:$0x3FDB];
	s0 =	simm.s32 @p2 $0x1  }
0x17: {  	s4 =	simm.s32 $0x1BF5;
	[smem:$0x3FB1] =	sst s0  }
0x18: {  	s0 =	sld [smem:$0x3F94];
	_ =	swait.ge [sflag:s4], $0x0  }
0x19: {  	s7 =	sld [smem:$0x3F95]  }
0x1a: {  	s8 =	sadd.s32 $0xFFFFE003, lr  }
0x1b: {  	s9 =	sadd.s32 $0xFFFFFEF7, lr;
	s5 =	simm.s32 $0xFFFFFFFF;
	p2 =	slt.u32 s8, $0xFFFFF086  }
0x1c: {  	p1 =	slt.u32 s9, $0xF7A;
	s5 =	simm.s32 @!p2 $0x0  }
0x1d: {  	s5 =	simm.s32 @p1 $0x1;
	p0 =	seq.s32 s7, s2  }
0x1e: {  	s7 =	smul.u32 @!p0 $0xF7A, s2;
	p2 =	seq.s32 @!p0 s5, $0x0  }
0x1f: {  	s9 =	smul.u32 $0xF7A, s1;
	s8 =	simm.s32 @!p0 $0x1BF5;
	p2 =	por !p2, p0  }
0x20: {  	[sflag:s8] =	ssyncset.s32 @!p0 $0xFFFFF086;
	s6 =	sadd.s32 @!p0 s3, s7;
	s7 =	simm.s32 @!p0 $0x108  }
0x21: {  	s3 =	sadd.s32 s3, s9;
	s6 =	sadd.s32 @!p0 $0x88, s6;
	s7 =	simm.s32 @p2 $0x1082  }
0x22: {  	[simem:s7], [sflag:s8] =	dma.local @!p0 [hbm:s6], $0xF7A  }
0x23: {  	s9 =	sor.u32 $0xD0000000, s2;
	s6 =	simm.s32 $0x108;
	_ =	swait.ge @!p0 [sflag:s8], $0x0  }
0x24: {  	s3 =	sadd.s32 $0x88, s3;
	s6 =	simm.s32 @!p1 $0x1082;
	[sflag:s4] =	ssyncset.s32 $0xFFFFF086  }
0x25: {  	[simem:s6], [sflag:s4] =	dma.local [hbm:s3], $0xF7A  }
0x26: {  	[smem:$0x3F95] =	sst s1;
	(tag) =	ssettag s2;
	_ =	strace s9  }
0x27: {  	s1 =	sld [smem:$0x3FA5]  }
0x28: {  	s2 =	sld [smem:$0x3FA6]  }
0x29: {  	s4 =	sld [smem:$0x3FA8]  }
0x2a: {  	p0 =	seq.s32 s5, $0x0;
	s5 =	sld [smem:$0x3FA9]  }
0x2b: {  	s6 =	sld [smem:$0x3FAA]  }
0x2c: {  	s7 =	sld [smem:$0x3FAB]  }
0x2d: {  	s3 =	simm.s32 $0x108;
	s8 =	sld [smem:$0x3FAC]  }
0x2e: {  	s3 =	simm.s32 @!p0 $0x1082;
	s9 =	sld [smem:$0x3FAD]  }
0x2f: {  	lr =	sadd.s32 s0, s3;
	s0 =	sld [smem:$0x3FA4]  }
0x30: {  	s3 =	sld [smem:$0x3FA7]  }
0x31: {  	[smem:$0x3FB0] =	sst s10  }
0x32: {  	s10 =	sld [smem:$0x3FAE];
	_ =	sdelay $0x3  }
0x33: {  	p0 =	seq.s32 s10, $0x1;
	s10 =	sld [smem:$0x3FB0];
	_ =	sdelay $0x3  }
0x34: {  	[smem:$0x3FB0] =	sst s10  }
0x35: {  	s10 =	sld [smem:$0x3FAF];
	_ =	sdelay $0x3  }
0x36: {  	p1 =	seq.s32 s10, $0x1;
	s10 =	sld [smem:$0x3FB0];
	_ =	sdelay $0x3  }
0x37: {  	[smem:$0x3FB0] =	sst s10  }
0x38: {  	s10 =	sld [smem:$0x3FB1]  }
0x39: {  	_ = 	snop;
	(pc) =	sbr.ind lr, $3  }
0x3a: {  	_ = 	snop  }
0x3b: {  	_ = 	snop  }
0x3c: {  	p2 =	seq.s32 s10, $0x1;
	s10 =	sld [smem:$0x3FB0]  }
0x3d: {  	_ =	shalt  }
0x3e: {  	_ =	shalt  }
0x3f: {  	_ =	shalt  }
0x40: {  	_ =	shalt  }
0x41: {  	_ =	shalt  }
0x42: {  	_ =	shalt  }
0x43: {  	_ =	shalt  }
0x44: {  	_ =	shalt  }
0x45: {  	_ =	shalt  }
0x46: {  	_ =	shalt  }
0x47: {  	_ =	shalt  }
0x48: {  	_ =	shalt  }
0x49: {  	_ =	shalt  }
0x4a: {  	_ =	shalt  }
0x4b: {  	_ =	shalt  }
0x4c: {  	_ =	shalt  }
0x4d: {  	_ =	shalt  }
0x4e: {  	_ =	shalt  }
0x4f: {  	_ =	shalt  }
0x50: {  	_ =	shalt  }
0x51: {  	_ =	shalt  }
0x52: {  	_ =	shalt  }
0x53: {  	_ =	shalt  }
0x54: {  	_ =	shalt  }
0x55: {  	_ =	shalt  }
0x56: {  	_ =	shalt  }
0x57: {  	_ =	shalt  }
0x58: {  	_ =	shalt  }
0x59: {  	_ =	shalt  }
0x5a: {  	_ =	shalt  }
0x5b: {  	_ =	shalt  }
0x5c: {  	_ =	shalt  }
0x5d: {  	_ =	shalt  }
0x5e: {  	_ =	shalt  }
0x5f: {  	_ =	shalt  }
0x60: {  	_ =	shalt  }
0x61: {  	_ =	shalt  }
0x62: {  	_ =	shalt  }
0x63: {  	_ =	shalt  }
0x64: {  	_ =	shalt  }
0x65: {  	_ =	shalt  }
0x66: {  	_ =	shalt  }
0x67: {  	_ =	shalt  }
0x68: {  	_ =	shalt  }
0x69: {  	_ =	shalt  }
0x6a: {  	_ =	shalt  }
0x6b: {  	_ =	shalt  }
0x6c: {  	_ =	shalt  }
0x6d: {  	_ =	shalt  }
0x6e: {  	_ =	shalt  }
0x6f: {  	_ =	shalt  }
0x70: {  	_ =	shalt  }
0x71: {  	_ =	shalt  }
0x72: {  	_ =	shalt  }
0x73: {  	_ =	shalt  }
0x74: {  	_ =	shalt  }
0x75: {  	_ =	shalt  }
0x76: {  	_ =	shalt  }
0x77: {  	_ =	shalt  }
0x78: {  	_ =	shalt  }
0x79: {  	_ =	shalt  }
0x7a: {  	_ =	shalt  }
0x7b: {  	_ =	shalt  }
0x7c: {  	_ =	shalt  }
0x7d: {  	_ =	shalt  }
0x7e: {  	_ =	shalt  }
0x7f: {  	_ =	shalt  }
0x80: {  	_ =	shalt  }
0x81: {  	_ =	shalt  }
0x82: {  	_ =	shalt  }
0x83: {  	_ =	shalt  }
0x84: {  	_ =	shalt  }
0x85: {  	_ =	shalt  }
0x86: {  	_ =	shalt  }
0x87: {  	_ =	shalt  }
.Lfunc_end0:
.L_simem_size_0:
called_computation.1_lowered:
.L_overlay_start_0:
0x88: {  	s2 =	sld [smem:$0x3FD9]  }
0x89: {  	s3 =	sld [smem:$0x3FFE];
	_ =	sdelay $0x1  }
0x8a: {  	s1 =	srdreg.scid  }
0x8b: {  	s0 =	sand.u32 $0x1, s1  }
0x8c: {  	s16 =	sshll.u32 s0, $0xA;
	s2 =	sadd.s32 s3, s2  }
0x8d: {  	s2 =	sadd.s32 s2, s16  }
0x8e: {  	[smem:$0x3FBC] =	sst s2  }
0x8f: {  	_ = 	snop  }
0x90: {  	(tm) =	ssettm $0x1  }
0x91: {  	s17 =	sld [smem:$0x3FFB];
	_ =	sdelay $0x3  }
0x92: {  	_ =	strace s17  }
0x93: {  	s2 =	sld [smem:$0x3FFC];
	_ =	sdelay $0x3  }
0x94: {  	_ =	strace s2  }
0x95: {  	s2 =	sld [smem:$0x3FFD];
	_ =	sdelay $0x3  }
0x96: {  	_ =	strace s2  }
0x97: {  	_ =	strace $0x8FFFFFFF  }
0x98: {  	s18 =	sld [smem:$0x3FDB];
	_ =	sdelay $0x1  }
0x99: {  	s19 =	simm.s32 $_scs_section_size  }
0x9a: {  	s4 =	simm.s32 $_size__tile_overlayer_lowered;
	s5 =	simm.s32 $_tile_overlayer_lowered  }
0x9b: {  	s22 =	simm.s32 $0x1BFF;
	s21 =	sshll.u32 s5, $0x1;
	s2 =	sadd.s32 s19, s18  }
0x9c: {  	s6 =	simm.s32 $0x0;
	s20 =	sshll.u32 s4, $0x1;
	s4 =	sadd.s32 s21, s2  }
0x9d: {  	[timem:s6], [sflag:s22] =	dma.local [hbm:s4], s20  }
0x9e: {  	_ =	swait.ge [sflag:s22], s20  }
0x9f: {  	s3 =	ssub.s32 $0x0, s20;
	[sflag:s22] =	ssyncset.done $0x0  }
0xa0: {  	[sflag:s22] =	ssyncadd.s32 s3;
	_ =	sdelay $0x1  }
0xa1: {  	s23 =	simm.s32 $0x1B8B  }
0xa2: {  	_ =	swait.ge [sflag:s23], $0x1  }
0xa3: {  	[sflag:s23] =	ssyncset.done $0x0  }
0xa4: {  	s25 =	simm.s32 $0x1B8E;
	s24 =	sld [smem:$0x3FFE];
	[sflag:s23] =	ssyncadd.s32 $0xFFFFFFFF  }
0xa5: {  	s26 =	simm.s32 $execute0_lowered;
	[smem:$0x3FD2] =	sst s25  }
0xa6: {  	s4 =	sshll.u32 s26, $0x1;
	_ =	strace $0x80000049;
	[dreg:$0x1] =	wrdreg $0xFFFFFFFF  }
0xa7: {  	s28 =	simm.s32 $_size_execute0_lowered;
	s2 =	sadd.s32 s2, s4;
	[dreg:$0x0] =	wrdreg $0x0  }
0xa8: {  	s4 =	sshll.u32 s28, $0x1;
	[dreg:$0x2] =	wrdreg s2  }
0xa9: {  	[dreg:$0x3] =	wrdreg s4  }
0xaa: {  	[dreg:$0x4] =	wrdreg $0xC0  }
0xab: {  	_ =	task [dreg:s6], $0x5FFFF  }
0xac: {  	[dreg:$0x1] =	wrdreg $0xFFFFFFFF  }
0xad: {  	[dreg:$0x0] =	wrdreg $0x60  }
0xae: {  	[dreg:$0x2] =	wrdreg s24  }
0xaf: {  	[dreg:$0x3] =	wrdreg $0x82000  }
0xb0: {  	[dreg:$0x4] =	wrdreg $0x9  }
0xb1: {  	_ =	task.clear_ibuf [dreg:s6], $0x5FFFF;
	_ =	strace $0x90000049  }
0xb2: {  	s29 =	simm.s32 $0x9;
	_ =	strace $0x8000004B  }
0xb3: {  	_ =	swait.ge [sflag:s29], $0x1  }
0xb4: {  	[sflag:s29] =	ssyncadd.s32 $0xFFFFFFFF  }
0xb5: {  	_ =	strace $0x9000004B  }
0xb6: {  	_ =	sfence  }
0xb7: {  	s30 =	sld [smem:$0x0];
	_ =	sdelay $0x2  }
0xb8: {  	s31 =	sshll.u32 s1, $0xD;
	s1 =	sshrl.u32 s1, $0x2  }
0xb9: {  	s3 =	sand.u32 $0x4000, s31;
	s1 =	sadd.s32 s1, s30  }
0xba: {  	s0 =	sor.u32 s3, s0;
	s1 =	sshll.u32 s1, $0x11  }
0xbb: {  	s0 =	sor.u32 s1, s0  }
0xbc: {  	s0 =	sadd.s32 $0x8F2B, s0  }
0xbd: {  	[sflag:s0] =	ssyncadd.remote.s32 $0x1  }
0xbe: {  	_ =	sfence.sel $0xFFFF  }
0xbf: {  	[dreg:$0x0] =	wrdreg $0xFFFFFFFF;
	(pc) =	sbr.abs _section_cstart, $3  }
0xc0: {  	[dreg:$0x1] =	wrdreg $0xFFFFFFFF  }
0xc1: {  	_ =	task.clear_ibuf [dreg:s6], $0x2FFFF;
	_ =	strace $0x9FFFFFFF  }
0xc2: {  	(tm) =	ssettm $0x7FFFFFFF  }
0xc3: {  	_ =	shalt  }
tec
execute0_lowered:
.L_overlay_start_1:
0x0: {  	(tag) =	ssettag $0x1  }
0x1: {  	s0 =	rddreg [dreg:$0x0]  }
0x2: {  	s1 =	rddreg [dreg:$0x1];
	s2 =	srdreg.scid;
	s3 =	simm.s32 $0x0  }
0x3: {  	s13 =	stileid.u32;
	s16 =	simm.s32 $0x3;
	s18 =	simm.s32 $0x80  }
0x4: {  	s19 =	simm.s32 $0x200;
	s20 =	simm.s32 $0x180;
	s21 =	simm.s32 $0x4200  }
0x5: {  	s22 =	simm.s32 $0x0;
	s2 =	sand.u32 $0x1, s2;
	s6 =	smul.u32 $0x13C00, s13  }
0x6: {  	[smem:$0x7FF] =	sst s3;
	s4 =	sadd.s32 $0x16A00, s0;
	s7 =	smul.u32 $0x4F, s13  }
0x7: {  	s9 =	sadd.s32 $0x2E00, s0;
	s10 =	sadd.s32 $0xCC00, s0;
	s8 =	smul.u32 $0x4F000, s13  }
0x8: {  	s30 =	sshll.u32 s13, $0x6;
	s5 =	smul.u32 $0x13C000, s2;
	s28 =	ssub.s32 $0x2, s2  }
0x9: {  	_ =	strace $0x8000004A;
	p0 =	seq.s32 s2, $0x0;
	s11 =	sshrl.u32 s28, $0x1  }
0xa: {  	s2 =	sadd.s32 $0x4F0, s7;
	s29 =	sshrl.u32 s8, $0x2;
	s6 =	sadd.s32 s6, s5  }
0xb: {  	s5 =	sadd.s32 $0x506A00, s0;
	s12 =	ssub.s32 s28, s11;
	s2 =	smov.u32 @p0 s7  }
0xc: {  	s15 =	sadd.s32 s29, s1;
	s6 =	sshrl.u32 s6, $0x3;
	s2 =	sshll.u32 s2, $0x4  }
0xd: {  	s12 =	smax.u32 s12, $0x1;
	s15 =	sshrl.u32 s15, $0x3;
	s0 =	sadd.s32 s6, s0  }
0xe: {  	s6 =	sor.u32 $0x1C03, s30;
	s7 =	sadd.s32 s9, s2;
	s31 =	sadd.s32 $0x10, s2  }
0xf: {  	s8 =	sadd.s32 s10, s2;
	s9 =	sadd.s32 s9, s31;
	s10 =	sadd.s32 s10, s31  }
0x10: {  	s11 =	sadd.s32 $0x3DC00, s0;
	s13 =	sadd.s32 $0x20, s7;
	s14 =	sadd.s32 $0x20, s8  }
.LBB2_1:
0x11: {  	[spmem:s15], [sflag:s6] =	dma.local [hbm:s5], $0x2780  }
0x12: {  	_ =	swait.ge [sflag:s16], $0x2780  }
0x13: {  	[sflag:s16] =	ssyncset.done $0x0  }
0x14: {  	[sflag:s16] =	ssyncadd.s32 $0xFFFFD880  }
0x15: {  	[bflag:$0x0] =	sbarrier.arrive $0xFFFF  }
0x16: {  	[tilespmem:s3], [sflag:$0x3] =	stream.linear.gather [hbm4b:s7+s3], $0x80, $0x38;
	[tilespmem:$0x1BE00] =	vst v63  }
0x17: {  	_ =	swait.ge [sflag:s16], $0x80  }
0x18: {  	[sflag:s16] =	ssyncset.done $0x0  }
0x19: {  	s0 =	simm.s32 $0x100;
	[sflag:s16] =	ssyncadd.s32 $0xFFFFFF80  }
0x1a: {  	[tilespmem:s0], [sflag:$0x3] =	stream.linear.gather [hbm4b:s8+s3], $0x80, $0x38;
	[tilespmem:$0x1BE00] =	vst v63  }
0x1b: {  	_ =	swait.ge [sflag:s16], $0x80  }
0x1c: {  	[sflag:s16] =	ssyncset.done $0x0  }
0x1d: {  	[sflag:s16] =	ssyncadd.s32 $0xFFFFFF80  }
0x1e: {  	[tilespmem:s19], [sflag:$0x1] =	stream.indirect.gather [hbm4b:s4+s18], $0x80, s3, s18, $0xb8;
	[tilespmem:$0x1BE00] =	vst v63  }
0x1f: {  	_ = 	snop  }
0x20: {  	[tilespmem:s18], [sflag:$0x3] =	stream.linear.gather [hbm4b:s9+s3], $0x80, $0x38;
	[tilespmem:$0x1BE00] =	vst v63  }
0x21: {  	_ =	swait.ge [sflag:s16], $0x80  }
0x22: {  	[sflag:s16] =	ssyncset.done $0x0  }
0x23: {  	[sflag:s16] =	ssyncadd.s32 $0xFFFFFF80  }
0x24: {  	[tilespmem:s20], [sflag:$0x3] =	stream.linear.gather [hbm4b:s10+s3], $0x80, $0x38;
	[tilespmem:$0x1BE00] =	vst v63  }
0x25: {  	_ =	swait.ge [sflag:s16], $0x80  }
0x26: {  	s26 =	sand.u32 $0x1, s3;
	[sflag:s16] =	ssyncset.done $0x0  }
0x27: {  	s23 =	sadd.s32 $0x1, s26;
	[sflag:s16] =	ssyncadd.s32 $0xFFFFFF80  }
0x28: {  	[tilespmem:s21], [sflag:$0x2] =	stream.indirect.gather [hbm4b:s4+s18], $0x80, s18, s18, $0xb8;
	[tilespmem:$0x1BE00] =	vst v63  }
0x29: {  	_ =	swait.ge [sflag:s23], $0x4000  }
0x2a: {  	s2 =	sshll.u32 s26, $0xE;
	s28 =	sshll.u32 s26, $0x7;
	[sflag:s23] =	ssyncset.done $0x0  }
0x2b: {  	s29 =	sor.u32 $0x200, s2;
	s0 =	sor.u32 $0x100, s28;
	[sflag:s23] =	ssyncadd.s32 $0xFFFFC000  }
0x2c: {  	[spmem:s1] =	stream.indirect.scatter.add.f32 [tilespmem:s29], [sflag:$0x3], $0x80, s0, s18, $0xb8;
	[tilespmem:$0x1BE00] =	vst v63  }
0x2d: {  	_ =	swait.ge [sflag:s16], $0x4000  }
0x2e: {  	p0 =	por $0x0, $0x0;
	[sflag:s16] =	ssyncset.done $0x0  }
0x2f: {  	s31 =	simm.s32 @!p0 $0x3;
	s2 =	simm.s32 @!p0 $0x0;
	[sflag:s16] =	ssyncadd.s32 $0xFFFFC000  }
0x30: {  	[tilespmem:s28], [sflag:$0x3] =	stream.linear.gather @!p0 [hbm4b:s13+s2], $0x80, $0x38;
	[tilespmem:$0x1BE00] =	vst v63  }
0x31: {  	_ =	swait.ge @!p0 [sflag:s31], $0x80  }
0x32: {  	[sflag:s31] =	ssyncset.done @!p0 $0x0  }
0x33: {  	s25 =	simm.s32 $0x1;
	s30 =	simm.s32 $0x2;
	[sflag:s31] =	ssyncadd.s32 @!p0 $0xFFFFFF80  }
0x34: {  	[tilespmem:s0], [sflag:$0x3] =	stream.linear.gather @!p0 [hbm4b:s14+s2], $0x80, $0x38;
	[tilespmem:$0x1BE00] =	vst v63  }
0x35: {  	s24 =	sadd.s32 $0x10, s14;
	s26 =	sadd.s32 $0x10, s13;
	_ =	swait.ge @!p0 [sflag:s31], $0x80  }
0x36: {  	s0 =	sand.u32 $0x1, s25;
	s2 =	simm.s32 @!p0 $0x80;
	[sflag:s31] =	ssyncset.done @!p0 $0x0  }
.LBB2_2:
0x37: {  	s17 =	sadd.s32 $0x1, s0  }
0x38: {  	[sflag:s31] =	ssyncadd.s32 @!p0 $0xFFFFFF80;
	s31 =	smov.u32 s30;
	s30 =	sadd.s32 $0x1, s30  }
0x39: {  	[tilespmem:s29], [sflag:s23] =	stream.indirect.gather @!p0 [hbm4b:s4+s2], $0x80, s28, s2, $0xb8;
	[tilespmem:$0x1BE00] =	vst v63  }
0x3a: {  	p1 =	sne.s32 s30, $0x4F;
	s23 =	smov.u32 s17;
	_ =	swait.ge [sflag:s17], $0x4000  }
0x3b: {  	s2 =	sshll.u32 s0, $0xE;
	s28 =	sshll.u32 s0, $0x7;
	[sflag:s23] =	ssyncset.done $0x0  }
0x3c: {  	s29 =	sor.u32 $0x200, s2;
	s0 =	sor.u32 $0x100, s28;
	[sflag:s23] =	ssyncadd.s32 $0xFFFFC000  }
0x3d: {  	[spmem:s1] =	stream.indirect.scatter.add.f32 [tilespmem:s29], [sflag:$0x3], $0x80, s0, s18, $0xb8;
	[tilespmem:$0x1BE00] =	vst v63  }
0x3e: {  	_ =	swait.ge [sflag:s16], $0x4000  }
0x3f: {  	p0 =	sgt.u32 s25, $0x4C;
	s25 =	smov.u32 s31;
	[sflag:s16] =	ssyncset.done $0x0  }
0x40: {  	s2 =	simm.s32 @!p0 $0x0;
	s31 =	simm.s32 @!p0 $0x3;
	[sflag:s16] =	ssyncadd.s32 $0xFFFFC000  }
0x41: {  	[tilespmem:s28], [sflag:$0x3] =	stream.linear.gather @!p0 [hbm4b:s26+s2], $0x80, $0x38;
	[tilespmem:$0x1BE00] =	vst v63  }
0x42: {  	_ =	swait.ge @!p0 [sflag:s31], $0x80  }
.Ltmp0:
0x43: {  	[sflag:s31] =	ssyncset.done @!p0 $0x0;
	(pc) =	sbr.rel @p1 .LBB2_2-.Ltmp0, $4  }
0x44: {  	[sflag:s31] =	ssyncadd.s32 @!p0 $0xFFFFFF80  }
0x45: {  	[tilespmem:s0], [sflag:$0x3] =	stream.linear.gather @!p0 [hbm4b:s24+s2], $0x80, $0x38;
	[tilespmem:$0x1BE00] =	vst v63  }
0x46: {  	s26 =	sadd.s32 $0x10, s26;
	s24 =	sadd.s32 $0x10, s24;
	_ =	swait.ge @!p0 [sflag:s31], $0x80  }
0x47: {  	s0 =	sand.u32 $0x1, s25;
	s2 =	simm.s32 @!p0 $0x80;
	[sflag:s31] =	ssyncset.done @!p0 $0x0  }
0x48: {  	s17 =	sadd.s32 $0x1, s0;
	[sflag:s31] =	ssyncadd.s32 @!p0 $0xFFFFFF80  }
0x49: {  	[tilespmem:s29], [sflag:s23] =	stream.indirect.gather @!p0 [hbm4b:s4+s2], $0x80, s28, s2, $0xb8;
	[tilespmem:$0x1BE00] =	vst v63  }
0x4a: {  	_ =	swait.ge [sflag:s17], $0x4000  }
0x4b: {  	s31 =	sshll.u32 s0, $0xE;
	s0 =	sshll.u32 s0, $0x7;
	[sflag:s17] =	ssyncset.done $0x0  }
0x4c: {  	s2 =	sor.u32 $0x200, s31;
	s23 =	sor.u32 $0x100, s0;
	[sflag:s17] =	ssyncadd.s32 $0xFFFFC000  }
0x4d: {  	[spmem:s1] =	stream.indirect.scatter.add.f32 [tilespmem:s2], [sflag:$0x3], $0x80, s23, s18, $0xb8;
	[tilespmem:$0x1BE00] =	vst v63  }
0x4e: {  	_ =	swait.ge [sflag:s16], $0x4000  }
0x4f: {  	p0 =	sgt.u32 s25, $0x4C;
	[sflag:s16] =	ssyncset.done $0x0  }
0x50: {  	s25 =	simm.s32 @!p0 $0x0;
	s28 =	simm.s32 @!p0 $0x3;
	[sflag:s16] =	ssyncadd.s32 $0xFFFFC000  }
0x51: {  	[tilespmem:s0], [sflag:$0x3] =	stream.linear.gather @!p0 [hbm4b:s26+s25], $0x80, $0x38;
	[tilespmem:$0x1BE00] =	vst v63  }
0x52: {  	_ =	swait.ge @!p0 [sflag:s28], $0x80  }
0x53: {  	[sflag:s28] =	ssyncset.done @!p0 $0x0  }
0x54: {  	[sflag:s28] =	ssyncadd.s32 @!p0 $0xFFFFFF80  }
0x55: {  	[tilespmem:s23], [sflag:$0x3] =	stream.linear.gather @!p0 [hbm4b:s24+s25], $0x80, $0x38;
	[tilespmem:$0x1BE00] =	vst v63  }
0x56: {  	_ =	swait.ge @!p0 [sflag:s28], $0x80  }
0x57: {  	[sflag:s28] =	ssyncset.done @!p0 $0x0  }
0x58: {  	s22 =	sadd.s32 $0x1, s22;
	s23 =	simm.s32 @!p0 $0x80;
	[sflag:s28] =	ssyncadd.s32 @!p0 $0xFFFFFF80  }
0x59: {  	[tilespmem:s2], [sflag:s17] =	stream.indirect.gather @!p0 [hbm4b:s4+s23], $0x80, s0, s23, $0xb8;
	[tilespmem:$0x1BE00] =	vst v63  }
0x5a: {  	p0 =	sne.s32 s22, s12  }
.Ltmp1:
0x5b: {  	[bflag:$0x0] =	sbarrier.arrive $0xFFFF;
	(pc) =	sbr.rel @p0 .LBB2_1-.Ltmp1, $4  }
0x5c: {  	[hbm:s11], [sflag:s6] =	dma.local [spmem:s15], $0x2780  }
0x5d: {  	_ =	swait.ge [sflag:s16], $0x2780  }
0x5e: {  	[sflag:s16] =	ssyncset.done $0x0  }
0x5f: {  	[sflag:s16] =	ssyncadd.s32 $0xFFFFD880  }
0x60: {  	_ =	sfence.sel $0x180000  }
0x61: {  	[bflag:$0x0] =	sbarrier.arrive $0xFFFF  }
0x62: {  	_ =	strace $0x9000004A  }
0x63: {  	s0 =	stileid.u32;
	[bflag:$0x2] =	sbarrier.arrive $0xFFFF  }
0x64: {  	p0 =	sne.s32 s0, $0x0;
	s0 =	rddreg [dreg:$0x2]  }
0x65: {  	s0 =	sadd.s32 @!p0 $0x100000, s0  }
0x66: {  	[sflag:s0] =	ssyncadd.tile.s32 @!p0 $0x1;
	_ =	shalt  }
.Lfunc_end2:
_tile_overlayer_lowered:
.L_overlay_start_2:
0x67: {  	(tag) =	ssettag $0x2  }
0x68: {  	s0 =	rddreg [dreg:$0x0];
	s2 =	stileid.u32  }
0x69: {  	s1 =	rddreg [dreg:$0x1];
	p0 =	sne.s32 s2, $0x0  }
0x6a: {  	s3 =	rddreg [dreg:$0x2];
	[bflag:$0x3] =	sbarrier.arrive $0xFFFF;
	s2 =	simm.s32 @!p0 $0x1C03  }
0x6b: {  	[timem:s3], [sflag:s2] =	dma.local @!p0 [hbm:s0], s1  }
0x6c: {  	s0 =	simm.s32 @!p0 $0x3  }
0x6d: {  	_ =	swait.ge @!p0 [sflag:s0], s1  }
0x6e: {  	s1 =	ssub.s32 @!p0 $0x0, s1;
	[sflag:s0] =	ssyncset.done @!p0 $0x0  }
0x6f: {  	[sflag:s0] =	ssyncadd.s32 @!p0 s1  }
0x70: {  	[bflag:$0x3] =	sbarrier.arrive $0xFFFF  }
0x71: {  	_ =	shalt  }

// kernel: kernel.17.cloned.1.call-start
scs
__scs_entry_jumppad:
0x0: {  	(pc) =	sbr.rel $0x88, $3  }
0x1: {  	(tag) =	ssettag $0x0;
	lr =	simm.s32 $0x1  }
0x2: {  	[smem:$0x3F95] =	sst lr;
	_ =	strace $0xD0000000  }
0x3: {  	_ = 	snop  }
0x4: {  	_ = 	snop  }
0x5: {  	_ = 	snop  }
0x6: {  	_ = 	snop  }
0x7: {  	_ = 	snop  }
__scs_overlays_trampoline_lowered:
0x8: {  	[smem:$0x3FA4] =	sst s0  }
0x9: {  	[smem:$0x3FA5] =	sst s1  }
0xa: {  	[smem:$0x3FA6] =	sst s2  }
0xb: {  	[smem:$0x3FA7] =	sst s3  }
0xc: {  	[smem:$0x3FA8] =	sst s4  }
0xd: {  	[smem:$0x3FA9] =	sst s5  }
0xe: {  	[smem:$0x3FAA] =	sst s6  }
0xf: {  	[smem:$0x3FAB] =	sst s7  }
0x10: {  	[smem:$0x3FAC] =	sst s8  }
0x11: {  	[smem:$0x3FAD] =	sst s9;
	s0 =	simm.s32 @!p0 $0x0  }
0x12: {  	s1 =	sld [smem:$0x3F93];
	s0 =	simm.s32 @p0 $0x1  }
0x13: {  	[smem:$0x3FAE] =	sst s0;
	s0 =	simm.s32 @!p1 $0x0  }
0x14: {  	s2 =	sld [smem:$0x3F92];
	s0 =	simm.s32 @p1 $0x1  }
0x15: {  	[smem:$0x3FAF] =	sst s0;
	s0 =	simm.s32 @!p2 $0x0  }
0x16: {  	s3 =	sld [smem:$0x3FDB];
	s0 =	simm.s32 @p2 $0x1  }
0x17: {  	s4 =	simm.s32 $0x1BF5;
	[smem:$0x3FB1] =	sst s0  }
0x18: {  	s0 =	sld [smem:$0x3F94];
	_ =	swait.ge [sflag:s4], $0x0  }
0x19: {  	s7 =	sld [smem:$0x3F95]  }
0x1a: {  	s8 =	sadd.s32 $0xFFFFE003, lr  }
0x1b: {  	s9 =	sadd.s32 $0xFFFFFEF7, lr;
	s5 =	simm.s32 $0xFFFFFFFF;
	p2 =	slt.u32 s8, $0xFFFFF086  }
0x1c: {  	p1 =	slt.u32 s9, $0xF7A;
	s5 =	simm.s32 @!p2 $0x0  }
0x1d: {  	s5 =	simm.s32 @p1 $0x1;
	p0 =	seq.s32 s7, s2  }
0x1e: {  	s7 =	smul.u32 @!p0 $0xF7A, s2;
	p2 =	seq.s32 @!p0 s5, $0x0  }
0x1f: {  	s9 =	smul.u32 $0xF7A, s1;
	s8 =	simm.s32 @!p0 $0x1BF5;
	p2 =	por !p2, p0  }
0x20: {  	[sflag:s8] =	ssyncset.s32 @!p0 $0xFFFFF086;
	s6 =	sadd.s32 @!p0 s3, s7;
	s7 =	simm.s32 @!p0 $0x108  }
0x21: {  	s3 =	sadd.s32 s3, s9;
	s6 =	sadd.s32 @!p0 $0x88, s6;
	s7 =	simm.s32 @p2 $0x1082  }
0x22: {  	[simem:s7], [sflag:s8] =	dma.local @!p0 [hbm:s6], $0xF7A  }
0x23: {  	s9 =	sor.u32 $0xD0000000, s2;
	s6 =	simm.s32 $0x108;
	_ =	swait.ge @!p0 [sflag:s8], $0x0  }
0x24: {  	s3 =	sadd.s32 $0x88, s3;
	s6 =	simm.s32 @!p1 $0x1082;
	[sflag:s4] =	ssyncset.s32 $0xFFFFF086  }
0x25: {  	[simem:s6], [sflag:s4] =	dma.local [hbm:s3], $0xF7A  }
0x26: {  	[smem:$0x3F95] =	sst s1;
	(tag) =	ssettag s2;
	_ =	strace s9  }
0x27: {  	s1 =	sld [smem:$0x3FA5]  }
0x28: {  	s2 =	sld [smem:$0x3FA6]  }
0x29: {  	s4 =	sld [smem:$0x3FA8]  }
0x2a: {  	p0 =	seq.s32 s5, $0x0;
	s5 =	sld [smem:$0x3FA9]  }
0x2b: {  	s6 =	sld [smem:$0x3FAA]  }
0x2c: {  	s7 =	sld [smem:$0x3FAB]  }
0x2d: {  	s3 =	simm.s32 $0x108;
	s8 =	sld [smem:$0x3FAC]  }
0x2e: {  	s3 =	simm.s32 @!p0 $0x1082;
	s9 =	sld [smem:$0x3FAD]  }
0x2f: {  	lr =	sadd.s32 s0, s3;
	s0 =	sld [smem:$0x3FA4]  }
0x30: {  	s3 =	sld [smem:$0x3FA7]  }
0x31: {  	[smem:$0x3FB0] =	sst s10  }
0x32: {  	s10 =	sld [smem:$0x3FAE];
	_ =	sdelay $0x3  }
0x33: {  	p0 =	seq.s32 s10, $0x1;
	s10 =	sld [smem:$0x3FB0];
	_ =	sdelay $0x3  }
0x34: {  	[smem:$0x3FB0] =	sst s10  }
0x35: {  	s10 =	sld [smem:$0x3FAF];
	_ =	sdelay $0x3  }
0x36: {  	p1 =	seq.s32 s10, $0x1;
	s10 =	sld [smem:$0x3FB0];
	_ =	sdelay $0x3  }
0x37: {  	[smem:$0x3FB0] =	sst s10  }
0x38: {  	s10 =	sld [smem:$0x3FB1]  }
0x39: {  	_ = 	snop;
	(pc) =	sbr.ind lr, $3  }
0x3a: {  	_ = 	snop  }
0x3b: {  	_ = 	snop  }
0x3c: {  	p2 =	seq.s32 s10, $0x1;
	s10 =	sld [smem:$0x3FB0]  }
0x3d: {  	_ =	shalt  }
0x3e: {  	_ =	shalt  }
0x3f: {  	_ =	shalt  }
0x40: {  	_ =	shalt  }
0x41: {  	_ =	shalt  }
0x42: {  	_ =	shalt  }
0x43: {  	_ =	shalt  }
0x44: {  	_ =	shalt  }
0x45: {  	_ =	shalt  }
0x46: {  	_ =	shalt  }
0x47: {  	_ =	shalt  }
0x48: {  	_ =	shalt  }
0x49: {  	_ =	shalt  }
0x4a: {  	_ =	shalt  }
0x4b: {  	_ =	shalt  }
0x4c: {  	_ =	shalt  }
0x4d: {  	_ =	shalt  }
0x4e: {  	_ =	shalt  }
0x4f: {  	_ =	shalt  }
0x50: {  	_ =	shalt  }
0x51: {  	_ =	shalt  }
0x52: {  	_ =	shalt  }
0x53: {  	_ =	shalt  }
0x54: {  	_ =	shalt  }
0x55: {  	_ =	shalt  }
0x56: {  	_ =	shalt  }
0x57: {  	_ =	shalt  }
0x58: {  	_ =	shalt  }
0x59: {  	_ =	shalt  }
0x5a: {  	_ =	shalt  }
0x5b: {  	_ =	shalt  }
0x5c: {  	_ =	shalt  }
0x5d: {  	_ =	shalt  }
0x5e: {  	_ =	shalt  }
0x5f: {  	_ =	shalt  }
0x60: {  	_ =	shalt  }
0x61: {  	_ =	shalt  }
0x62: {  	_ =	shalt  }
0x63: {  	_ =	shalt  }
0x64: {  	_ =	shalt  }
0x65: {  	_ =	shalt  }
0x66: {  	_ =	shalt  }
0x67: {  	_ =	shalt  }
0x68: {  	_ =	shalt  }
0x69: {  	_ =	shalt  }
0x6a: {  	_ =	shalt  }
0x6b: {  	_ =	shalt  }
0x6c: {  	_ =	shalt  }
0x6d: {  	_ =	shalt  }
0x6e: {  	_ =	shalt  }
0x6f: {  	_ =	shalt  }
0x70: {  	_ =	shalt  }
0x71: {  	_ =	shalt  }
0x72: {  	_ =	shalt  }
0x73: {  	_ =	shalt  }
0x74: {  	_ =	shalt  }
0x75: {  	_ =	shalt  }
0x76: {  	_ =	shalt  }
0x77: {  	_ =	shalt  }
0x78: {  	_ =	shalt  }
0x79: {  	_ =	shalt  }
0x7a: {  	_ =	shalt  }
0x7b: {  	_ =	shalt  }
0x7c: {  	_ =	shalt  }
0x7d: {  	_ =	shalt  }
0x7e: {  	_ =	shalt  }
0x7f: {  	_ =	shalt  }
0x80: {  	_ =	shalt  }
0x81: {  	_ =	shalt  }
0x82: {  	_ =	shalt  }
0x83: {  	_ =	shalt  }
0x84: {  	_ =	shalt  }
0x85: {  	_ =	shalt  }
0x86: {  	_ =	shalt  }
0x87: {  	_ =	shalt  }
.Lfunc_end0:
.L_simem_size_0:
called_computation.2_lowered:
.L_overlay_start_0:
0x88: {  	s2 =	sld [smem:$0x3FD9]  }
0x89: {  	s3 =	sld [smem:$0x3FFE];
	_ =	sdelay $0x1  }
0x8a: {  	s1 =	srdreg.scid  }
0x8b: {  	s0 =	sand.u32 $0x1, s1  }
0x8c: {  	s16 =	sshll.u32 s0, $0xA;
	s2 =	sadd.s32 s3, s2  }
0x8d: {  	s2 =	sadd.s32 s2, s16  }
0x8e: {  	[smem:$0x3FBC] =	sst s2  }
0x8f: {  	_ = 	snop  }
0x90: {  	(tm) =	ssettm $0x1  }
0x91: {  	s17 =	sld [smem:$0x3FFB];
	_ =	sdelay $0x3  }
0x92: {  	_ =	strace s17  }
0x93: {  	s2 =	sld [smem:$0x3FFC];
	_ =	sdelay $0x3  }
0x94: {  	_ =	strace s2  }
0x95: {  	s2 =	sld [smem:$0x3FFD];
	_ =	sdelay $0x3  }
0x96: {  	_ =	strace s2  }
0x97: {  	_ =	strace $0x8FFFFFFF  }
0x98: {  	s18 =	sld [smem:$0x3FDB];
	_ =	sdelay $0x1  }
0x99: {  	s19 =	simm.s32 $_scs_section_size  }
0x9a: {  	s4 =	simm.s32 $_size__tile_overlayer_lowered;
	s5 =	simm.s32 $_tile_overlayer_lowered  }
0x9b: {  	s22 =	simm.s32 $0x1BFF;
	s21 =	sshll.u32 s5, $0x1;
	s2 =	sadd.s32 s19, s18  }
0x9c: {  	s6 =	simm.s32 $0x0;
	s20 =	sshll.u32 s4, $0x1;
	s4 =	sadd.s32 s21, s2  }
0x9d: {  	[timem:s6], [sflag:s22] =	dma.local [hbm:s4], s20  }
0x9e: {  	_ =	swait.ge [sflag:s22], s20  }
0x9f: {  	s3 =	ssub.s32 $0x0, s20;
	[sflag:s22] =	ssyncset.done $0x0  }
0xa0: {  	[sflag:s22] =	ssyncadd.s32 s3;
	_ =	sdelay $0x1  }
0xa1: {  	s23 =	simm.s32 $0x1B8B  }
0xa2: {  	_ =	swait.ge [sflag:s23], $0x1  }
0xa3: {  	[sflag:s23] =	ssyncset.done $0x0  }
0xa4: {  	s25 =	simm.s32 $0x1B8E;
	s24 =	sld [smem:$0x3FFE];
	[sflag:s23] =	ssyncadd.s32 $0xFFFFFFFF  }
0xa5: {  	s26 =	simm.s32 $execute0_lowered;
	[smem:$0x3FD2] =	sst s25  }
0xa6: {  	s4 =	sshll.u32 s26, $0x1;
	_ =	strace $0x8000004C;
	[dreg:$0x1] =	wrdreg $0xFFFFFFFF  }
0xa7: {  	s28 =	simm.s32 $_size_execute0_lowered;
	s2 =	sadd.s32 s2, s4;
	[dreg:$0x0] =	wrdreg $0x0  }
0xa8: {  	s4 =	sshll.u32 s28, $0x1;
	[dreg:$0x2] =	wrdreg s2  }
0xa9: {  	[dreg:$0x3] =	wrdreg s4  }
0xaa: {  	[dreg:$0x4] =	wrdreg $0xC0  }
0xab: {  	_ =	task [dreg:s6], $0x5FFFF  }
0xac: {  	[dreg:$0x1] =	wrdreg $0xFFFFFFFF  }
0xad: {  	[dreg:$0x0] =	wrdreg $0x60  }
0xae: {  	[dreg:$0x2] =	wrdreg s24  }
0xaf: {  	[dreg:$0x3] =	wrdreg $0x82000  }
0xb0: {  	[dreg:$0x4] =	wrdreg $0x9  }
0xb1: {  	_ =	task.clear_ibuf [dreg:s6], $0x5FFFF;
	_ =	strace $0x9000004C  }
0xb2: {  	s29 =	simm.s32 $0x9;
	_ =	strace $0x8000004E  }
0xb3: {  	_ =	swait.ge [sflag:s29], $0x1  }
0xb4: {  	[sflag:s29] =	ssyncadd.s32 $0xFFFFFFFF  }
0xb5: {  	_ =	strace $0x9000004E  }
0xb6: {  	_ =	sfence  }
0xb7: {  	s30 =	sld [smem:$0x0];
	_ =	sdelay $0x2  }
0xb8: {  	s31 =	sshll.u32 s1, $0xD;
	s1 =	sshrl.u32 s1, $0x2  }
0xb9: {  	s3 =	sand.u32 $0x4000, s31;
	s1 =	sadd.s32 s1, s30  }
0xba: {  	s0 =	sor.u32 s3, s0;
	s1 =	sshll.u32 s1, $0x11  }
0xbb: {  	s0 =	sor.u32 s1, s0  }
0xbc: {  	s0 =	sadd.s32 $0x8F2B, s0  }
0xbd: {  	[sflag:s0] =	ssyncadd.remote.s32 $0x1  }
0xbe: {  	_ =	sfence.sel $0xFFFF  }
0xbf: {  	[dreg:$0x0] =	wrdreg $0xFFFFFFFF;
	(pc) =	sbr.abs _section_cstart, $3  }
0xc0: {  	[dreg:$0x1] =	wrdreg $0xFFFFFFFF  }
0xc1: {  	_ =	task.clear_ibuf [dreg:s6], $0x2FFFF;
	_ =	strace $0x9FFFFFFF  }
0xc2: {  	(tm) =	ssettm $0x7FFFFFFF  }
0xc3: {  	_ =	shalt  }
tec
execute0_lowered:
.L_overlay_start_1:
0x0: {  	(tag) =	ssettag $0x1  }
0x1: {  	s0 =	rddreg [dreg:$0x0]  }
0x2: {  	s1 =	rddreg [dreg:$0x1];
	s2 =	srdreg.scid;
	s3 =	simm.s32 $0x0  }
0x3: {  	s13 =	stileid.u32;
	s16 =	simm.s32 $0x3;
	s18 =	simm.s32 $0x80  }
0x4: {  	s19 =	simm.s32 $0x200;
	s20 =	simm.s32 $0x180;
	s21 =	simm.s32 $0x4200  }
0x5: {  	s22 =	simm.s32 $0x0;
	s2 =	sand.u32 $0x1, s2;
	s6 =	smul.u32 $0x13C00, s13  }
0x6: {  	[smem:$0x7FF] =	sst s3;
	s4 =	sadd.s32 $0x16A00, s0;
	s7 =	smul.u32 $0x4F, s13  }
0x7: {  	s9 =	sadd.s32 $0x2E00, s0;
	s10 =	sadd.s32 $0xCC00, s0;
	s8 =	smul.u32 $0x4F000, s13  }
0x8: {  	s30 =	sshll.u32 s13, $0x6;
	s5 =	smul.u32 $0x13C000, s2;
	s28 =	ssub.s32 $0x2, s2  }
0x9: {  	_ =	strace $0x8000004D;
	p0 =	seq.s32 s2, $0x0;
	s11 =	sshrl.u32 s28, $0x1  }
0xa: {  	s2 =	sadd.s32 $0x4F0, s7;
	s29 =	sshrl.u32 s8, $0x2;
	s6 =	sadd.s32 s6, s5  }
0xb: {  	s5 =	sadd.s32 $0x506A00, s0;
	s12 =	ssub.s32 s28, s11;
	s2 =	smov.u32 @p0 s7  }
0xc: {  	s15 =	sadd.s32 s29, s1;
	s6 =	sshrl.u32 s6, $0x3;
	s2 =	sshll.u32 s2, $0x4  }
0xd: {  	s12 =	smax.u32 s12, $0x1;
	s15 =	sshrl.u32 s15, $0x3;
	s0 =	sadd.s32 s6, s0  }
0xe: {  	s6 =	sor.u32 $0x1C03, s30;
	s7 =	sadd.s32 s9, s2;
	s31 =	sadd.s32 $0x10, s2  }
0xf: {  	s8 =	sadd.s32 s10, s2;
	s9 =	sadd.s32 s9, s31;
	s10 =	sadd.s32 s10, s31  }
0x10: {  	s11 =	sadd.s32 $0x3DC00, s0;
	s13 =	sadd.s32 $0x20, s7;
	s14 =	sadd.s32 $0x20, s8  }
.LBB2_1:
0x11: {  	[spmem:s15], [sflag:s6] =	dma.local [hbm:s5], $0x2780  }
0x12: {  	_ =	swait.ge [sflag:s16], $0x2780  }
0x13: {  	[sflag:s16] =	ssyncset.done $0x0  }
0x14: {  	[sflag:s16] =	ssyncadd.s32 $0xFFFFD880  }
0x15: {  	[bflag:$0x0] =	sbarrier.arrive $0xFFFF  }
0x16: {  	[tilespmem:s3], [sflag:$0x3] =	stream.linear.gather [hbm4b:s7+s3], $0x80, $0x38;
	[tilespmem:$0x1BE00] =	vst v63  }
0x17: {  	_ =	swait.ge [sflag:s16], $0x80  }
0x18: {  	[sflag:s16] =	ssyncset.done $0x0  }
0x19: {  	s0 =	simm.s32 $0x100;
	[sflag:s16] =	ssyncadd.s32 $0xFFFFFF80  }
0x1a: {  	[tilespmem:s0], [sflag:$0x3] =	stream.linear.gather [hbm4b:s8+s3], $0x80, $0x38;
	[tilespmem:$0x1BE00] =	vst v63  }
0x1b: {  	_ =	swait.ge [sflag:s16], $0x80  }
0x1c: {  	[sflag:s16] =	ssyncset.done $0x0  }
0x1d: {  	[sflag:s16] =	ssyncadd.s32 $0xFFFFFF80  }
0x1e: {  	[tilespmem:s19], [sflag:$0x1] =	stream.indirect.gather [hbm4b:s4+s18], $0x80, s3, s18, $0xb8;
	[tilespmem:$0x1BE00] =	vst v63  }
0x1f: {  	_ = 	snop  }
0x20: {  	[tilespmem:s18], [sflag:$0x3] =	stream.linear.gather [hbm4b:s9+s3], $0x80, $0x38;
	[tilespmem:$0x1BE00] =	vst v63  }
0x21: {  	_ =	swait.ge [sflag:s16], $0x80  }
0x22: {  	[sflag:s16] =	ssyncset.done $0x0  }
0x23: {  	[sflag:s16] =	ssyncadd.s32 $0xFFFFFF80  }
0x24: {  	[tilespmem:s20], [sflag:$0x3] =	stream.linear.gather [hbm4b:s10+s3], $0x80, $0x38;
	[tilespmem:$0x1BE00] =	vst v63  }
0x25: {  	_ =	swait.ge [sflag:s16], $0x80  }
0x26: {  	s26 =	sand.u32 $0x1, s3;
	[sflag:s16] =	ssyncset.done $0x0  }
0x27: {  	s23 =	sadd.s32 $0x1, s26;
	[sflag:s16] =	ssyncadd.s32 $0xFFFFFF80  }
0x28: {  	[tilespmem:s21], [sflag:$0x2] =	stream.indirect.gather [hbm4b:s4+s18], $0x80, s18, s18, $0xb8;
	[tilespmem:$0x1BE00] =	vst v63  }
0x29: {  	_ =	swait.ge [sflag:s23], $0x4000  }
0x2a: {  	s2 =	sshll.u32 s26, $0xE;
	s28 =	sshll.u32 s26, $0x7;
	[sflag:s23] =	ssyncset.done $0x0  }
0x2b: {  	s29 =	sor.u32 $0x200, s2;
	s0 =	sor.u32 $0x100, s28;
	[sflag:s23] =	ssyncadd.s32 $0xFFFFC000  }
0x2c: {  	[spmem:s1] =	stream.indirect.scatter.add.f32 [tilespmem:s29], [sflag:$0x3], $0x80, s0, s18, $0xb8;
	[tilespmem:$0x1BE00] =	vst v63  }
0x2d: {  	_ =	swait.ge [sflag:s16], $0x4000  }
0x2e: {  	p0 =	por $0x0, $0x0;
	[sflag:s16] =	ssyncset.done $0x0  }
0x2f: {  	s31 =	simm.s32 @!p0 $0x3;
	s2 =	simm.s32 @!p0 $0x0;
	[sflag:s16] =	ssyncadd.s32 $0xFFFFC000  }
0x30: {  	[tilespmem:s28], [sflag:$0x3] =	stream.linear.gather @!p0 [hbm4b:s13+s2], $0x80, $0x38;
	[tilespmem:$0x1BE00] =	vst v63  }
0x31: {  	_ =	swait.ge @!p0 [sflag:s31], $0x80  }
0x32: {  	[sflag:s31] =	ssyncset.done @!p0 $0x0  }
0x33: {  	s25 =	simm.s32 $0x1;
	s30 =	simm.s32 $0x2;
	[sflag:s31] =	ssyncadd.s32 @!p0 $0xFFFFFF80  }
0x34: {  	[tilespmem:s0], [sflag:$0x3] =	stream.linear.gather @!p0 [hbm4b:s14+s2], $0x80, $0x38;
	[tilespmem:$0x1BE00] =	vst v63  }
0x35: {  	s24 =	sadd.s32 $0x10, s14;
	s26 =	sadd.s32 $0x10, s13;
	_ =	swait.ge @!p0 [sflag:s31], $0x80  }
0x36: {  	s0 =	sand.u32 $0x1, s25;
	s2 =	simm.s32 @!p0 $0x80;
	[sflag:s31] =	ssyncset.done @!p0 $0x0  }
.LBB2_2:
0x37: {  	s17 =	sadd.s32 $0x1, s0  }
0x38: {  	[sflag:s31] =	ssyncadd.s32 @!p0 $0xFFFFFF80;
	s31 =	smov.u32 s30;
	s30 =	sadd.s32 $0x1, s30  }
0x39: {  	[tilespmem:s29], [sflag:s23] =	stream.indirect.gather @!p0 [hbm4b:s4+s2], $0x80, s28, s2, $0xb8;
	[tilespmem:$0x1BE00] =	vst v63  }
0x3a: {  	p1 =	sne.s32 s30, $0x4F;
	s23 =	smov.u32 s17;
	_ =	swait.ge [sflag:s17], $0x4000  }
0x3b: {  	s2 =	sshll.u32 s0, $0xE;
	s28 =	sshll.u32 s0, $0x7;
	[sflag:s23] =	ssyncset.done $0x0  }
0x3c: {  	s29 =	sor.u32 $0x200, s2;
	s0 =	sor.u32 $0x100, s28;
	[sflag:s23] =	ssyncadd.s32 $0xFFFFC000  }
0x3d: {  	[spmem:s1] =	stream.indirect.scatter.add.f32 [tilespmem:s29], [sflag:$0x3], $0x80, s0, s18, $0xb8;
	[tilespmem:$0x1BE00] =	vst v63  }
0x3e: {  	_ =	swait.ge [sflag:s16], $0x4000  }
0x3f: {  	p0 =	sgt.u32 s25, $0x4C;
	s25 =	smov.u32 s31;
	[sflag:s16] =	ssyncset.done $0x0  }
0x40: {  	s2 =	simm.s32 @!p0 $0x0;
	s31 =	simm.s32 @!p0 $0x3;
	[sflag:s16] =	ssyncadd.s32 $0xFFFFC000  }
0x41: {  	[tilespmem:s28], [sflag:$0x3] =	stream.linear.gather @!p0 [hbm4b:s26+s2], $0x80, $0x38;
	[tilespmem:$0x1BE00] =	vst v63  }
0x42: {  	_ =	swait.ge @!p0 [sflag:s31], $0x80  }
.Ltmp0:
0x43: {  	[sflag:s31] =	ssyncset.done @!p0 $0x0;
	(pc) =	sbr.rel @p1 .LBB2_2-.Ltmp0, $4  }
0x44: {  	[sflag:s31] =	ssyncadd.s32 @!p0 $0xFFFFFF80  }
0x45: {  	[tilespmem:s0], [sflag:$0x3] =	stream.linear.gather @!p0 [hbm4b:s24+s2], $0x80, $0x38;
	[tilespmem:$0x1BE00] =	vst v63  }
0x46: {  	s26 =	sadd.s32 $0x10, s26;
	s24 =	sadd.s32 $0x10, s24;
	_ =	swait.ge @!p0 [sflag:s31], $0x80  }
0x47: {  	s0 =	sand.u32 $0x1, s25;
	s2 =	simm.s32 @!p0 $0x80;
	[sflag:s31] =	ssyncset.done @!p0 $0x0  }
0x48: {  	s17 =	sadd.s32 $0x1, s0;
	[sflag:s31] =	ssyncadd.s32 @!p0 $0xFFFFFF80  }
0x49: {  	[tilespmem:s29], [sflag:s23] =	stream.indirect.gather @!p0 [hbm4b:s4+s2], $0x80, s28, s2, $0xb8;
	[tilespmem:$0x1BE00] =	vst v63  }
0x4a: {  	_ =	swait.ge [sflag:s17], $0x4000  }
0x4b: {  	s31 =	sshll.u32 s0, $0xE;
	s0 =	sshll.u32 s0, $0x7;
	[sflag:s17] =	ssyncset.done $0x0  }
0x4c: {  	s2 =	sor.u32 $0x200, s31;
	s23 =	sor.u32 $0x100, s0;
	[sflag:s17] =	ssyncadd.s32 $0xFFFFC000  }
0x4d: {  	[spmem:s1] =	stream.indirect.scatter.add.f32 [tilespmem:s2], [sflag:$0x3], $0x80, s23, s18, $0xb8;
	[tilespmem:$0x1BE00] =	vst v63  }
0x4e: {  	_ =	swait.ge [sflag:s16], $0x4000  }
0x4f: {  	p0 =	sgt.u32 s25, $0x4C;
	[sflag:s16] =	ssyncset.done $0x0  }
0x50: {  	s25 =	simm.s32 @!p0 $0x0;
	s28 =	simm.s32 @!p0 $0x3;
	[sflag:s16] =	ssyncadd.s32 $0xFFFFC000  }
0x51: {  	[tilespmem:s0], [sflag:$0x3] =	stream.linear.gather @!p0 [hbm4b:s26+s25], $0x80, $0x38;
	[tilespmem:$0x1BE00] =	vst v63  }
0x52: {  	_ =	swait.ge @!p0 [sflag:s28], $0x80  }
0x53: {  	[sflag:s28] =	ssyncset.done @!p0 $0x0  }
0x54: {  	[sflag:s28] =	ssyncadd.s32 @!p0 $0xFFFFFF80  }
0x55: {  	[tilespmem:s23], [sflag:$0x3] =	stream.linear.gather @!p0 [hbm4b:s24+s25], $0x80, $0x38;
	[tilespmem:$0x1BE00] =	vst v63  }
0x56: {  	_ =	swait.ge @!p0 [sflag:s28], $0x80  }
0x57: {  	[sflag:s28] =	ssyncset.done @!p0 $0x0  }
0x58: {  	s22 =	sadd.s32 $0x1, s22;
	s23 =	simm.s32 @!p0 $0x80;
	[sflag:s28] =	ssyncadd.s32 @!p0 $0xFFFFFF80  }
0x59: {  	[tilespmem:s2], [sflag:s17] =	stream.indirect.gather @!p0 [hbm4b:s4+s23], $0x80, s0, s23, $0xb8;
	[tilespmem:$0x1BE00] =	vst v63  }
0x5a: {  	p0 =	sne.s32 s22, s12  }
.Ltmp1:
0x5b: {  	[bflag:$0x0] =	sbarrier.arrive $0xFFFF;
	(pc) =	sbr.rel @p0 .LBB2_1-.Ltmp1, $4  }
0x5c: {  	[hbm:s11], [sflag:s6] =	dma.local [spmem:s15], $0x2780  }
0x5d: {  	_ =	swait.ge [sflag:s16], $0x2780  }
0x5e: {  	[sflag:s16] =	ssyncset.done $0x0  }
0x5f: {  	[sflag:s16] =	ssyncadd.s32 $0xFFFFD880  }
0x60: {  	_ =	sfence.sel $0x180000  }
0x61: {  	[bflag:$0x0] =	sbarrier.arrive $0xFFFF  }
0x62: {  	_ =	strace $0x9000004D  }
0x63: {  	s0 =	stileid.u32;
	[bflag:$0x2] =	sbarrier.arrive $0xFFFF  }
0x64: {  	p0 =	sne.s32 s0, $0x0;
	s0 =	rddreg [dreg:$0x2]  }
0x65: {  	s0 =	sadd.s32 @!p0 $0x100000, s0  }
0x66: {  	[sflag:s0] =	ssyncadd.tile.s32 @!p0 $0x1;
	_ =	shalt  }
.Lfunc_end2:
_tile_overlayer_lowered:
.L_overlay_start_2:
0x67: {  	(tag) =	ssettag $0x2  }
0x68: {  	s0 =	rddreg [dreg:$0x0];
	s2 =	stileid.u32  }
0x69: {  	s1 =	rddreg [dreg:$0x1];
	p0 =	sne.s32 s2, $0x0  }
0x6a: {  	s3 =	rddreg [dreg:$0x2];
	[bflag:$0x3] =	sbarrier.arrive $0xFFFF;
	s2 =	simm.s32 @!p0 $0x1C03  }
0x6b: {  	[timem:s3], [sflag:s2] =	dma.local @!p0 [hbm:s0], s1  }
0x6c: {  	s0 =	simm.s32 @!p0 $0x3  }
0x6d: {  	_ =	swait.ge @!p0 [sflag:s0], s1  }
0x6e: {  	s1 =	ssub.s32 @!p0 $0x0, s1;
	[sflag:s0] =	ssyncset.done @!p0 $0x0  }
0x6f: {  	[sflag:s0] =	ssyncadd.s32 @!p0 s1  }
0x70: {  	[bflag:$0x3] =	sbarrier.arrive $0xFFFF  }
0x71: {  	_ =	shalt  }

// kernel: kernel.20.cloned.1.call-start
scs
__scs_entry_jumppad:
0x0: {  	(pc) =	sbr.rel $0x88, $3  }
0x1: {  	(tag) =	ssettag $0x0;
	lr =	simm.s32 $0x1  }
0x2: {  	[smem:$0x3F95] =	sst lr;
	_ =	strace $0xD0000000  }
0x3: {  	_ = 	snop  }
0x4: {  	_ = 	snop  }
0x5: {  	_ = 	snop  }
0x6: {  	_ = 	snop  }
0x7: {  	_ = 	snop  }
__scs_overlays_trampoline_lowered:
0x8: {  	[smem:$0x3FA4] =	sst s0  }
0x9: {  	[smem:$0x3FA5] =	sst s1  }
0xa: {  	[smem:$0x3FA6] =	sst s2  }
0xb: {  	[smem:$0x3FA7] =	sst s3  }
0xc: {  	[smem:$0x3FA8] =	sst s4  }
0xd: {  	[smem:$0x3FA9] =	sst s5  }
0xe: {  	[smem:$0x3FAA] =	sst s6  }
0xf: {  	[smem:$0x3FAB] =	sst s7  }
0x10: {  	[smem:$0x3FAC] =	sst s8  }
0x11: {  	[smem:$0x3FAD] =	sst s9;
	s0 =	simm.s32 @!p0 $0x0  }
0x12: {  	s1 =	sld [smem:$0x3F93];
	s0 =	simm.s32 @p0 $0x1  }
0x13: {  	[smem:$0x3FAE] =	sst s0;
	s0 =	simm.s32 @!p1 $0x0  }
0x14: {  	s2 =	sld [smem:$0x3F92];
	s0 =	simm.s32 @p1 $0x1  }
0x15: {  	[smem:$0x3FAF] =	sst s0;
	s0 =	simm.s32 @!p2 $0x0  }
0x16: {  	s3 =	sld [smem:$0x3FDB];
	s0 =	simm.s32 @p2 $0x1  }
0x17: {  	s4 =	simm.s32 $0x1BF5;
	[smem:$0x3FB1] =	sst s0  }
0x18: {  	s0 =	sld [smem:$0x3F94];
	_ =	swait.ge [sflag:s4], $0x0  }
0x19: {  	s7 =	sld [smem:$0x3F95]  }
0x1a: {  	s8 =	sadd.s32 $0xFFFFE003, lr  }
0x1b: {  	s9 =	sadd.s32 $0xFFFFFEF7, lr;
	s5 =	simm.s32 $0xFFFFFFFF;
	p2 =	slt.u32 s8, $0xFFFFF086  }
0x1c: {  	p1 =	slt.u32 s9, $0xF7A;
	s5 =	simm.s32 @!p2 $0x0  }
0x1d: {  	s5 =	simm.s32 @p1 $0x1;
	p0 =	seq.s32 s7, s2  }
0x1e: {  	s7 =	smul.u32 @!p0 $0xF7A, s2;
	p2 =	seq.s32 @!p0 s5, $0x0  }
0x1f: {  	s9 =	smul.u32 $0xF7A, s1;
	s8 =	simm.s32 @!p0 $0x1BF5;
	p2 =	por !p2, p0  }
0x20: {  	[sflag:s8] =	ssyncset.s32 @!p0 $0xFFFFF086;
	s6 =	sadd.s32 @!p0 s3, s7;
	s7 =	simm.s32 @!p0 $0x108  }
0x21: {  	s3 =	sadd.s32 s3, s9;
	s6 =	sadd.s32 @!p0 $0x88, s6;
	s7 =	simm.s32 @p2 $0x1082  }
0x22: {  	[simem:s7], [sflag:s8] =	dma.local @!p0 [hbm:s6], $0xF7A  }
0x23: {  	s9 =	sor.u32 $0xD0000000, s2;
	s6 =	simm.s32 $0x108;
	_ =	swait.ge @!p0 [sflag:s8], $0x0  }
0x24: {  	s3 =	sadd.s32 $0x88, s3;
	s6 =	simm.s32 @!p1 $0x1082;
	[sflag:s4] =	ssyncset.s32 $0xFFFFF086  }
0x25: {  	[simem:s6], [sflag:s4] =	dma.local [hbm:s3], $0xF7A  }
0x26: {  	[smem:$0x3F95] =	sst s1;
	(tag) =	ssettag s2;
	_ =	strace s9  }
0x27: {  	s1 =	sld [smem:$0x3FA5]  }
0x28: {  	s2 =	sld [smem:$0x3FA6]  }
0x29: {  	s4 =	sld [smem:$0x3FA8]  }
0x2a: {  	p0 =	seq.s32 s5, $0x0;
	s5 =	sld [smem:$0x3FA9]  }
0x2b: {  	s6 =	sld [smem:$0x3FAA]  }
0x2c: {  	s7 =	sld [smem:$0x3FAB]  }
0x2d: {  	s3 =	simm.s32 $0x108;
	s8 =	sld [smem:$0x3FAC]  }
0x2e: {  	s3 =	simm.s32 @!p0 $0x1082;
	s9 =	sld [smem:$0x3FAD]  }
0x2f: {  	lr =	sadd.s32 s0, s3;
	s0 =	sld [smem:$0x3FA4]  }
0x30: {  	s3 =	sld [smem:$0x3FA7]  }
0x31: {  	[smem:$0x3FB0] =	sst s10  }
0x32: {  	s10 =	sld [smem:$0x3FAE];
	_ =	sdelay $0x3  }
0x33: {  	p0 =	seq.s32 s10, $0x1;
	s10 =	sld [smem:$0x3FB0];
	_ =	sdelay $0x3  }
0x34: {  	[smem:$0x3FB0] =	sst s10  }
0x35: {  	s10 =	sld [smem:$0x3FAF];
	_ =	sdelay $0x3  }
0x36: {  	p1 =	seq.s32 s10, $0x1;
	s10 =	sld [smem:$0x3FB0];
	_ =	sdelay $0x3  }
0x37: {  	[smem:$0x3FB0] =	sst s10  }
0x38: {  	s10 =	sld [smem:$0x3FB1]  }
0x39: {  	_ = 	snop;
	(pc) =	sbr.ind lr, $3  }
0x3a: {  	_ = 	snop  }
0x3b: {  	_ = 	snop  }
0x3c: {  	p2 =	seq.s32 s10, $0x1;
	s10 =	sld [smem:$0x3FB0]  }
0x3d: {  	_ =	shalt  }
0x3e: {  	_ =	shalt  }
0x3f: {  	_ =	shalt  }
0x40: {  	_ =	shalt  }
0x41: {  	_ =	shalt  }
0x42: {  	_ =	shalt  }
0x43: {  	_ =	shalt  }
0x44: {  	_ =	shalt  }
0x45: {  	_ =	shalt  }
0x46: {  	_ =	shalt  }
0x47: {  	_ =	shalt  }
0x48: {  	_ =	shalt  }
0x49: {  	_ =	shalt  }
0x4a: {  	_ =	shalt  }
0x4b: {  	_ =	shalt  }
0x4c: {  	_ =	shalt  }
0x4d: {  	_ =	shalt  }
0x4e: {  	_ =	shalt  }
0x4f: {  	_ =	shalt  }
0x50: {  	_ =	shalt  }
0x51: {  	_ =	shalt  }
0x52: {  	_ =	shalt  }
0x53: {  	_ =	shalt  }
0x54: {  	_ =	shalt  }
0x55: {  	_ =	shalt  }
0x56: {  	_ =	shalt  }
0x57: {  	_ =	shalt  }
0x58: {  	_ =	shalt  }
0x59: {  	_ =	shalt  }
0x5a: {  	_ =	shalt  }
0x5b: {  	_ =	shalt  }
0x5c: {  	_ =	shalt  }
0x5d: {  	_ =	shalt  }
0x5e: {  	_ =	shalt  }
0x5f: {  	_ =	shalt  }
0x60: {  	_ =	shalt  }
0x61: {  	_ =	shalt  }
0x62: {  	_ =	shalt  }
0x63: {  	_ =	shalt  }
0x64: {  	_ =	shalt  }
0x65: {  	_ =	shalt  }
0x66: {  	_ =	shalt  }
0x67: {  	_ =	shalt  }
0x68: {  	_ =	shalt  }
0x69: {  	_ =	shalt  }
0x6a: {  	_ =	shalt  }
0x6b: {  	_ =	shalt  }
0x6c: {  	_ =	shalt  }
0x6d: {  	_ =	shalt  }
0x6e: {  	_ =	shalt  }
0x6f: {  	_ =	shalt  }
0x70: {  	_ =	shalt  }
0x71: {  	_ =	shalt  }
0x72: {  	_ =	shalt  }
0x73: {  	_ =	shalt  }
0x74: {  	_ =	shalt  }
0x75: {  	_ =	shalt  }
0x76: {  	_ =	shalt  }
0x77: {  	_ =	shalt  }
0x78: {  	_ =	shalt  }
0x79: {  	_ =	shalt  }
0x7a: {  	_ =	shalt  }
0x7b: {  	_ =	shalt  }
0x7c: {  	_ =	shalt  }
0x7d: {  	_ =	shalt  }
0x7e: {  	_ =	shalt  }
0x7f: {  	_ =	shalt  }
0x80: {  	_ =	shalt  }
0x81: {  	_ =	shalt  }
0x82: {  	_ =	shalt  }
0x83: {  	_ =	shalt  }
0x84: {  	_ =	shalt  }
0x85: {  	_ =	shalt  }
0x86: {  	_ =	shalt  }
0x87: {  	_ =	shalt  }
.Lfunc_end0:
.L_simem_size_0:
called_computation.3_lowered:
.L_overlay_start_0:
0x88: {  	s2 =	sld [smem:$0x3FD9]  }
0x89: {  	s3 =	sld [smem:$0x3FFE];
	_ =	sdelay $0x1  }
0x8a: {  	s1 =	srdreg.scid  }
0x8b: {  	s0 =	sand.u32 $0x1, s1  }
0x8c: {  	s16 =	sshll.u32 s0, $0xA;
	s2 =	sadd.s32 s3, s2  }
0x8d: {  	s2 =	sadd.s32 s2, s16  }
0x8e: {  	[smem:$0x3FBC] =	sst s2  }
0x8f: {  	_ = 	snop  }
0x90: {  	(tm) =	ssettm $0x1  }
0x91: {  	s17 =	sld [smem:$0x3FFB];
	_ =	sdelay $0x3  }
0x92: {  	_ =	strace s17  }
0x93: {  	s2 =	sld [smem:$0x3FFC];
	_ =	sdelay $0x3  }
0x94: {  	_ =	strace s2  }
0x95: {  	s2 =	sld [smem:$0x3FFD];
	_ =	sdelay $0x3  }
0x96: {  	_ =	strace s2  }
0x97: {  	_ =	strace $0x8FFFFFFF  }
0x98: {  	s18 =	sld [smem:$0x3FDB];
	_ =	sdelay $0x1  }
0x99: {  	s19 =	simm.s32 $_scs_section_size  }
0x9a: {  	s4 =	simm.s32 $_size__tile_overlayer_lowered;
	s5 =	simm.s32 $_tile_overlayer_lowered  }
0x9b: {  	s22 =	simm.s32 $0x1BFF;
	s21 =	sshll.u32 s5, $0x1;
	s2 =	sadd.s32 s19, s18  }
0x9c: {  	s6 =	simm.s32 $0x0;
	s20 =	sshll.u32 s4, $0x1;
	s4 =	sadd.s32 s21, s2  }
0x9d: {  	[timem:s6], [sflag:s22] =	dma.local [hbm:s4], s20  }
0x9e: {  	_ =	swait.ge [sflag:s22], s20  }
0x9f: {  	s3 =	ssub.s32 $0x0, s20;
	[sflag:s22] =	ssyncset.done $0x0  }
0xa0: {  	[sflag:s22] =	ssyncadd.s32 s3;
	_ =	sdelay $0x1  }
0xa1: {  	s23 =	simm.s32 $0x1B8B  }
0xa2: {  	_ =	swait.ge [sflag:s23], $0x1  }
0xa3: {  	[sflag:s23] =	ssyncset.done $0x0  }
0xa4: {  	s25 =	simm.s32 $0x1B8E;
	s24 =	sld [smem:$0x3FFE];
	[sflag:s23] =	ssyncadd.s32 $0xFFFFFFFF  }
0xa5: {  	s26 =	simm.s32 $execute0_lowered;
	[smem:$0x3FD2] =	sst s25  }
0xa6: {  	s4 =	sshll.u32 s26, $0x1;
	_ =	strace $0x8000004F;
	[dreg:$0x1] =	wrdreg $0xFFFFFFFF  }
0xa7: {  	s28 =	simm.s32 $_size_execute0_lowered;
	s2 =	sadd.s32 s2, s4;
	[dreg:$0x0] =	wrdreg $0x0  }
0xa8: {  	s4 =	sshll.u32 s28, $0x1;
	[dreg:$0x2] =	wrdreg s2  }
0xa9: {  	[dreg:$0x3] =	wrdreg s4  }
0xaa: {  	[dreg:$0x4] =	wrdreg $0xC0  }
0xab: {  	_ =	task [dreg:s6], $0x5FFFF  }
0xac: {  	[dreg:$0x1] =	wrdreg $0xFFFFFFFF  }
0xad: {  	[dreg:$0x0] =	wrdreg $0x60  }
0xae: {  	[dreg:$0x2] =	wrdreg s24  }
0xaf: {  	[dreg:$0x3] =	wrdreg $0x82000  }
0xb0: {  	[dreg:$0x4] =	wrdreg $0x9  }
0xb1: {  	_ =	task.clear_ibuf [dreg:s6], $0x5FFFF;
	_ =	strace $0x9000004F  }
0xb2: {  	s29 =	simm.s32 $0x9;
	_ =	strace $0x80000051  }
0xb3: {  	_ =	swait.ge [sflag:s29], $0x1  }
0xb4: {  	[sflag:s29] =	ssyncadd.s32 $0xFFFFFFFF  }
0xb5: {  	_ =	strace $0x90000051  }
0xb6: {  	_ =	sfence  }
0xb7: {  	s30 =	sld [smem:$0x0];
	_ =	sdelay $0x2  }
0xb8: {  	s31 =	sshll.u32 s1, $0xD;
	s1 =	sshrl.u32 s1, $0x2  }
0xb9: {  	s3 =	sand.u32 $0x4000, s31;
	s1 =	sadd.s32 s1, s30  }
0xba: {  	s0 =	sor.u32 s3, s0;
	s1 =	sshll.u32 s1, $0x11  }
0xbb: {  	s0 =	sor.u32 s1, s0  }
0xbc: {  	s0 =	sadd.s32 $0x8F2B, s0  }
0xbd: {  	[sflag:s0] =	ssyncadd.remote.s32 $0x1  }
0xbe: {  	_ =	sfence.sel $0xFFFF  }
0xbf: {  	[dreg:$0x0] =	wrdreg $0xFFFFFFFF;
	(pc) =	sbr.abs _section_cstart, $3  }
0xc0: {  	[dreg:$0x1] =	wrdreg $0xFFFFFFFF  }
0xc1: {  	_ =	task.clear_ibuf [dreg:s6], $0x2FFFF;
	_ =	strace $0x9FFFFFFF  }
0xc2: {  	(tm) =	ssettm $0x7FFFFFFF  }
0xc3: {  	_ =	shalt  }
tec
execute0_lowered:
.L_overlay_start_1:
0x0: {  	(tag) =	ssettag $0x1  }
0x1: {  	s0 =	rddreg [dreg:$0x0]  }
0x2: {  	s1 =	rddreg [dreg:$0x1];
	s2 =	srdreg.scid;
	s3 =	simm.s32 $0x0  }
0x3: {  	s13 =	stileid.u32;
	s16 =	simm.s32 $0x3;
	s18 =	simm.s32 $0x80  }
0x4: {  	s19 =	simm.s32 $0x200;
	s20 =	simm.s32 $0x180;
	s21 =	simm.s32 $0x4200  }
0x5: {  	s22 =	simm.s32 $0x0;
	s2 =	sand.u32 $0x1, s2;
	s6 =	smul.u32 $0x13C00, s13  }
0x6: {  	[smem:$0x7FF] =	sst s3;
	s4 =	sadd.s32 $0x16A00, s0;
	s7 =	smul.u32 $0x4F, s13  }
0x7: {  	s9 =	sadd.s32 $0x2E00, s0;
	s10 =	sadd.s32 $0xCC00, s0;
	s8 =	smul.u32 $0x4F000, s13  }
0x8: {  	s30 =	sshll.u32 s13, $0x6;
	s5 =	smul.u32 $0x13C000, s2;
	s28 =	ssub.s32 $0x2, s2  }
0x9: {  	_ =	strace $0x80000050;
	p0 =	seq.s32 s2, $0x0;
	s11 =	sshrl.u32 s28, $0x1  }
0xa: {  	s2 =	sadd.s32 $0x4F0, s7;
	s29 =	sshrl.u32 s8, $0x2;
	s6 =	sadd.s32 s6, s5  }
0xb: {  	s5 =	sadd.s32 $0x506A00, s0;
	s12 =	ssub.s32 s28, s11;
	s2 =	smov.u32 @p0 s7  }
0xc: {  	s15 =	sadd.s32 s29, s1;
	s6 =	sshrl.u32 s6, $0x3;
	s2 =	sshll.u32 s2, $0x4  }
0xd: {  	s12 =	smax.u32 s12, $0x1;
	s15 =	sshrl.u32 s15, $0x3;
	s0 =	sadd.s32 s6, s0  }
0xe: {  	s6 =	sor.u32 $0x1C03, s30;
	s7 =	sadd.s32 s9, s2;
	s31 =	sadd.s32 $0x10, s2  }
0xf: {  	s8 =	sadd.s32 s10, s2;
	s9 =	sadd.s32 s9, s31;
	s10 =	sadd.s32 s10, s31  }
0x10: {  	s11 =	sadd.s32 $0x3DC00, s0;
	s13 =	sadd.s32 $0x20, s7;
	s14 =	sadd.s32 $0x20, s8  }
.LBB2_1:
0x11: {  	[spmem:s15], [sflag:s6] =	dma.local [hbm:s5], $0x2780  }
0x12: {  	_ =	swait.ge [sflag:s16], $0x2780  }
0x13: {  	[sflag:s16] =	ssyncset.done $0x0  }
0x14: {  	[sflag:s16] =	ssyncadd.s32 $0xFFFFD880  }
0x15: {  	[bflag:$0x0] =	sbarrier.arrive $0xFFFF  }
0x16: {  	[tilespmem:s3], [sflag:$0x3] =	stream.linear.gather [hbm4b:s7+s3], $0x80, $0x38;
	[tilespmem:$0x1BE00] =	vst v63  }
0x17: {  	_ =	swait.ge [sflag:s16], $0x80  }
0x18: {  	[sflag:s16] =	ssyncset.done $0x0  }
0x19: {  	s0 =	simm.s32 $0x100;
	[sflag:s16] =	ssyncadd.s32 $0xFFFFFF80  }
0x1a: {  	[tilespmem:s0], [sflag:$0x3] =	stream.linear.gather [hbm4b:s8+s3], $0x80, $0x38;
	[tilespmem:$0x1BE00] =	vst v63  }
0x1b: {  	_ =	swait.ge [sflag:s16], $0x80  }
0x1c: {  	[sflag:s16] =	ssyncset.done $0x0  }
0x1d: {  	[sflag:s16] =	ssyncadd.s32 $0xFFFFFF80  }
0x1e: {  	[tilespmem:s19], [sflag:$0x1] =	stream.indirect.gather [hbm4b:s4+s18], $0x80, s3, s18, $0xb8;
	[tilespmem:$0x1BE00] =	vst v63  }
0x1f: {  	_ = 	snop  }
0x20: {  	[tilespmem:s18], [sflag:$0x3] =	stream.linear.gather [hbm4b:s9+s3], $0x80, $0x38;
	[tilespmem:$0x1BE00] =	vst v63  }
0x21: {  	_ =	swait.ge [sflag:s16], $0x80  }
0x22: {  	[sflag:s16] =	ssyncset.done $0x0  }
0x23: {  	[sflag:s16] =	ssyncadd.s32 $0xFFFFFF80  }
0x24: {  	[tilespmem:s20], [sflag:$0x3] =	stream.linear.gather [hbm4b:s10+s3], $0x80, $0x38;
	[tilespmem:$0x1BE00] =	vst v63  }
0x25: {  	_ =	swait.ge [sflag:s16], $0x80  }
0x26: {  	s26 =	sand.u32 $0x1, s3;
	[sflag:s16] =	ssyncset.done $0x0  }
0x27: {  	s23 =	sadd.s32 $0x1, s26;
	[sflag:s16] =	ssyncadd.s32 $0xFFFFFF80  }
0x28: {  	[tilespmem:s21], [sflag:$0x2] =	stream.indirect.gather [hbm4b:s4+s18], $0x80, s18, s18, $0xb8;
	[tilespmem:$0x1BE00] =	vst v63  }
0x29: {  	_ =	swait.ge [sflag:s23], $0x4000  }
0x2a: {  	s2 =	sshll.u32 s26, $0xE;
	s28 =	sshll.u32 s26, $0x7;
	[sflag:s23] =	ssyncset.done $0x0  }
0x2b: {  	s29 =	sor.u32 $0x200, s2;
	s0 =	sor.u32 $0x100, s28;
	[sflag:s23] =	ssyncadd.s32 $0xFFFFC000  }
0x2c: {  	[spmem:s1] =	stream.indirect.scatter.add.f32 [tilespmem:s29], [sflag:$0x3], $0x80, s0, s18, $0xb8;
	[tilespmem:$0x1BE00] =	vst v63  }
0x2d: {  	_ =	swait.ge [sflag:s16], $0x4000  }
0x2e: {  	p0 =	por $0x0, $0x0;
	[sflag:s16] =	ssyncset.done $0x0  }
0x2f: {  	s31 =	simm.s32 @!p0 $0x3;
	s2 =	simm.s32 @!p0 $0x0;
	[sflag:s16] =	ssyncadd.s32 $0xFFFFC000  }
0x30: {  	[tilespmem:s28], [sflag:$0x3] =	stream.linear.gather @!p0 [hbm4b:s13+s2], $0x80, $0x38;
	[tilespmem:$0x1BE00] =	vst v63  }
0x31: {  	_ =	swait.ge @!p0 [sflag:s31], $0x80  }
0x32: {  	[sflag:s31] =	ssyncset.done @!p0 $0x0  }
0x33: {  	s25 =	simm.s32 $0x1;
	s30 =	simm.s32 $0x2;
	[sflag:s31] =	ssyncadd.s32 @!p0 $0xFFFFFF80  }
0x34: {  	[tilespmem:s0], [sflag:$0x3] =	stream.linear.gather @!p0 [hbm4b:s14+s2], $0x80, $0x38;
	[tilespmem:$0x1BE00] =	vst v63  }
0x35: {  	s24 =	sadd.s32 $0x10, s14;
	s26 =	sadd.s32 $0x10, s13;
	_ =	swait.ge @!p0 [sflag:s31], $0x80  }
0x36: {  	s0 =	sand.u32 $0x1, s25;
	s2 =	simm.s32 @!p0 $0x80;
	[sflag:s31] =	ssyncset.done @!p0 $0x0  }
.LBB2_2:
0x37: {  	s17 =	sadd.s32 $0x1, s0  }
0x38: {  	[sflag:s31] =	ssyncadd.s32 @!p0 $0xFFFFFF80;
	s31 =	smov.u32 s30;
	s30 =	sadd.s32 $0x1, s30  }
0x39: {  	[tilespmem:s29], [sflag:s23] =	stream.indirect.gather @!p0 [hbm4b:s4+s2], $0x80, s28, s2, $0xb8;
	[tilespmem:$0x1BE00] =	vst v63  }
0x3a: {  	p1 =	sne.s32 s30, $0x4F;
	s23 =	smov.u32 s17;
	_ =	swait.ge [sflag:s17], $0x4000  }
0x3b: {  	s2 =	sshll.u32 s0, $0xE;
	s28 =	sshll.u32 s0, $0x7;
	[sflag:s23] =	ssyncset.done $0x0  }
0x3c: {  	s29 =	sor.u32 $0x200, s2;
	s0 =	sor.u32 $0x100, s28;
	[sflag:s23] =	ssyncadd.s32 $0xFFFFC000  }
0x3d: {  	[spmem:s1] =	stream.indirect.scatter.add.f32 [tilespmem:s29], [sflag:$0x3], $0x80, s0, s18, $0xb8;
	[tilespmem:$0x1BE00] =	vst v63  }
0x3e: {  	_ =	swait.ge [sflag:s16], $0x4000  }
0x3f: {  	p0 =	sgt.u32 s25, $0x4C;
	s25 =	smov.u32 s31;
	[sflag:s16] =	ssyncset.done $0x0  }
0x40: {  	s2 =	simm.s32 @!p0 $0x0;
	s31 =	simm.s32 @!p0 $0x3;
	[sflag:s16] =	ssyncadd.s32 $0xFFFFC000  }
0x41: {  	[tilespmem:s28], [sflag:$0x3] =	stream.linear.gather @!p0 [hbm4b:s26+s2], $0x80, $0x38;
	[tilespmem:$0x1BE00] =	vst v63  }
0x42: {  	_ =	swait.ge @!p0 [sflag:s31], $0x80  }
.Ltmp0:
0x43: {  	[sflag:s31] =	ssyncset.done @!p0 $0x0;
	(pc) =	sbr.rel @p1 .LBB2_2-.Ltmp0, $4  }
0x44: {  	[sflag:s31] =	ssyncadd.s32 @!p0 $0xFFFFFF80  }
0x45: {  	[tilespmem:s0], [sflag:$0x3] =	stream.linear.gather @!p0 [hbm4b:s24+s2], $0x80, $0x38;
	[tilespmem:$0x1BE00] =	vst v63  }
0x46: {  	s26 =	sadd.s32 $0x10, s26;
	s24 =	sadd.s32 $0x10, s24;
	_ =	swait.ge @!p0 [sflag:s31], $0x80  }
0x47: {  	s0 =	sand.u32 $0x1, s25;
	s2 =	simm.s32 @!p0 $0x80;
	[sflag:s31] =	ssyncset.done @!p0 $0x0  }
0x48: {  	s17 =	sadd.s32 $0x1, s0;
	[sflag:s31] =	ssyncadd.s32 @!p0 $0xFFFFFF80  }
0x49: {  	[tilespmem:s29], [sflag:s23] =	stream.indirect.gather @!p0 [hbm4b:s4+s2], $0x80, s28, s2, $0xb8;
	[tilespmem:$0x1BE00] =	vst v63  }
0x4a: {  	_ =	swait.ge [sflag:s17], $0x4000  }
0x4b: {  	s31 =	sshll.u32 s0, $0xE;
	s0 =	sshll.u32 s0, $0x7;
	[sflag:s17] =	ssyncset.done $0x0  }
0x4c: {  	s2 =	sor.u32 $0x200, s31;
	s23 =	sor.u32 $0x100, s0;
	[sflag:s17] =	ssyncadd.s32 $0xFFFFC000  }
0x4d: {  	[spmem:s1] =	stream.indirect.scatter.add.f32 [tilespmem:s2], [sflag:$0x3], $0x80, s23, s18, $0xb8;
	[tilespmem:$0x1BE00] =	vst v63  }
0x4e: {  	_ =	swait.ge [sflag:s16], $0x4000  }
0x4f: {  	p0 =	sgt.u32 s25, $0x4C;
	[sflag:s16] =	ssyncset.done $0x0  }
0x50: {  	s25 =	simm.s32 @!p0 $0x0;
	s28 =	simm.s32 @!p0 $0x3;
	[sflag:s16] =	ssyncadd.s32 $0xFFFFC000  }
0x51: {  	[tilespmem:s0], [sflag:$0x3] =	stream.linear.gather @!p0 [hbm4b:s26+s25], $0x80, $0x38;
	[tilespmem:$0x1BE00] =	vst v63  }
0x52: {  	_ =	swait.ge @!p0 [sflag:s28], $0x80  }
0x53: {  	[sflag:s28] =	ssyncset.done @!p0 $0x0  }
0x54: {  	[sflag:s28] =	ssyncadd.s32 @!p0 $0xFFFFFF80  }
0x55: {  	[tilespmem:s23], [sflag:$0x3] =	stream.linear.gather @!p0 [hbm4b:s24+s25], $0x80, $0x38;
	[tilespmem:$0x1BE00] =	vst v63  }
0x56: {  	_ =	swait.ge @!p0 [sflag:s28], $0x80  }
0x57: {  	[sflag:s28] =	ssyncset.done @!p0 $0x0  }
0x58: {  	s22 =	sadd.s32 $0x1, s22;
	s23 =	simm.s32 @!p0 $0x80;
	[sflag:s28] =	ssyncadd.s32 @!p0 $0xFFFFFF80  }
0x59: {  	[tilespmem:s2], [sflag:s17] =	stream.indirect.gather @!p0 [hbm4b:s4+s23], $0x80, s0, s23, $0xb8;
	[tilespmem:$0x1BE00] =	vst v63  }
0x5a: {  	p0 =	sne.s32 s22, s12  }
.Ltmp1:
0x5b: {  	[bflag:$0x0] =	sbarrier.arrive $0xFFFF;
	(pc) =	sbr.rel @p0 .LBB2_1-.Ltmp1, $4  }
0x5c: {  	[hbm:s11], [sflag:s6] =	dma.local [spmem:s15], $0x2780  }
0x5d: {  	_ =	swait.ge [sflag:s16], $0x2780  }
0x5e: {  	[sflag:s16] =	ssyncset.done $0x0  }
0x5f: {  	[sflag:s16] =	ssyncadd.s32 $0xFFFFD880  }
0x60: {  	_ =	sfence.sel $0x180000  }
0x61: {  	[bflag:$0x0] =	sbarrier.arrive $0xFFFF  }
0x62: {  	_ =	strace $0x90000050  }
0x63: {  	s0 =	stileid.u32;
	[bflag:$0x2] =	sbarrier.arrive $0xFFFF  }
0x64: {  	p0 =	sne.s32 s0, $0x0;
	s0 =	rddreg [dreg:$0x2]  }
0x65: {  	s0 =	sadd.s32 @!p0 $0x100000, s0  }
0x66: {  	[sflag:s0] =	ssyncadd.tile.s32 @!p0 $0x1;
	_ =	shalt  }
.Lfunc_end2:
_tile_overlayer_lowered:
.L_overlay_start_2:
0x67: {  	(tag) =	ssettag $0x2  }
0x68: {  	s0 =	rddreg [dreg:$0x0];
	s2 =	stileid.u32  }
0x69: {  	s1 =	rddreg [dreg:$0x1];
	p0 =	sne.s32 s2, $0x0  }
0x6a: {  	s3 =	rddreg [dreg:$0x2];
	[bflag:$0x3] =	sbarrier.arrive $0xFFFF;
	s2 =	simm.s32 @!p0 $0x1C03  }
0x6b: {  	[timem:s3], [sflag:s2] =	dma.local @!p0 [hbm:s0], s1  }
0x6c: {  	s0 =	simm.s32 @!p0 $0x3  }
0x6d: {  	_ =	swait.ge @!p0 [sflag:s0], s1  }
0x6e: {  	s1 =	ssub.s32 @!p0 $0x0, s1;
	[sflag:s0] =	ssyncset.done @!p0 $0x0  }
0x6f: {  	[sflag:s0] =	ssyncadd.s32 @!p0 s1  }
0x70: {  	[bflag:$0x3] =	sbarrier.arrive $0xFFFF  }
0x71: {  	_ =	shalt  }

</sc_bundles>
